<compile_context>
chip_gen: v7x
topology: tpu7x:2x2x1
jax: 0.10.2.dev20260603
libtpu: 0.0.44.dev20260713+nightly
codegen_flags: <defaults>
</compile_context>

<pallas_src>
import functools

import jax
import jax.numpy as jnp
from jax import lax
from jax.experimental import pallas as pl
from jax.experimental.pallas import tpu as pltpu
from jax.experimental.pallas import tpu_sc as plsc

BATCH = 16384
EMBED_DIM = 32
NUM_ROWS = 1000000

NUM_CORES = 2
NUM_SUBCORES = 16
NW = NUM_CORES * NUM_SUBCORES
BPW = BATCH // NW
VL = 16

NSTR = BPW * EMBED_DIM // 128
FIRE = 16

MLP_BLK = 2048


RP_LANES = 16384
TILE_PITCH = 7936
PITCH = TILE_PITCH * 128


def _repack_body(x_ref, o_ref):
    o_ref[...] = x_ref[...].reshape(EMBED_DIM, RP_LANES // 128, 128)


def _repack(t):
    grid = (pl.cdiv(NUM_ROWS, RP_LANES),)
    return pl.pallas_call(
        _repack_body,
        grid=grid,
        in_specs=[pl.BlockSpec((EMBED_DIM, RP_LANES), lambda i: (0, i))],
        out_specs=pl.BlockSpec((EMBED_DIM, RP_LANES // 128, 128), lambda i: (0, i, 0)),
        out_shape=jax.ShapeDtypeStruct((EMBED_DIM, TILE_PITCH, 128), jnp.float32),
    )(t)


def _make_sc_gather():
    mesh = plsc.VectorSubcoreMesh(core_axis_name="c", subcore_axis_name="s")

    @functools.partial(
        pl.kernel,
        mesh=mesh,
        compiler_params=pltpu.CompilerParams(use_tc_tiling_on_sc=False),
        out_type=jax.ShapeDtypeStruct((EMBED_DIM, BATCH), jnp.float32),
        scratch_types=[
            pltpu.VMEM((BPW // 128, 128), jnp.int32),
            pltpu.VMEM((EMBED_DIM, BPW), jnp.float32),
            pltpu.SemaphoreType.DMA,
        ],
    )
    def gather(id_hbm, tab_hbm, out_hbm, ids_v, vals_v, sem):
        wid = lax.axis_index("s") * NUM_CORES + lax.axis_index("c")
        base = wid * BPW
        nblk = BPW // 128
        pltpu.sync_copy(id_hbm.at[wid], ids_v)

        def fire_group(t, carry):
            copies = []
            for j in range(FIRE):
                m = t * FIRE + j
                c = m // nblk
                p = m % nblk
                copies.append(pltpu.async_copy(
                    tab_hbm.at[c].at[ids_v.at[p]],
                    vals_v.at[c].at[pl.ds(p * 128, 128)], sem))
            for cp in copies:
                cp.wait()
            return carry

        lax.fori_loop(0, NSTR // FIRE, fire_group, 0)
        pltpu.sync_copy(vals_v, out_hbm.at[:, pl.ds(base, BPW)])

    return gather


_sc_gather = _make_sc_gather()


def _mlp_body(ue_t, ie_t, a0u, a0i, b0, a1, b1, a2, b2, ao, bo, out):
    h = jnp.dot(a0u[...], ue_t[...], preferred_element_type=jnp.float32)
    h = h + jnp.dot(a0i[...], ie_t[...], preferred_element_type=jnp.float32)
    h = jnp.maximum(h + b0[...], 0.0)
    h = jnp.maximum(jnp.dot(a1[...], h, preferred_element_type=jnp.float32) + b1[...], 0.0)
    h = jnp.maximum(jnp.dot(a2[...], h, preferred_element_type=jnp.float32) + b2[...], 0.0)
    out[...] = jnp.dot(ao[...], h, preferred_element_type=jnp.float32) + bo[...]


def _tc_mlp(ue_t, ie_t, A0u, A0i, b0, A1, b1, A2, b2, Ao, bo):
    grid = (BATCH // MLP_BLK,)
    full = lambda shape: pl.BlockSpec(shape, lambda i: (0,) * len(shape))
    return pl.pallas_call(
        _mlp_body,
        grid=grid,
        in_specs=[
            pl.BlockSpec((EMBED_DIM, MLP_BLK), lambda i: (0, i)),
            pl.BlockSpec((EMBED_DIM, MLP_BLK), lambda i: (0, i)),
            full(A0u.shape), full(A0i.shape), full(b0.shape),
            full(A1.shape), full(b1.shape),
            full(A2.shape), full(b2.shape),
            full(Ao.shape), full(bo.shape),
        ],
        out_specs=pl.BlockSpec((1, MLP_BLK), lambda i: (0, i)),
        out_shape=jax.ShapeDtypeStruct((1, BATCH), jnp.float32),
    )(ue_t, ie_t, A0u, A0i, b0, A1, b1, A2, b2, Ao, bo)


def kernel(user_ids, item_ids, user_emb, item_emb, W0, b0, W1, b1, W2, b2, Wo, bo):
    uid = user_ids.reshape(NW, BPW // 128, 128)
    iid = item_ids.reshape(NW, BPW // 128, 128)
    u3 = _repack(user_emb.T)
    ue_t = _sc_gather(uid, u3.reshape(EMBED_DIM, PITCH))
    i3 = _repack(item_emb.T)
    ie_t = _sc_gather(iid, i3.reshape(EMBED_DIM, PITCH))
    out = _tc_mlp(
        ue_t, ie_t,
        W0[:EMBED_DIM].T, W0[EMBED_DIM:].T, b0.reshape(-1, 1),
        W1.T, b1.reshape(-1, 1), W2.T, b2.reshape(-1, 1),
        Wo.T, bo.reshape(1, 1),
    )
    return out.reshape(BATCH)

# --- scband reference (transcript-rebuilt; emitter-appended) ---
"""Pipeline reference for scband-neural-collaborative-filtering-31318901523199 (READ-ONLY COPY).

The authoritative reference and input builder live on the scoring server;
editing this copy changes nothing except your own understanding.
"""

import jax, jax.numpy as jnp
import numpy as np

NUM_USERS = 1000000
NUM_ITEMS = 1000000
EMBED_DIM = 32
LAYERS = [64, 32, 16]
BATCH = 16384


def setup_inputs(seed: int = 0) -> dict:
    key = jax.random.key(seed)
    ks = jax.random.split(key, 16)
    user_ids = jax.random.randint(ks[0], (BATCH,), 0, NUM_USERS, dtype=jnp.int64 if jax.config.jax_enable_x64 else jnp.int32).astype(jnp.int32)
    item_ids = jax.random.randint(ks[1], (BATCH,), 0, NUM_ITEMS, dtype=jnp.int32)
    user_emb = jax.random.normal(ks[2], (NUM_USERS, EMBED_DIM), dtype=jnp.float32) * 0.1
    item_emb = jax.random.normal(ks[3], (NUM_ITEMS, EMBED_DIM), dtype=jnp.float32) * 0.1
    # MLP weights (xavier-like init): stored as [in, out]
    dims = [EMBED_DIM * 2] + LAYERS
    params = {}
    for i in range(len(LAYERS)):
        fan_in, fan_out = dims[i], dims[i + 1]
        bound = float(np.sqrt(6.0 / (fan_in + fan_out)))
        params[f"W{i}"] = jax.random.uniform(ks[4 + i], (fan_in, fan_out), dtype=jnp.float32, minval=-bound, maxval=bound)
        params[f"b{i}"] = jnp.zeros((fan_out,), dtype=jnp.float32)
    bound = float(np.sqrt(6.0 / (LAYERS[-1] + 1)))
    params["Wo"] = jax.random.uniform(ks[10], (LAYERS[-1], 1), dtype=jnp.float32, minval=-bound, maxval=bound)
    params["bo"] = jnp.zeros((1,), dtype=jnp.float32)
    return {"user_ids": user_ids, "item_ids": item_ids, "user_emb": user_emb, "item_emb": item_emb, **params}


def reference(user_ids, item_ids, user_emb, item_emb, W0, b0, W1, b1, W2, b2, Wo, bo):
    ue = jnp.take(user_emb, user_ids, axis=0)
    ie = jnp.take(item_emb, item_ids, axis=0)
    h = jnp.concatenate([ue, ie], axis=1)
    h = jax.nn.relu(h @ W0 + b0)  # dropout is identity in eval mode
    h = jax.nn.relu(h @ W1 + b1)
    h = jax.nn.relu(h @ W2 + b2)
    out = h @ Wo + bo
    return jnp.squeeze(out, axis=-1)

if __name__ == "__main__":
    import jax
    _d = setup_inputs()
    print(jax.jit(kernel)(*tuple(_d.values())))

</pallas_src>

<mosaic_0001>
#map = affine_map<(d0, d1) -> (0, 0, 0)>
#map1 = affine_map<(d0, d1) -> (0, 0)>
module attributes {stable_mosaic.version = 14 : i64} {
  func.func @gather(%arg0: i32, %arg1: i32, %arg2: memref<32x4x128xi32, #tpu.memory_space<hbm>>, %arg3: memref<32x1015808xf32, #tpu.memory_space<hbm>>, %arg4: memref<32x16384xf32, #tpu.memory_space<hbm>>, %arg5: memref<4x128xi32, #tpu.memory_space<vmem>>, %arg6: memref<32x512xf32, #tpu.memory_space<vmem>>, %arg7: memref<!tpu.dma_semaphore, #tpu.memory_space<semaphore_mem>>) attributes {dimension_semantics = [#tpu.dimension_semantics<core_parallel>, #tpu.dimension_semantics<subcore_parallel>], iteration_bounds = array<i64: 2, 16>, scalar_prefetch = 0 : i64, scratch_operands = 3 : i64, tpu.core_type = #tpu.core_type<sc_vector_subcore>, window_params = [{transform_indices = #map}, {transform_indices = #map1}, {transform_indices = #map1}]} {
    %mul3A = arith.constant 2 : i32
    %mul3A_0 = arith.muli %arg1, %mul3A : i32
    %add3A = arith.addi %mul3A_0, %arg0 : i32
    %mul3A_1 = arith.constant 512 : i32
    %mul3A_2 = arith.muli %add3A, %mul3A_1 : i32
    "tpu.region"() ({
      %run_scoped3A = tpu.sem_alloc : memref<!tpu.dma_semaphore, #tpu.memory_space<semaphore_mem>>
      %dma_start3A = arith.constant 0 : i32
      %dma_start3A_8 = arith.constant 0 : i32
      %dma_start3A_9 = tpu.memref_slice %arg2[%add3A, %dma_start3A, %dma_start3A_8] : memref<32x4x128xi32, #tpu.memory_space<hbm>> -> memref<1x4x128xi32, #tpu.memory_space<hbm>>
      %dma_start3A_10 = tpu.memref_squeeze %dma_start3A_9 : memref<1x4x128xi32, #tpu.memory_space<hbm>> -> memref<4x128xi32, #tpu.memory_space<hbm>>
      %dma_start3A_11 = arith.constant 0 : i32
      %dma_start3A_12 = arith.constant 0 : i32
      %dma_start3A_13 = tpu.memref_slice %arg2[%add3A, %dma_start3A_11, %dma_start3A_12] : memref<32x4x128xi32, #tpu.memory_space<hbm>> -> memref<1x4x128xi32, #tpu.memory_space<hbm>>
      %dma_start3A_14 = tpu.memref_squeeze %dma_start3A_13 : memref<1x4x128xi32, #tpu.memory_space<hbm>> -> memref<4x128xi32, #tpu.memory_space<hbm>>
      tpu.enqueue_dma source(%dma_start3A_14 : memref<4x128xi32, #tpu.memory_space<hbm>>) target(%arg5 : memref<4x128xi32, #tpu.memory_space<vmem>>) target_semaphore(%run_scoped3A : memref<!tpu.dma_semaphore, #tpu.memory_space<semaphore_mem>>)
      %dma_wait3A = arith.constant 0 : i32
      %dma_wait3A_15 = arith.constant 0 : i32
      %dma_wait3A_16 = tpu.memref_slice %arg2[%add3A, %dma_wait3A, %dma_wait3A_15] : memref<32x4x128xi32, #tpu.memory_space<hbm>> -> memref<1x4x128xi32, #tpu.memory_space<hbm>>
      %dma_wait3A_17 = tpu.memref_squeeze %dma_wait3A_16 : memref<1x4x128xi32, #tpu.memory_space<hbm>> -> memref<4x128xi32, #tpu.memory_space<hbm>>
      %dma_wait3A_18 = arith.constant 0 : i32
      %dma_wait3A_19 = arith.constant 0 : i32
      %dma_wait3A_20 = tpu.memref_slice %arg2[%add3A, %dma_wait3A_18, %dma_wait3A_19] : memref<32x4x128xi32, #tpu.memory_space<hbm>> -> memref<1x4x128xi32, #tpu.memory_space<hbm>>
      %dma_wait3A_21 = tpu.memref_squeeze %dma_wait3A_20 : memref<1x4x128xi32, #tpu.memory_space<hbm>> -> memref<4x128xi32, #tpu.memory_space<hbm>>
      tpu.wait_dma2 semaphore(%run_scoped3A : memref<!tpu.dma_semaphore, #tpu.memory_space<semaphore_mem>>) src(%dma_wait3A_21 : memref<4x128xi32, #tpu.memory_space<hbm>>) dst(%arg5 : memref<4x128xi32, #tpu.memory_space<vmem>>)
      tpu.yield
    }) : () -> ()
    %scan3A = arith.constant 0 : i32
    %scan3A_3 = arith.constant 0 : i32
    %scan3A_4 = arith.constant 8 : i32
    %scan3A_5 = arith.addi %scan3A_3, %scan3A_4 : i32
    %scan3A_6 = arith.constant 1 : i32
    scf.for %scan3A_8 = %scan3A_3 to %scan3A_5 step %scan3A_6  : i32 {
      %mul3A_9 = arith.constant 16 : i32
      %mul3A_10 = arith.muli %scan3A_8, %mul3A_9 : i32
      %add3A_11 = arith.constant 0 : i32
      %add3A_12 = arith.addi %mul3A_10, %add3A_11 : i32
      %jit3A = arith.constant 4 : i32
      %div3A = arith.divsi %add3A_12, %jit3A : i32
      %sign3A = arith.constant 0 : i32
      %sign3A_13 = arith.cmpi sgt, %add3A_12, %sign3A : i32
      %sign3A_14 = arith.extui %sign3A_13 : i1 to i32
      %sign3A_15 = arith.constant 0 : i32
      %sign3A_16 = arith.cmpi slt, %add3A_12, %sign3A_15 : i32
      %sign3A_17 = arith.extui %sign3A_16 : i1 to i32
      %sign3A_18 = arith.subi %sign3A_14, %sign3A_17 : i32
      %sign3A_19 = arith.constant 0 : i32
      %sign3A_20 = arith.cmpi sgt, %jit3A, %sign3A_19 : i32
      %sign3A_21 = arith.extui %sign3A_20 : i1 to i32
      %sign3A_22 = arith.constant 0 : i32
      %sign3A_23 = arith.cmpi slt, %jit3A, %sign3A_22 : i32
      %sign3A_24 = arith.extui %sign3A_23 : i1 to i32
      %sign3A_25 = arith.subi %sign3A_21, %sign3A_24 : i32
      %ne3A = arith.cmpi ne, %sign3A_18, %sign3A_25 : i32
      %rem3A = arith.remsi %add3A_12, %jit3A : i32
      %ne3A_26 = arith.constant 0 : i32
      %ne3A_27 = arith.cmpi ne, %rem3A, %ne3A_26 : i32
      %and3A = arith.andi %ne3A, %ne3A_27 : i1
      %sub3A = arith.constant 1 : i32
      %sub3A_28 = arith.subi %div3A, %sub3A : i32
      %select_n3A = arith.select %and3A, %sub3A_28, %div3A : i32
      %jit3A_29 = arith.constant 4 : i32
      %eq3A = arith.constant 0 : i32
      %eq3A_30 = arith.cmpi eq, %jit3A_29, %eq3A : i32
      %jit3A_31 = arith.constant 1 : i32
      %select_n3A_32 = arith.select %eq3A_30, %jit3A_31, %jit3A_29 : i32
      %rem3A_33 = arith.remsi %add3A_12, %select_n3A_32 : i32
      %ne3A_34 = arith.constant 0 : i32
      %ne3A_35 = arith.cmpi ne, %rem3A_33, %ne3A_34 : i32
      %lt3A = arith.constant 0 : i32
      %lt3A_36 = arith.cmpi slt, %rem3A_33, %lt3A : i32
      %lt3A_37 = arith.constant 0 : i32
      %lt3A_38 = arith.cmpi slt, %select_n3A_32, %lt3A_37 : i32
      %ne3A_39 = arith.xori %lt3A_36, %lt3A_38 : i1
      %and3A_40 = arith.andi %ne3A_39, %ne3A_35 : i1
      %add3A_41 = arith.addi %rem3A_33, %select_n3A_32 : i32
      %select_n3A_42 = arith.select %and3A_40, %add3A_41, %rem3A_33 : i32
      %mul3A_43 = arith.constant 128 : i32
      %mul3A_44 = arith.muli %select_n3A_42, %mul3A_43 : i32
      %dma_start3A = arith.constant 0 : i32
      %dma_start3A_45 = tpu.memref_slice %arg6[%select_n3A, %dma_start3A] : memref<32x512xf32, #tpu.memory_space<vmem>> -> memref<1x512xf32, #tpu.memory_space<vmem>>
      %dma_start3A_46 = tpu.memref_squeeze %dma_start3A_45 : memref<1x512xf32, #tpu.memory_space<vmem>> -> memref<512xf32, #tpu.memory_space<vmem>>
      %dma_start3A_47 = tpu.memref_slice %dma_start3A_46[%mul3A_44] : memref<512xf32, #tpu.memory_space<vmem>> -> memref<128xf32, #tpu.memory_space<vmem>>
      %dma_start3A_48 = arith.constant 0 : i32
      %dma_start3A_49 = tpu.memref_slice %arg5[%select_n3A_42, %dma_start3A_48] : memref<4x128xi32, #tpu.memory_space<vmem>> -> memref<1x128xi32, #tpu.memory_space<vmem>>
      %dma_start3A_50 = tpu.memref_squeeze %dma_start3A_49 : memref<1x128xi32, #tpu.memory_space<vmem>> -> memref<128xi32, #tpu.memory_space<vmem>>
      %dma_start3A_51 = arith.constant 0 : i32
      %dma_start3A_52 = tpu.memref_slice %arg3[%select_n3A, %dma_start3A_51] : memref<32x1015808xf32, #tpu.memory_space<hbm>> -> memref<1x1015808xf32, #tpu.memory_space<hbm>>
      %dma_start3A_53 = tpu.memref_squeeze %dma_start3A_52 : memref<1x1015808xf32, #tpu.memory_space<hbm>> -> memref<1015808xf32, #tpu.memory_space<hbm>>
      %dma_start3A_54 = arith.constant 0 : i32
      %dma_start3A_55 = tpu.memref_slice %dma_start3A_53[%dma_start3A_54] : memref<1015808xf32, #tpu.memory_space<hbm>> -> memref<1015808xf32, #tpu.memory_space<hbm>>
      tpu.enqueue_indirect_dma source(%dma_start3A_55 : memref<1015808xf32, #tpu.memory_space<hbm>>) target(%dma_start3A_47 : memref<128xf32, #tpu.memory_space<vmem>>) offsets(%dma_start3A_50 : memref<128xi32, #tpu.memory_space<vmem>>) semaphore(%arg7 : memref<!tpu.dma_semaphore, #tpu.memory_space<semaphore_mem>>)
      %mul3A_56 = arith.constant 16 : i32
      %mul3A_57 = arith.muli %scan3A_8, %mul3A_56 : i32
      %add3A_58 = arith.constant 1 : i32
      %add3A_59 = arith.addi %mul3A_57, %add3A_58 : i32
      %jit3A_60 = arith.constant 4 : i32
      %div3A_61 = arith.divsi %add3A_59, %jit3A_60 : i32
      %sign3A_62 = arith.constant 0 : i32
      %sign3A_63 = arith.cmpi sgt, %add3A_59, %sign3A_62 : i32
      %sign3A_64 = arith.extui %sign3A_63 : i1 to i32
      %sign3A_65 = arith.constant 0 : i32
      %sign3A_66 = arith.cmpi slt, %add3A_59, %sign3A_65 : i32
      %sign3A_67 = arith.extui %sign3A_66 : i1 to i32
      %sign3A_68 = arith.subi %sign3A_64, %sign3A_67 : i32
      %sign3A_69 = arith.constant 0 : i32
      %sign3A_70 = arith.cmpi sgt, %jit3A_60, %sign3A_69 : i32
      %sign3A_71 = arith.extui %sign3A_70 : i1 to i32
      %sign3A_72 = arith.constant 0 : i32
      %sign3A_73 = arith.cmpi slt, %jit3A_60, %sign3A_72 : i32
      %sign3A_74 = arith.extui %sign3A_73 : i1 to i32
      %sign3A_75 = arith.subi %sign3A_71, %sign3A_74 : i32
      %ne3A_76 = arith.cmpi ne, %sign3A_68, %sign3A_75 : i32
      %rem3A_77 = arith.remsi %add3A_59, %jit3A_60 : i32
      %ne3A_78 = arith.constant 0 : i32
      %ne3A_79 = arith.cmpi ne, %rem3A_77, %ne3A_78 : i32
      %and3A_80 = arith.andi %ne3A_76, %ne3A_79 : i1
      %sub3A_81 = arith.constant 1 : i32
      %sub3A_82 = arith.subi %div3A_61, %sub3A_81 : i32
      %select_n3A_83 = arith.select %and3A_80, %sub3A_82, %div3A_61 : i32
      %jit3A_84 = arith.constant 4 : i32
      %eq3A_85 = arith.constant 0 : i32
      %eq3A_86 = arith.cmpi eq, %jit3A_84, %eq3A_85 : i32
      %jit3A_87 = arith.constant 1 : i32
      %select_n3A_88 = arith.select %eq3A_86, %jit3A_87, %jit3A_84 : i32
      %rem3A_89 = arith.remsi %add3A_59, %select_n3A_88 : i32
      %ne3A_90 = arith.constant 0 : i32
      %ne3A_91 = arith.cmpi ne, %rem3A_89, %ne3A_90 : i32
      %lt3A_92 = arith.constant 0 : i32
      %lt3A_93 = arith.cmpi slt, %rem3A_89, %lt3A_92 : i32
      %lt3A_94 = arith.constant 0 : i32
      %lt3A_95 = arith.cmpi slt, %select_n3A_88, %lt3A_94 : i32
      %ne3A_96 = arith.xori %lt3A_93, %lt3A_95 : i1
      %and3A_97 = arith.andi %ne3A_96, %ne3A_91 : i1
      %add3A_98 = arith.addi %rem3A_89, %select_n3A_88 : i32
      %select_n3A_99 = arith.select %and3A_97, %add3A_98, %rem3A_89 : i32
      %mul3A_100 = arith.constant 128 : i32
      %mul3A_101 = arith.muli %select_n3A_99, %mul3A_100 : i32
      %dma_start3A_102 = arith.constant 0 : i32
      %dma_start3A_103 = tpu.memref_slice %arg6[%select_n3A_83, %dma_start3A_102] : memref<32x512xf32, #tpu.memory_space<vmem>> -> memref<1x512xf32, #tpu.memory_space<vmem>>
      %dma_start3A_104 = tpu.memref_squeeze %dma_start3A_103 : memref<1x512xf32, #tpu.memory_space<vmem>> -> memref<512xf32, #tpu.memory_space<vmem>>
      %dma_start3A_105 = tpu.memref_slice %dma_start3A_104[%mul3A_101] : memref<512xf32, #tpu.memory_space<vmem>> -> memref<128xf32, #tpu.memory_space<vmem>>
      %dma_start3A_106 = arith.constant 0 : i32
      %dma_start3A_107 = tpu.memref_slice %arg5[%select_n3A_99, %dma_start3A_106] : memref<4x128xi32, #tpu.memory_space<vmem>> -> memref<1x128xi32, #tpu.memory_space<vmem>>
      %dma_start3A_108 = tpu.memref_squeeze %dma_start3A_107 : memref<1x128xi32, #tpu.memory_space<vmem>> -> memref<128xi32, #tpu.memory_space<vmem>>
      %dma_start3A_109 = arith.constant 0 : i32
      %dma_start3A_110 = tpu.memref_slice %arg3[%select_n3A_83, %dma_start3A_109] : memref<32x1015808xf32, #tpu.memory_space<hbm>> -> memref<1x1015808xf32, #tpu.memory_space<hbm>>
      %dma_start3A_111 = tpu.memref_squeeze %dma_start3A_110 : memref<1x1015808xf32, #tpu.memory_space<hbm>> -> memref<1015808xf32, #tpu.memory_space<hbm>>
      %dma_start3A_112 = arith.constant 0 : i32
      %dma_start3A_113 = tpu.memref_slice %dma_start3A_111[%dma_start3A_112] : memref<1015808xf32, #tpu.memory_space<hbm>> -> memref<1015808xf32, #tpu.memory_space<hbm>>
      tpu.enqueue_indirect_dma source(%dma_start3A_113 : memref<1015808xf32, #tpu.memory_space<hbm>>) target(%dma_start3A_105 : memref<128xf32, #tpu.memory_space<vmem>>) offsets(%dma_start3A_108 : memref<128xi32, #tpu.memory_space<vmem>>) semaphore(%arg7 : memref<!tpu.dma_semaphore, #tpu.memory_space<semaphore_mem>>)
      %mul3A_114 = arith.constant 16 : i32
      %mul3A_115 = arith.muli %scan3A_8, %mul3A_114 : i32
      %add3A_116 = arith.constant 2 : i32
      %add3A_117 = arith.addi %mul3A_115, %add3A_116 : i32
      %jit3A_118 = arith.constant 4 : i32
      %div3A_119 = arith.divsi %add3A_117, %jit3A_118 : i32
      %sign3A_120 = arith.constant 0 : i32
      %sign3A_121 = arith.cmpi sgt, %add3A_117, %sign3A_120 : i32
      %sign3A_122 = arith.extui %sign3A_121 : i1 to i32
      %sign3A_123 = arith.constant 0 : i32
      %sign3A_124 = arith.cmpi slt, %add3A_117, %sign3A_123 : i32
      %sign3A_125 = arith.extui %sign3A_124 : i1 to i32
      %sign3A_126 = arith.subi %sign3A_122, %sign3A_125 : i32
      %sign3A_127 = arith.constant 0 : i32
      %sign3A_128 = arith.cmpi sgt, %jit3A_118, %sign3A_127 : i32
      %sign3A_129 = arith.extui %sign3A_128 : i1 to i32
      %sign3A_130 = arith.constant 0 : i32
      %sign3A_131 = arith.cmpi slt, %jit3A_118, %sign3A_130 : i32
      %sign3A_132 = arith.extui %sign3A_131 : i1 to i32
      %sign3A_133 = arith.subi %sign3A_129, %sign3A_132 : i32
      %ne3A_134 = arith.cmpi ne, %sign3A_126, %sign3A_133 : i32
      %rem3A_135 = arith.remsi %add3A_117, %jit3A_118 : i32
      %ne3A_136 = arith.constant 0 : i32
      %ne3A_137 = arith.cmpi ne, %rem3A_135, %ne3A_136 : i32
      %and3A_138 = arith.andi %ne3A_134, %ne3A_137 : i1
      %sub3A_139 = arith.constant 1 : i32
      %sub3A_140 = arith.subi %div3A_119, %sub3A_139 : i32
      %select_n3A_141 = arith.select %and3A_138, %sub3A_140, %div3A_119 : i32
      %jit3A_142 = arith.constant 4 : i32
      %eq3A_143 = arith.constant 0 : i32
      %eq3A_144 = arith.cmpi eq, %jit3A_142, %eq3A_143 : i32
      %jit3A_145 = arith.constant 1 : i32
      %select_n3A_146 = arith.select %eq3A_144, %jit3A_145, %jit3A_142 : i32
      %rem3A_147 = arith.remsi %add3A_117, %select_n3A_146 : i32
      %ne3A_148 = arith.constant 0 : i32
      %ne3A_149 = arith.cmpi ne, %rem3A_147, %ne3A_148 : i32
      %lt3A_150 = arith.constant 0 : i32
      %lt3A_151 = arith.cmpi slt, %rem3A_147, %lt3A_150 : i32
      %lt3A_152 = arith.constant 0 : i32
      %lt3A_153 = arith.cmpi slt, %select_n3A_146, %lt3A_152 : i32
      %ne3A_154 = arith.xori %lt3A_151, %lt3A_153 : i1
      %and3A_155 = arith.andi %ne3A_154, %ne3A_149 : i1
      %add3A_156 = arith.addi %rem3A_147, %select_n3A_146 : i32
      %select_n3A_157 = arith.select %and3A_155, %add3A_156, %rem3A_147 : i32
      %mul3A_158 = arith.constant 128 : i32
      %mul3A_159 = arith.muli %select_n3A_157, %mul3A_158 : i32
      %dma_start3A_160 = arith.constant 0 : i32
      %dma_start3A_161 = tpu.memref_slice %arg6[%select_n3A_141, %dma_start3A_160] : memref<32x512xf32, #tpu.memory_space<vmem>> -> memref<1x512xf32, #tpu.memory_space<vmem>>
      %dma_start3A_162 = tpu.memref_squeeze %dma_start3A_161 : memref<1x512xf32, #tpu.memory_space<vmem>> -> memref<512xf32, #tpu.memory_space<vmem>>
      %dma_start3A_163 = tpu.memref_slice %dma_start3A_162[%mul3A_159] : memref<512xf32, #tpu.memory_space<vmem>> -> memref<128xf32, #tpu.memory_space<vmem>>
      %dma_start3A_164 = arith.constant 0 : i32
      %dma_start3A_165 = tpu.memref_slice %arg5[%select_n3A_157, %dma_start3A_164] : memref<4x128xi32, #tpu.memory_space<vmem>> -> memref<1x128xi32, #tpu.memory_space<vmem>>
      %dma_start3A_166 = tpu.memref_squeeze %dma_start3A_165 : memref<1x128xi32, #tpu.memory_space<vmem>> -> memref<128xi32, #tpu.memory_space<vmem>>
      %dma_start3A_167 = arith.constant 0 : i32
      %dma_start3A_168 = tpu.memref_slice %arg3[%select_n3A_141, %dma_start3A_167] : memref<32x1015808xf32, #tpu.memory_space<hbm>> -> memref<1x1015808xf32, #tpu.memory_space<hbm>>
      %dma_start3A_169 = tpu.memref_squeeze %dma_start3A_168 : memref<1x1015808xf32, #tpu.memory_space<hbm>> -> memref<1015808xf32, #tpu.memory_space<hbm>>
      %dma_start3A_170 = arith.constant 0 : i32
      %dma_start3A_171 = tpu.memref_slice %dma_start3A_169[%dma_start3A_170] : memref<1015808xf32, #tpu.memory_space<hbm>> -> memref<1015808xf32, #tpu.memory_space<hbm>>
      tpu.enqueue_indirect_dma source(%dma_start3A_171 : memref<1015808xf32, #tpu.memory_space<hbm>>) target(%dma_start3A_163 : memref<128xf32, #tpu.memory_space<vmem>>) offsets(%dma_start3A_166 : memref<128xi32, #tpu.memory_space<vmem>>) semaphore(%arg7 : memref<!tpu.dma_semaphore, #tpu.memory_space<semaphore_mem>>)
      %mul3A_172 = arith.constant 16 : i32
      %mul3A_173 = arith.muli %scan3A_8, %mul3A_172 : i32
      %add3A_174 = arith.constant 3 : i32
      %add3A_175 = arith.addi %mul3A_173, %add3A_174 : i32
      %jit3A_176 = arith.constant 4 : i32
      %div3A_177 = arith.divsi %add3A_175, %jit3A_176 : i32
      %sign3A_178 = arith.constant 0 : i32
      %sign3A_179 = arith.cmpi sgt, %add3A_175, %sign3A_178 : i32
      %sign3A_180 = arith.extui %sign3A_179 : i1 to i32
      %sign3A_181 = arith.constant 0 : i32
      %sign3A_182 = arith.cmpi slt, %add3A_175, %sign3A_181 : i32
      %sign3A_183 = arith.extui %sign3A_182 : i1 to i32
      %sign3A_184 = arith.subi %sign3A_180, %sign3A_183 : i32
      %sign3A_185 = arith.constant 0 : i32
      %sign3A_186 = arith.cmpi sgt, %jit3A_176, %sign3A_185 : i32
      %sign3A_187 = arith.extui %sign3A_186 : i1 to i32
      %sign3A_188 = arith.constant 0 : i32
      %sign3A_189 = arith.cmpi slt, %jit3A_176, %sign3A_188 : i32
      %sign3A_190 = arith.extui %sign3A_189 : i1 to i32
      %sign3A_191 = arith.subi %sign3A_187, %sign3A_190 : i32
      %ne3A_192 = arith.cmpi ne, %sign3A_184, %sign3A_191 : i32
      %rem3A_193 = arith.remsi %add3A_175, %jit3A_176 : i32
      %ne3A_194 = arith.constant 0 : i32
      %ne3A_195 = arith.cmpi ne, %rem3A_193, %ne3A_194 : i32
      %and3A_196 = arith.andi %ne3A_192, %ne3A_195 : i1
      %sub3A_197 = arith.constant 1 : i32
      %sub3A_198 = arith.subi %div3A_177, %sub3A_197 : i32
      %select_n3A_199 = arith.select %and3A_196, %sub3A_198, %div3A_177 : i32
      %jit3A_200 = arith.constant 4 : i32
      %eq3A_201 = arith.constant 0 : i32
      %eq3A_202 = arith.cmpi eq, %jit3A_200, %eq3A_201 : i32
      %jit3A_203 = arith.constant 1 : i32
      %select_n3A_204 = arith.select %eq3A_202, %jit3A_203, %jit3A_200 : i32
      %rem3A_205 = arith.remsi %add3A_175, %select_n3A_204 : i32
      %ne3A_206 = arith.constant 0 : i32
      %ne3A_207 = arith.cmpi ne, %rem3A_205, %ne3A_206 : i32
      %lt3A_208 = arith.constant 0 : i32
      %lt3A_209 = arith.cmpi slt, %rem3A_205, %lt3A_208 : i32
      %lt3A_210 = arith.constant 0 : i32
      %lt3A_211 = arith.cmpi slt, %select_n3A_204, %lt3A_210 : i32
      %ne3A_212 = arith.xori %lt3A_209, %lt3A_211 : i1
      %and3A_213 = arith.andi %ne3A_212, %ne3A_207 : i1
      %add3A_214 = arith.addi %rem3A_205, %select_n3A_204 : i32
      %select_n3A_215 = arith.select %and3A_213, %add3A_214, %rem3A_205 : i32
      %mul3A_216 = arith.constant 128 : i32
      %mul3A_217 = arith.muli %select_n3A_215, %mul3A_216 : i32
      %dma_start3A_218 = arith.constant 0 : i32
      %dma_start3A_219 = tpu.memref_slice %arg6[%select_n3A_199, %dma_start3A_218] : memref<32x512xf32, #tpu.memory_space<vmem>> -> memref<1x512xf32, #tpu.memory_space<vmem>>
      %dma_start3A_220 = tpu.memref_squeeze %dma_start3A_219 : memref<1x512xf32, #tpu.memory_space<vmem>> -> memref<512xf32, #tpu.memory_space<vmem>>
      %dma_start3A_221 = tpu.memref_slice %dma_start3A_220[%mul3A_217] : memref<512xf32, #tpu.memory_space<vmem>> -> memref<128xf32, #tpu.memory_space<vmem>>
      %dma_start3A_222 = arith.constant 0 : i32
      %dma_start3A_223 = tpu.memref_slice %arg5[%select_n3A_215, %dma_start3A_222] : memref<4x128xi32, #tpu.memory_space<vmem>> -> memref<1x128xi32, #tpu.memory_space<vmem>>
      %dma_start3A_224 = tpu.memref_squeeze %dma_start3A_223 : memref<1x128xi32, #tpu.memory_space<vmem>> -> memref<128xi32, #tpu.memory_space<vmem>>
      %dma_start3A_225 = arith.constant 0 : i32
      %dma_start3A_226 = tpu.memref_slice %arg3[%select_n3A_199, %dma_start3A_225] : memref<32x1015808xf32, #tpu.memory_space<hbm>> -> memref<1x1015808xf32, #tpu.memory_space<hbm>>
      %dma_start3A_227 = tpu.memref_squeeze %dma_start3A_226 : memref<1x1015808xf32, #tpu.memory_space<hbm>> -> memref<1015808xf32, #tpu.memory_space<hbm>>
      %dma_start3A_228 = arith.constant 0 : i32
      %dma_start3A_229 = tpu.memref_slice %dma_start3A_227[%dma_start3A_228] : memref<1015808xf32, #tpu.memory_space<hbm>> -> memref<1015808xf32, #tpu.memory_space<hbm>>
      tpu.enqueue_indirect_dma source(%dma_start3A_229 : memref<1015808xf32, #tpu.memory_space<hbm>>) target(%dma_start3A_221 : memref<128xf32, #tpu.memory_space<vmem>>) offsets(%dma_start3A_224 : memref<128xi32, #tpu.memory_space<vmem>>) semaphore(%arg7 : memref<!tpu.dma_semaphore, #tpu.memory_space<semaphore_mem>>)
      %mul3A_230 = arith.constant 16 : i32
      %mul3A_231 = arith.muli %scan3A_8, %mul3A_230 : i32
      %add3A_232 = arith.constant 4 : i32
      %add3A_233 = arith.addi %mul3A_231, %add3A_232 : i32
      %jit3A_234 = arith.constant 4 : i32
      %div3A_235 = arith.divsi %add3A_233, %jit3A_234 : i32
      %sign3A_236 = arith.constant 0 : i32
      %sign3A_237 = arith.cmpi sgt, %add3A_233, %sign3A_236 : i32
      %sign3A_238 = arith.extui %sign3A_237 : i1 to i32
      %sign3A_239 = arith.constant 0 : i32
      %sign3A_240 = arith.cmpi slt, %add3A_233, %sign3A_239 : i32
      %sign3A_241 = arith.extui %sign3A_240 : i1 to i32
      %sign3A_242 = arith.subi %sign3A_238, %sign3A_241 : i32
      %sign3A_243 = arith.constant 0 : i32
      %sign3A_244 = arith.cmpi sgt, %jit3A_234, %sign3A_243 : i32
      %sign3A_245 = arith.extui %sign3A_244 : i1 to i32
      %sign3A_246 = arith.constant 0 : i32
      %sign3A_247 = arith.cmpi slt, %jit3A_234, %sign3A_246 : i32
      %sign3A_248 = arith.extui %sign3A_247 : i1 to i32
      %sign3A_249 = arith.subi %sign3A_245, %sign3A_248 : i32
      %ne3A_250 = arith.cmpi ne, %sign3A_242, %sign3A_249 : i32
      %rem3A_251 = arith.remsi %add3A_233, %jit3A_234 : i32
      %ne3A_252 = arith.constant 0 : i32
      %ne3A_253 = arith.cmpi ne, %rem3A_251, %ne3A_252 : i32
      %and3A_254 = arith.andi %ne3A_250, %ne3A_253 : i1
      %sub3A_255 = arith.constant 1 : i32
      %sub3A_256 = arith.subi %div3A_235, %sub3A_255 : i32
      %select_n3A_257 = arith.select %and3A_254, %sub3A_256, %div3A_235 : i32
      %jit3A_258 = arith.constant 4 : i32
      %eq3A_259 = arith.constant 0 : i32
      %eq3A_260 = arith.cmpi eq, %jit3A_258, %eq3A_259 : i32
      %jit3A_261 = arith.constant 1 : i32
      %select_n3A_262 = arith.select %eq3A_260, %jit3A_261, %jit3A_258 : i32
      %rem3A_263 = arith.remsi %add3A_233, %select_n3A_262 : i32
      %ne3A_264 = arith.constant 0 : i32
      %ne3A_265 = arith.cmpi ne, %rem3A_263, %ne3A_264 : i32
      %lt3A_266 = arith.constant 0 : i32
      %lt3A_267 = arith.cmpi slt, %rem3A_263, %lt3A_266 : i32
      %lt3A_268 = arith.constant 0 : i32
      %lt3A_269 = arith.cmpi slt, %select_n3A_262, %lt3A_268 : i32
      %ne3A_270 = arith.xori %lt3A_267, %lt3A_269 : i1
      %and3A_271 = arith.andi %ne3A_270, %ne3A_265 : i1
      %add3A_272 = arith.addi %rem3A_263, %select_n3A_262 : i32
      %select_n3A_273 = arith.select %and3A_271, %add3A_272, %rem3A_263 : i32
      %mul3A_274 = arith.constant 128 : i32
      %mul3A_275 = arith.muli %select_n3A_273, %mul3A_274 : i32
      %dma_start3A_276 = arith.constant 0 : i32
      %dma_start3A_277 = tpu.memref_slice %arg6[%select_n3A_257, %dma_start3A_276] : memref<32x512xf32, #tpu.memory_space<vmem>> -> memref<1x512xf32, #tpu.memory_space<vmem>>
      %dma_start3A_278 = tpu.memref_squeeze %dma_start3A_277 : memref<1x512xf32, #tpu.memory_space<vmem>> -> memref<512xf32, #tpu.memory_space<vmem>>
      %dma_start3A_279 = tpu.memref_slice %dma_start3A_278[%mul3A_275] : memref<512xf32, #tpu.memory_space<vmem>> -> memref<128xf32, #tpu.memory_space<vmem>>
      %dma_start3A_280 = arith.constant 0 : i32
      %dma_start3A_281 = tpu.memref_slice %arg5[%select_n3A_273, %dma_start3A_280] : memref<4x128xi32, #tpu.memory_space<vmem>> -> memref<1x128xi32, #tpu.memory_space<vmem>>
      %dma_start3A_282 = tpu.memref_squeeze %dma_start3A_281 : memref<1x128xi32, #tpu.memory_space<vmem>> -> memref<128xi32, #tpu.memory_space<vmem>>
      %dma_start3A_283 = arith.constant 0 : i32
      %dma_start3A_284 = tpu.memref_slice %arg3[%select_n3A_257, %dma_start3A_283] : memref<32x1015808xf32, #tpu.memory_space<hbm>> -> memref<1x1015808xf32, #tpu.memory_space<hbm>>
      %dma_start3A_285 = tpu.memref_squeeze %dma_start3A_284 : memref<1x1015808xf32, #tpu.memory_space<hbm>> -> memref<1015808xf32, #tpu.memory_space<hbm>>
      %dma_start3A_286 = arith.constant 0 : i32
      %dma_start3A_287 = tpu.memref_slice %dma_start3A_285[%dma_start3A_286] : memref<1015808xf32, #tpu.memory_space<hbm>> -> memref<1015808xf32, #tpu.memory_space<hbm>>
      tpu.enqueue_indirect_dma source(%dma_start3A_287 : memref<1015808xf32, #tpu.memory_space<hbm>>) target(%dma_start3A_279 : memref<128xf32, #tpu.memory_space<vmem>>) offsets(%dma_start3A_282 : memref<128xi32, #tpu.memory_space<vmem>>) semaphore(%arg7 : memref<!tpu.dma_semaphore, #tpu.memory_space<semaphore_mem>>)
      %mul3A_288 = arith.constant 16 : i32
      %mul3A_289 = arith.muli %scan3A_8, %mul3A_288 : i32
      %add3A_290 = arith.constant 5 : i32
      %add3A_291 = arith.addi %mul3A_289, %add3A_290 : i32
      %jit3A_292 = arith.constant 4 : i32
      %div3A_293 = arith.divsi %add3A_291, %jit3A_292 : i32
      %sign3A_294 = arith.constant 0 : i32
      %sign3A_295 = arith.cmpi sgt, %add3A_291, %sign3A_294 : i32
      %sign3A_296 = arith.extui %sign3A_295 : i1 to i32
      %sign3A_297 = arith.constant 0 : i32
      %sign3A_298 = arith.cmpi slt, %add3A_291, %sign3A_297 : i32
      %sign3A_299 = arith.extui %sign3A_298 : i1 to i32
      %sign3A_300 = arith.subi %sign3A_296, %sign3A_299 : i32
      %sign3A_301 = arith.constant 0 : i32
      %sign3A_302 = arith.cmpi sgt, %jit3A_292, %sign3A_301 : i32
      %sign3A_303 = arith.extui %sign3A_302 : i1 to i32
      %sign3A_304 = arith.constant 0 : i32
      %sign3A_305 = arith.cmpi slt, %jit3A_292, %sign3A_304 : i32
      %sign3A_306 = arith.extui %sign3A_305 : i1 to i32
      %sign3A_307 = arith.subi %sign3A_303, %sign3A_306 : i32
      %ne3A_308 = arith.cmpi ne, %sign3A_300, %sign3A_307 : i32
      %rem3A_309 = arith.remsi %add3A_291, %jit3A_292 : i32
      %ne3A_310 = arith.constant 0 : i32
      %ne3A_311 = arith.cmpi ne, %rem3A_309, %ne3A_310 : i32
      %and3A_312 = arith.andi %ne3A_308, %ne3A_311 : i1
      %sub3A_313 = arith.constant 1 : i32
      %sub3A_314 = arith.subi %div3A_293, %sub3A_313 : i32
      %select_n3A_315 = arith.select %and3A_312, %sub3A_314, %div3A_293 : i32
      %jit3A_316 = arith.constant 4 : i32
      %eq3A_317 = arith.constant 0 : i32
      %eq3A_318 = arith.cmpi eq, %jit3A_316, %eq3A_317 : i32
      %jit3A_319 = arith.constant 1 : i32
      %select_n3A_320 = arith.select %eq3A_318, %jit3A_319, %jit3A_316 : i32
      %rem3A_321 = arith.remsi %add3A_291, %select_n3A_320 : i32
      %ne3A_322 = arith.constant 0 : i32
      %ne3A_323 = arith.cmpi ne, %rem3A_321, %ne3A_322 : i32
      %lt3A_324 = arith.constant 0 : i32
      %lt3A_325 = arith.cmpi slt, %rem3A_321, %lt3A_324 : i32
      %lt3A_326 = arith.constant 0 : i32
      %lt3A_327 = arith.cmpi slt, %select_n3A_320, %lt3A_326 : i32
      %ne3A_328 = arith.xori %lt3A_325, %lt3A_327 : i1
      %and3A_329 = arith.andi %ne3A_328, %ne3A_323 : i1
      %add3A_330 = arith.addi %rem3A_321, %select_n3A_320 : i32
      %select_n3A_331 = arith.select %and3A_329, %add3A_330, %rem3A_321 : i32
      %mul3A_332 = arith.constant 128 : i32
      %mul3A_333 = arith.muli %select_n3A_331, %mul3A_332 : i32
      %dma_start3A_334 = arith.constant 0 : i32
      %dma_start3A_335 = tpu.memref_slice %arg6[%select_n3A_315, %dma_start3A_334] : memref<32x512xf32, #tpu.memory_space<vmem>> -> memref<1x512xf32, #tpu.memory_space<vmem>>
      %dma_start3A_336 = tpu.memref_squeeze %dma_start3A_335 : memref<1x512xf32, #tpu.memory_space<vmem>> -> memref<512xf32, #tpu.memory_space<vmem>>
      %dma_start3A_337 = tpu.memref_slice %dma_start3A_336[%mul3A_333] : memref<512xf32, #tpu.memory_space<vmem>> -> memref<128xf32, #tpu.memory_space<vmem>>
      %dma_start3A_338 = arith.constant 0 : i32
      %dma_start3A_339 = tpu.memref_slice %arg5[%select_n3A_331, %dma_start3A_338] : memref<4x128xi32, #tpu.memory_space<vmem>> -> memref<1x128xi32, #tpu.memory_space<vmem>>
      %dma_start3A_340 = tpu.memref_squeeze %dma_start3A_339 : memref<1x128xi32, #tpu.memory_space<vmem>> -> memref<128xi32, #tpu.memory_space<vmem>>
      %dma_start3A_341 = arith.constant 0 : i32
      %dma_start3A_342 = tpu.memref_slice %arg3[%select_n3A_315, %dma_start3A_341] : memref<32x1015808xf32, #tpu.memory_space<hbm>> -> memref<1x1015808xf32, #tpu.memory_space<hbm>>
      %dma_start3A_343 = tpu.memref_squeeze %dma_start3A_342 : memref<1x1015808xf32, #tpu.memory_space<hbm>> -> memref<1015808xf32, #tpu.memory_space<hbm>>
      %dma_start3A_344 = arith.constant 0 : i32
      %dma_start3A_345 = tpu.memref_slice %dma_start3A_343[%dma_start3A_344] : memref<1015808xf32, #tpu.memory_space<hbm>> -> memref<1015808xf32, #tpu.memory_space<hbm>>
      tpu.enqueue_indirect_dma source(%dma_start3A_345 : memref<1015808xf32, #tpu.memory_space<hbm>>) target(%dma_start3A_337 : memref<128xf32, #tpu.memory_space<vmem>>) offsets(%dma_start3A_340 : memref<128xi32, #tpu.memory_space<vmem>>) semaphore(%arg7 : memref<!tpu.dma_semaphore, #tpu.memory_space<semaphore_mem>>)
      %mul3A_346 = arith.constant 16 : i32
      %mul3A_347 = arith.muli %scan3A_8, %mul3A_346 : i32
      %add3A_348 = arith.constant 6 : i32
      %add3A_349 = arith.addi %mul3A_347, %add3A_348 : i32
      %jit3A_350 = arith.constant 4 : i32
      %div3A_351 = arith.divsi %add3A_349, %jit3A_350 : i32
      %sign3A_352 = arith.constant 0 : i32
      %sign3A_353 = arith.cmpi sgt, %add3A_349, %sign3A_352 : i32
      %sign3A_354 = arith.extui %sign3A_353 : i1 to i32
      %sign3A_355 = arith.constant 0 : i32
      %sign3A_356 = arith.cmpi slt, %add3A_349, %sign3A_355 : i32
      %sign3A_357 = arith.extui %sign3A_356 : i1 to i32
      %sign3A_358 = arith.subi %sign3A_354, %sign3A_357 : i32
      %sign3A_359 = arith.constant 0 : i32
      %sign3A_360 = arith.cmpi sgt, %jit3A_350, %sign3A_359 : i32
      %sign3A_361 = arith.extui %sign3A_360 : i1 to i32
      %sign3A_362 = arith.constant 0 : i32
      %sign3A_363 = arith.cmpi slt, %jit3A_350, %sign3A_362 : i32
      %sign3A_364 = arith.extui %sign3A_363 : i1 to i32
      %sign3A_365 = arith.subi %sign3A_361, %sign3A_364 : i32
      %ne3A_366 = arith.cmpi ne, %sign3A_358, %sign3A_365 : i32
      %rem3A_367 = arith.remsi %add3A_349, %jit3A_350 : i32
      %ne3A_368 = arith.constant 0 : i32
      %ne3A_369 = arith.cmpi ne, %rem3A_367, %ne3A_368 : i32
      %and3A_370 = arith.andi %ne3A_366, %ne3A_369 : i1
      %sub3A_371 = arith.constant 1 : i32
      %sub3A_372 = arith.subi %div3A_351, %sub3A_371 : i32
      %select_n3A_373 = arith.select %and3A_370, %sub3A_372, %div3A_351 : i32
      %jit3A_374 = arith.constant 4 : i32
      %eq3A_375 = arith.constant 0 : i32
      %eq3A_376 = arith.cmpi eq, %jit3A_374, %eq3A_375 : i32
      %jit3A_377 = arith.constant 1 : i32
      %select_n3A_378 = arith.select %eq3A_376, %jit3A_377, %jit3A_374 : i32
      %rem3A_379 = arith.remsi %add3A_349, %select_n3A_378 : i32
      %ne3A_380 = arith.constant 0 : i32
      %ne3A_381 = arith.cmpi ne, %rem3A_379, %ne3A_380 : i32
      %lt3A_382 = arith.constant 0 : i32
      %lt3A_383 = arith.cmpi slt, %rem3A_379, %lt3A_382 : i32
      %lt3A_384 = arith.constant 0 : i32
      %lt3A_385 = arith.cmpi slt, %select_n3A_378, %lt3A_384 : i32
      %ne3A_386 = arith.xori %lt3A_383, %lt3A_385 : i1
      %and3A_387 = arith.andi %ne3A_386, %ne3A_381 : i1
      %add3A_388 = arith.addi %rem3A_379, %select_n3A_378 : i32
      %select_n3A_389 = arith.select %and3A_387, %add3A_388, %rem3A_379 : i32
      %mul3A_390 = arith.constant 128 : i32
      %mul3A_391 = arith.muli %select_n3A_389, %mul3A_390 : i32
      %dma_start3A_392 = arith.constant 0 : i32
      %dma_start3A_393 = tpu.memref_slice %arg6[%select_n3A_373, %dma_start3A_392] : memref<32x512xf32, #tpu.memory_space<vmem>> -> memref<1x512xf32, #tpu.memory_space<vmem>>
      %dma_start3A_394 = tpu.memref_squeeze %dma_start3A_393 : memref<1x512xf32, #tpu.memory_space<vmem>> -> memref<512xf32, #tpu.memory_space<vmem>>
      %dma_start3A_395 = tpu.memref_slice %dma_start3A_394[%mul3A_391] : memref<512xf32, #tpu.memory_space<vmem>> -> memref<128xf32, #tpu.memory_space<vmem>>
      %dma_start3A_396 = arith.constant 0 : i32
      %dma_start3A_397 = tpu.memref_slice %arg5[%select_n3A_389, %dma_start3A_396] : memref<4x128xi32, #tpu.memory_space<vmem>> -> memref<1x128xi32, #tpu.memory_space<vmem>>
      %dma_start3A_398 = tpu.memref_squeeze %dma_start3A_397 : memref<1x128xi32, #tpu.memory_space<vmem>> -> memref<128xi32, #tpu.memory_space<vmem>>
      %dma_start3A_399 = arith.constant 0 : i32
      %dma_start3A_400 = tpu.memref_slice %arg3[%select_n3A_373, %dma_start3A_399] : memref<32x1015808xf32, #tpu.memory_space<hbm>> -> memref<1x1015808xf32, #tpu.memory_space<hbm>>
      %dma_start3A_401 = tpu.memref_squeeze %dma_start3A_400 : memref<1x1015808xf32, #tpu.memory_space<hbm>> -> memref<1015808xf32, #tpu.memory_space<hbm>>
      %dma_start3A_402 = arith.constant 0 : i32
      %dma_start3A_403 = tpu.memref_slice %dma_start3A_401[%dma_start3A_402] : memref<1015808xf32, #tpu.memory_space<hbm>> -> memref<1015808xf32, #tpu.memory_space<hbm>>
      tpu.enqueue_indirect_dma source(%dma_start3A_403 : memref<1015808xf32, #tpu.memory_space<hbm>>) target(%dma_start3A_395 : memref<128xf32, #tpu.memory_space<vmem>>) offsets(%dma_start3A_398 : memref<128xi32, #tpu.memory_space<vmem>>) semaphore(%arg7 : memref<!tpu.dma_semaphore, #tpu.memory_space<semaphore_mem>>)
      %mul3A_404 = arith.constant 16 : i32
      %mul3A_405 = arith.muli %scan3A_8, %mul3A_404 : i32
      %add3A_406 = arith.constant 7 : i32
      %add3A_407 = arith.addi %mul3A_405, %add3A_406 : i32
      %jit3A_408 = arith.constant 4 : i32
      %div3A_409 = arith.divsi %add3A_407, %jit3A_408 : i32
      %sign3A_410 = arith.constant 0 : i32
      %sign3A_411 = arith.cmpi sgt, %add3A_407, %sign3A_410 : i32
      %sign3A_412 = arith.extui %sign3A_411 : i1 to i32
      %sign3A_413 = arith.constant 0 : i32
      %sign3A_414 = arith.cmpi slt, %add3A_407, %sign3A_413 : i32
      %sign3A_415 = arith.extui %sign3A_414 : i1 to i32
      %sign3A_416 = arith.subi %sign3A_412, %sign3A_415 : i32
      %sign3A_417 = arith.constant 0 : i32
      %sign3A_418 = arith.cmpi sgt, %jit3A_408, %sign3A_417 : i32
      %sign3A_419 = arith.extui %sign3A_418 : i1 to i32
      %sign3A_420 = arith.constant 0 : i32
      %sign3A_421 = arith.cmpi slt, %jit3A_408, %sign3A_420 : i32
      %sign3A_422 = arith.extui %sign3A_421 : i1 to i32
      %sign3A_423 = arith.subi %sign3A_419, %sign3A_422 : i32
      %ne3A_424 = arith.cmpi ne, %sign3A_416, %sign3A_423 : i32
      %rem3A_425 = arith.remsi %add3A_407, %jit3A_408 : i32
      %ne3A_426 = arith.constant 0 : i32
      %ne3A_427 = arith.cmpi ne, %rem3A_425, %ne3A_426 : i32
      %and3A_428 = arith.andi %ne3A_424, %ne3A_427 : i1
      %sub3A_429 = arith.constant 1 : i32
      %sub3A_430 = arith.subi %div3A_409, %sub3A_429 : i32
      %select_n3A_431 = arith.select %and3A_428, %sub3A_430, %div3A_409 : i32
      %jit3A_432 = arith.constant 4 : i32
      %eq3A_433 = arith.constant 0 : i32
      %eq3A_434 = arith.cmpi eq, %jit3A_432, %eq3A_433 : i32
      %jit3A_435 = arith.constant 1 : i32
      %select_n3A_436 = arith.select %eq3A_434, %jit3A_435, %jit3A_432 : i32
      %rem3A_437 = arith.remsi %add3A_407, %select_n3A_436 : i32
      %ne3A_438 = arith.constant 0 : i32
      %ne3A_439 = arith.cmpi ne, %rem3A_437, %ne3A_438 : i32
      %lt3A_440 = arith.constant 0 : i32
      %lt3A_441 = arith.cmpi slt, %rem3A_437, %lt3A_440 : i32
      %lt3A_442 = arith.constant 0 : i32
      %lt3A_443 = arith.cmpi slt, %select_n3A_436, %lt3A_442 : i32
      %ne3A_444 = arith.xori %lt3A_441, %lt3A_443 : i1
      %and3A_445 = arith.andi %ne3A_444, %ne3A_439 : i1
      %add3A_446 = arith.addi %rem3A_437, %select_n3A_436 : i32
      %select_n3A_447 = arith.select %and3A_445, %add3A_446, %rem3A_437 : i32
      %mul3A_448 = arith.constant 128 : i32
      %mul3A_449 = arith.muli %select_n3A_447, %mul3A_448 : i32
      %dma_start3A_450 = arith.constant 0 : i32
      %dma_start3A_451 = tpu.memref_slice %arg6[%select_n3A_431, %dma_start3A_450] : memref<32x512xf32, #tpu.memory_space<vmem>> -> memref<1x512xf32, #tpu.memory_space<vmem>>
      %dma_start3A_452 = tpu.memref_squeeze %dma_start3A_451 : memref<1x512xf32, #tpu.memory_space<vmem>> -> memref<512xf32, #tpu.memory_space<vmem>>
      %dma_start3A_453 = tpu.memref_slice %dma_start3A_452[%mul3A_449] : memref<512xf32, #tpu.memory_space<vmem>> -> memref<128xf32, #tpu.memory_space<vmem>>
      %dma_start3A_454 = arith.constant 0 : i32
      %dma_start3A_455 = tpu.memref_slice %arg5[%select_n3A_447, %dma_start3A_454] : memref<4x128xi32, #tpu.memory_space<vmem>> -> memref<1x128xi32, #tpu.memory_space<vmem>>
      %dma_start3A_456 = tpu.memref_squeeze %dma_start3A_455 : memref<1x128xi32, #tpu.memory_space<vmem>> -> memref<128xi32, #tpu.memory_space<vmem>>
      %dma_start3A_457 = arith.constant 0 : i32
      %dma_start3A_458 = tpu.memref_slice %arg3[%select_n3A_431, %dma_start3A_457] : memref<32x1015808xf32, #tpu.memory_space<hbm>> -> memref<1x1015808xf32, #tpu.memory_space<hbm>>
      %dma_start3A_459 = tpu.memref_squeeze %dma_start3A_458 : memref<1x1015808xf32, #tpu.memory_space<hbm>> -> memref<1015808xf32, #tpu.memory_space<hbm>>
      %dma_start3A_460 = arith.constant 0 : i32
      %dma_start3A_461 = tpu.memref_slice %dma_start3A_459[%dma_start3A_460] : memref<1015808xf32, #tpu.memory_space<hbm>> -> memref<1015808xf32, #tpu.memory_space<hbm>>
      tpu.enqueue_indirect_dma source(%dma_start3A_461 : memref<1015808xf32, #tpu.memory_space<hbm>>) target(%dma_start3A_453 : memref<128xf32, #tpu.memory_space<vmem>>) offsets(%dma_start3A_456 : memref<128xi32, #tpu.memory_space<vmem>>) semaphore(%arg7 : memref<!tpu.dma_semaphore, #tpu.memory_space<semaphore_mem>>)
      %mul3A_462 = arith.constant 16 : i32
      %mul3A_463 = arith.muli %scan3A_8, %mul3A_462 : i32
      %add3A_464 = arith.constant 8 : i32
      %add3A_465 = arith.addi %mul3A_463, %add3A_464 : i32
      %jit3A_466 = arith.constant 4 : i32
      %div3A_467 = arith.divsi %add3A_465, %jit3A_466 : i32
      %sign3A_468 = arith.constant 0 : i32
      %sign3A_469 = arith.cmpi sgt, %add3A_465, %sign3A_468 : i32
      %sign3A_470 = arith.extui %sign3A_469 : i1 to i32
      %sign3A_471 = arith.constant 0 : i32
      %sign3A_472 = arith.cmpi slt, %add3A_465, %sign3A_471 : i32
      %sign3A_473 = arith.extui %sign3A_472 : i1 to i32
      %sign3A_474 = arith.subi %sign3A_470, %sign3A_473 : i32
      %sign3A_475 = arith.constant 0 : i32
      %sign3A_476 = arith.cmpi sgt, %jit3A_466, %sign3A_475 : i32
      %sign3A_477 = arith.extui %sign3A_476 : i1 to i32
      %sign3A_478 = arith.constant 0 : i32
      %sign3A_479 = arith.cmpi slt, %jit3A_466, %sign3A_478 : i32
      %sign3A_480 = arith.extui %sign3A_479 : i1 to i32
      %sign3A_481 = arith.subi %sign3A_477, %sign3A_480 : i32
      %ne3A_482 = arith.cmpi ne, %sign3A_474, %sign3A_481 : i32
      %rem3A_483 = arith.remsi %add3A_465, %jit3A_466 : i32
      %ne3A_484 = arith.constant 0 : i32
      %ne3A_485 = arith.cmpi ne, %rem3A_483, %ne3A_484 : i32
      %and3A_486 = arith.andi %ne3A_482, %ne3A_485 : i1
      %sub3A_487 = arith.constant 1 : i32
      %sub3A_488 = arith.subi %div3A_467, %sub3A_487 : i32
      %select_n3A_489 = arith.select %and3A_486, %sub3A_488, %div3A_467 : i32
      %jit3A_490 = arith.constant 4 : i32
      %eq3A_491 = arith.constant 0 : i32
      %eq3A_492 = arith.cmpi eq, %jit3A_490, %eq3A_491 : i32
      %jit3A_493 = arith.constant 1 : i32
      %select_n3A_494 = arith.select %eq3A_492, %jit3A_493, %jit3A_490 : i32
      %rem3A_495 = arith.remsi %add3A_465, %select_n3A_494 : i32
      %ne3A_496 = arith.constant 0 : i32
      %ne3A_497 = arith.cmpi ne, %rem3A_495, %ne3A_496 : i32
      %lt3A_498 = arith.constant 0 : i32
      %lt3A_499 = arith.cmpi slt, %rem3A_495, %lt3A_498 : i32
      %lt3A_500 = arith.constant 0 : i32
      %lt3A_501 = arith.cmpi slt, %select_n3A_494, %lt3A_500 : i32
      %ne3A_502 = arith.xori %lt3A_499, %lt3A_501 : i1
      %and3A_503 = arith.andi %ne3A_502, %ne3A_497 : i1
      %add3A_504 = arith.addi %rem3A_495, %select_n3A_494 : i32
      %select_n3A_505 = arith.select %and3A_503, %add3A_504, %rem3A_495 : i32
      %mul3A_506 = arith.constant 128 : i32
      %mul3A_507 = arith.muli %select_n3A_505, %mul3A_506 : i32
      %dma_start3A_508 = arith.constant 0 : i32
      %dma_start3A_509 = tpu.memref_slice %arg6[%select_n3A_489, %dma_start3A_508] : memref<32x512xf32, #tpu.memory_space<vmem>> -> memref<1x512xf32, #tpu.memory_space<vmem>>
      %dma_start3A_510 = tpu.memref_squeeze %dma_start3A_509 : memref<1x512xf32, #tpu.memory_space<vmem>> -> memref<512xf32, #tpu.memory_space<vmem>>
      %dma_start3A_511 = tpu.memref_slice %dma_start3A_510[%mul3A_507] : memref<512xf32, #tpu.memory_space<vmem>> -> memref<128xf32, #tpu.memory_space<vmem>>
      %dma_start3A_512 = arith.constant 0 : i32
      %dma_start3A_513 = tpu.memref_slice %arg5[%select_n3A_505, %dma_start3A_512] : memref<4x128xi32, #tpu.memory_space<vmem>> -> memref<1x128xi32, #tpu.memory_space<vmem>>
      %dma_start3A_514 = tpu.memref_squeeze %dma_start3A_513 : memref<1x128xi32, #tpu.memory_space<vmem>> -> memref<128xi32, #tpu.memory_space<vmem>>
      %dma_start3A_515 = arith.constant 0 : i32
      %dma_start3A_516 = tpu.memref_slice %arg3[%select_n3A_489, %dma_start3A_515] : memref<32x1015808xf32, #tpu.memory_space<hbm>> -> memref<1x1015808xf32, #tpu.memory_space<hbm>>
      %dma_start3A_517 = tpu.memref_squeeze %dma_start3A_516 : memref<1x1015808xf32, #tpu.memory_space<hbm>> -> memref<1015808xf32, #tpu.memory_space<hbm>>
      %dma_start3A_518 = arith.constant 0 : i32
      %dma_start3A_519 = tpu.memref_slice %dma_start3A_517[%dma_start3A_518] : memref<1015808xf32, #tpu.memory_space<hbm>> -> memref<1015808xf32, #tpu.memory_space<hbm>>
      tpu.enqueue_indirect_dma source(%dma_start3A_519 : memref<1015808xf32, #tpu.memory_space<hbm>>) target(%dma_start3A_511 : memref<128xf32, #tpu.memory_space<vmem>>) offsets(%dma_start3A_514 : memref<128xi32, #tpu.memory_space<vmem>>) semaphore(%arg7 : memref<!tpu.dma_semaphore, #tpu.memory_space<semaphore_mem>>)
      %mul3A_520 = arith.constant 16 : i32
      %mul3A_521 = arith.muli %scan3A_8, %mul3A_520 : i32
      %add3A_522 = arith.constant 9 : i32
      %add3A_523 = arith.addi %mul3A_521, %add3A_522 : i32
      %jit3A_524 = arith.constant 4 : i32
      %div3A_525 = arith.divsi %add3A_523, %jit3A_524 : i32
      %sign3A_526 = arith.constant 0 : i32
      %sign3A_527 = arith.cmpi sgt, %add3A_523, %sign3A_526 : i32
      %sign3A_528 = arith.extui %sign3A_527 : i1 to i32
      %sign3A_529 = arith.constant 0 : i32
      %sign3A_530 = arith.cmpi slt, %add3A_523, %sign3A_529 : i32
      %sign3A_531 = arith.extui %sign3A_530 : i1 to i32
      %sign3A_532 = arith.subi %sign3A_528, %sign3A_531 : i32
      %sign3A_533 = arith.constant 0 : i32
      %sign3A_534 = arith.cmpi sgt, %jit3A_524, %sign3A_533 : i32
      %sign3A_535 = arith.extui %sign3A_534 : i1 to i32
      %sign3A_536 = arith.constant 0 : i32
      %sign3A_537 = arith.cmpi slt, %jit3A_524, %sign3A_536 : i32
      %sign3A_538 = arith.extui %sign3A_537 : i1 to i32
      %sign3A_539 = arith.subi %sign3A_535, %sign3A_538 : i32
      %ne3A_540 = arith.cmpi ne, %sign3A_532, %sign3A_539 : i32
      %rem3A_541 = arith.remsi %add3A_523, %jit3A_524 : i32
      %ne3A_542 = arith.constant 0 : i32
      %ne3A_543 = arith.cmpi ne, %rem3A_541, %ne3A_542 : i32
      %and3A_544 = arith.andi %ne3A_540, %ne3A_543 : i1
      %sub3A_545 = arith.constant 1 : i32
      %sub3A_546 = arith.subi %div3A_525, %sub3A_545 : i32
      %select_n3A_547 = arith.select %and3A_544, %sub3A_546, %div3A_525 : i32
      %jit3A_548 = arith.constant 4 : i32
      %eq3A_549 = arith.constant 0 : i32
      %eq3A_550 = arith.cmpi eq, %jit3A_548, %eq3A_549 : i32
      %jit3A_551 = arith.constant 1 : i32
      %select_n3A_552 = arith.select %eq3A_550, %jit3A_551, %jit3A_548 : i32
      %rem3A_553 = arith.remsi %add3A_523, %select_n3A_552 : i32
      %ne3A_554 = arith.constant 0 : i32
      %ne3A_555 = arith.cmpi ne, %rem3A_553, %ne3A_554 : i32
      %lt3A_556 = arith.constant 0 : i32
      %lt3A_557 = arith.cmpi slt, %rem3A_553, %lt3A_556 : i32
      %lt3A_558 = arith.constant 0 : i32
      %lt3A_559 = arith.cmpi slt, %select_n3A_552, %lt3A_558 : i32
      %ne3A_560 = arith.xori %lt3A_557, %lt3A_559 : i1
      %and3A_561 = arith.andi %ne3A_560, %ne3A_555 : i1
      %add3A_562 = arith.addi %rem3A_553, %select_n3A_552 : i32
      %select_n3A_563 = arith.select %and3A_561, %add3A_562, %rem3A_553 : i32
      %mul3A_564 = arith.constant 128 : i32
      %mul3A_565 = arith.muli %select_n3A_563, %mul3A_564 : i32
      %dma_start3A_566 = arith.constant 0 : i32
      %dma_start3A_567 = tpu.memref_slice %arg6[%select_n3A_547, %dma_start3A_566] : memref<32x512xf32, #tpu.memory_space<vmem>> -> memref<1x512xf32, #tpu.memory_space<vmem>>
      %dma_start3A_568 = tpu.memref_squeeze %dma_start3A_567 : memref<1x512xf32, #tpu.memory_space<vmem>> -> memref<512xf32, #tpu.memory_space<vmem>>
      %dma_start3A_569 = tpu.memref_slice %dma_start3A_568[%mul3A_565] : memref<512xf32, #tpu.memory_space<vmem>> -> memref<128xf32, #tpu.memory_space<vmem>>
      %dma_start3A_570 = arith.constant 0 : i32
      %dma_start3A_571 = tpu.memref_slice %arg5[%select_n3A_563, %dma_start3A_570] : memref<4x128xi32, #tpu.memory_space<vmem>> -> memref<1x128xi32, #tpu.memory_space<vmem>>
      %dma_start3A_572 = tpu.memref_squeeze %dma_start3A_571 : memref<1x128xi32, #tpu.memory_space<vmem>> -> memref<128xi32, #tpu.memory_space<vmem>>
      %dma_start3A_573 = arith.constant 0 : i32
      %dma_start3A_574 = tpu.memref_slice %arg3[%select_n3A_547, %dma_start3A_573] : memref<32x1015808xf32, #tpu.memory_space<hbm>> -> memref<1x1015808xf32, #tpu.memory_space<hbm>>
      %dma_start3A_575 = tpu.memref_squeeze %dma_start3A_574 : memref<1x1015808xf32, #tpu.memory_space<hbm>> -> memref<1015808xf32, #tpu.memory_space<hbm>>
      %dma_start3A_576 = arith.constant 0 : i32
      %dma_start3A_577 = tpu.memref_slice %dma_start3A_575[%dma_start3A_576] : memref<1015808xf32, #tpu.memory_space<hbm>> -> memref<1015808xf32, #tpu.memory_space<hbm>>
      tpu.enqueue_indirect_dma source(%dma_start3A_577 : memref<1015808xf32, #tpu.memory_space<hbm>>) target(%dma_start3A_569 : memref<128xf32, #tpu.memory_space<vmem>>) offsets(%dma_start3A_572 : memref<128xi32, #tpu.memory_space<vmem>>) semaphore(%arg7 : memref<!tpu.dma_semaphore, #tpu.memory_space<semaphore_mem>>)
      %mul3A_578 = arith.constant 16 : i32
      %mul3A_579 = arith.muli %scan3A_8, %mul3A_578 : i32
      %add3A_580 = arith.constant 10 : i32
      %add3A_581 = arith.addi %mul3A_579, %add3A_580 : i32
      %jit3A_582 = arith.constant 4 : i32
      %div3A_583 = arith.divsi %add3A_581, %jit3A_582 : i32
      %sign3A_584 = arith.constant 0 : i32
      %sign3A_585 = arith.cmpi sgt, %add3A_581, %sign3A_584 : i32
      %sign3A_586 = arith.extui %sign3A_585 : i1 to i32
      %sign3A_587 = arith.constant 0 : i32
      %sign3A_588 = arith.cmpi slt, %add3A_581, %sign3A_587 : i32
      %sign3A_589 = arith.extui %sign3A_588 : i1 to i32
      %sign3A_590 = arith.subi %sign3A_586, %sign3A_589 : i32
      %sign3A_591 = arith.constant 0 : i32
      %sign3A_592 = arith.cmpi sgt, %jit3A_582, %sign3A_591 : i32
      %sign3A_593 = arith.extui %sign3A_592 : i1 to i32
      %sign3A_594 = arith.constant 0 : i32
      %sign3A_595 = arith.cmpi slt, %jit3A_582, %sign3A_594 : i32
      %sign3A_596 = arith.extui %sign3A_595 : i1 to i32
      %sign3A_597 = arith.subi %sign3A_593, %sign3A_596 : i32
      %ne3A_598 = arith.cmpi ne, %sign3A_590, %sign3A_597 : i32
      %rem3A_599 = arith.remsi %add3A_581, %jit3A_582 : i32
      %ne3A_600 = arith.constant 0 : i32
      %ne3A_601 = arith.cmpi ne, %rem3A_599, %ne3A_600 : i32
      %and3A_602 = arith.andi %ne3A_598, %ne3A_601 : i1
      %sub3A_603 = arith.constant 1 : i32
      %sub3A_604 = arith.subi %div3A_583, %sub3A_603 : i32
      %select_n3A_605 = arith.select %and3A_602, %sub3A_604, %div3A_583 : i32
      %jit3A_606 = arith.constant 4 : i32
      %eq3A_607 = arith.constant 0 : i32
      %eq3A_608 = arith.cmpi eq, %jit3A_606, %eq3A_607 : i32
      %jit3A_609 = arith.constant 1 : i32
      %select_n3A_610 = arith.select %eq3A_608, %jit3A_609, %jit3A_606 : i32
      %rem3A_611 = arith.remsi %add3A_581, %select_n3A_610 : i32
      %ne3A_612 = arith.constant 0 : i32
      %ne3A_613 = arith.cmpi ne, %rem3A_611, %ne3A_612 : i32
      %lt3A_614 = arith.constant 0 : i32
      %lt3A_615 = arith.cmpi slt, %rem3A_611, %lt3A_614 : i32
      %lt3A_616 = arith.constant 0 : i32
      %lt3A_617 = arith.cmpi slt, %select_n3A_610, %lt3A_616 : i32
      %ne3A_618 = arith.xori %lt3A_615, %lt3A_617 : i1
      %and3A_619 = arith.andi %ne3A_618, %ne3A_613 : i1
      %add3A_620 = arith.addi %rem3A_611, %select_n3A_610 : i32
      %select_n3A_621 = arith.select %and3A_619, %add3A_620, %rem3A_611 : i32
      %mul3A_622 = arith.constant 128 : i32
      %mul3A_623 = arith.muli %select_n3A_621, %mul3A_622 : i32
      %dma_start3A_624 = arith.constant 0 : i32
      %dma_start3A_625 = tpu.memref_slice %arg6[%select_n3A_605, %dma_start3A_624] : memref<32x512xf32, #tpu.memory_space<vmem>> -> memref<1x512xf32, #tpu.memory_space<vmem>>
      %dma_start3A_626 = tpu.memref_squeeze %dma_start3A_625 : memref<1x512xf32, #tpu.memory_space<vmem>> -> memref<512xf32, #tpu.memory_space<vmem>>
      %dma_start3A_627 = tpu.memref_slice %dma_start3A_626[%mul3A_623] : memref<512xf32, #tpu.memory_space<vmem>> -> memref<128xf32, #tpu.memory_space<vmem>>
      %dma_start3A_628 = arith.constant 0 : i32
      %dma_start3A_629 = tpu.memref_slice %arg5[%select_n3A_621, %dma_start3A_628] : memref<4x128xi32, #tpu.memory_space<vmem>> -> memref<1x128xi32, #tpu.memory_space<vmem>>
      %dma_start3A_630 = tpu.memref_squeeze %dma_start3A_629 : memref<1x128xi32, #tpu.memory_space<vmem>> -> memref<128xi32, #tpu.memory_space<vmem>>
      %dma_start3A_631 = arith.constant 0 : i32
      %dma_start3A_632 = tpu.memref_slice %arg3[%select_n3A_605, %dma_start3A_631] : memref<32x1015808xf32, #tpu.memory_space<hbm>> -> memref<1x1015808xf32, #tpu.memory_space<hbm>>
      %dma_start3A_633 = tpu.memref_squeeze %dma_start3A_632 : memref<1x1015808xf32, #tpu.memory_space<hbm>> -> memref<1015808xf32, #tpu.memory_space<hbm>>
      %dma_start3A_634 = arith.constant 0 : i32
      %dma_start3A_635 = tpu.memref_slice %dma_start3A_633[%dma_start3A_634] : memref<1015808xf32, #tpu.memory_space<hbm>> -> memref<1015808xf32, #tpu.memory_space<hbm>>
      tpu.enqueue_indirect_dma source(%dma_start3A_635 : memref<1015808xf32, #tpu.memory_space<hbm>>) target(%dma_start3A_627 : memref<128xf32, #tpu.memory_space<vmem>>) offsets(%dma_start3A_630 : memref<128xi32, #tpu.memory_space<vmem>>) semaphore(%arg7 : memref<!tpu.dma_semaphore, #tpu.memory_space<semaphore_mem>>)
      %mul3A_636 = arith.constant 16 : i32
      %mul3A_637 = arith.muli %scan3A_8, %mul3A_636 : i32
      %add3A_638 = arith.constant 11 : i32
      %add3A_639 = arith.addi %mul3A_637, %add3A_638 : i32
      %jit3A_640 = arith.constant 4 : i32
      %div3A_641 = arith.divsi %add3A_639, %jit3A_640 : i32
      %sign3A_642 = arith.constant 0 : i32
      %sign3A_643 = arith.cmpi sgt, %add3A_639, %sign3A_642 : i32
      %sign3A_644 = arith.extui %sign3A_643 : i1 to i32
      %sign3A_645 = arith.constant 0 : i32
      %sign3A_646 = arith.cmpi slt, %add3A_639, %sign3A_645 : i32
      %sign3A_647 = arith.extui %sign3A_646 : i1 to i32
      %sign3A_648 = arith.subi %sign3A_644, %sign3A_647 : i32
      %sign3A_649 = arith.constant 0 : i32
      %sign3A_650 = arith.cmpi sgt, %jit3A_640, %sign3A_649 : i32
      %sign3A_651 = arith.extui %sign3A_650 : i1 to i32
      %sign3A_652 = arith.constant 0 : i32
      %sign3A_653 = arith.cmpi slt, %jit3A_640, %sign3A_652 : i32
      %sign3A_654 = arith.extui %sign3A_653 : i1 to i32
      %sign3A_655 = arith.subi %sign3A_651, %sign3A_654 : i32
      %ne3A_656 = arith.cmpi ne, %sign3A_648, %sign3A_655 : i32
      %rem3A_657 = arith.remsi %add3A_639, %jit3A_640 : i32
      %ne3A_658 = arith.constant 0 : i32
      %ne3A_659 = arith.cmpi ne, %rem3A_657, %ne3A_658 : i32
      %and3A_660 = arith.andi %ne3A_656, %ne3A_659 : i1
      %sub3A_661 = arith.constant 1 : i32
      %sub3A_662 = arith.subi %div3A_641, %sub3A_661 : i32
      %select_n3A_663 = arith.select %and3A_660, %sub3A_662, %div3A_641 : i32
      %jit3A_664 = arith.constant 4 : i32
      %eq3A_665 = arith.constant 0 : i32
      %eq3A_666 = arith.cmpi eq, %jit3A_664, %eq3A_665 : i32
      %jit3A_667 = arith.constant 1 : i32
      %select_n3A_668 = arith.select %eq3A_666, %jit3A_667, %jit3A_664 : i32
      %rem3A_669 = arith.remsi %add3A_639, %select_n3A_668 : i32
      %ne3A_670 = arith.constant 0 : i32
      %ne3A_671 = arith.cmpi ne, %rem3A_669, %ne3A_670 : i32
      %lt3A_672 = arith.constant 0 : i32
      %lt3A_673 = arith.cmpi slt, %rem3A_669, %lt3A_672 : i32
      %lt3A_674 = arith.constant 0 : i32
      %lt3A_675 = arith.cmpi slt, %select_n3A_668, %lt3A_674 : i32
      %ne3A_676 = arith.xori %lt3A_673, %lt3A_675 : i1
      %and3A_677 = arith.andi %ne3A_676, %ne3A_671 : i1
      %add3A_678 = arith.addi %rem3A_669, %select_n3A_668 : i32
      %select_n3A_679 = arith.select %and3A_677, %add3A_678, %rem3A_669 : i32
      %mul3A_680 = arith.constant 128 : i32
      %mul3A_681 = arith.muli %select_n3A_679, %mul3A_680 : i32
      %dma_start3A_682 = arith.constant 0 : i32
      %dma_start3A_683 = tpu.memref_slice %arg6[%select_n3A_663, %dma_start3A_682] : memref<32x512xf32, #tpu.memory_space<vmem>> -> memref<1x512xf32, #tpu.memory_space<vmem>>
      %dma_start3A_684 = tpu.memref_squeeze %dma_start3A_683 : memref<1x512xf32, #tpu.memory_space<vmem>> -> memref<512xf32, #tpu.memory_space<vmem>>
      %dma_start3A_685 = tpu.memref_slice %dma_start3A_684[%mul3A_681] : memref<512xf32, #tpu.memory_space<vmem>> -> memref<128xf32, #tpu.memory_space<vmem>>
      %dma_start3A_686 = arith.constant 0 : i32
      %dma_start3A_687 = tpu.memref_slice %arg5[%select_n3A_679, %dma_start3A_686] : memref<4x128xi32, #tpu.memory_space<vmem>> -> memref<1x128xi32, #tpu.memory_space<vmem>>
      %dma_start3A_688 = tpu.memref_squeeze %dma_start3A_687 : memref<1x128xi32, #tpu.memory_space<vmem>> -> memref<128xi32, #tpu.memory_space<vmem>>
      %dma_start3A_689 = arith.constant 0 : i32
      %dma_start3A_690 = tpu.memref_slice %arg3[%select_n3A_663, %dma_start3A_689] : memref<32x1015808xf32, #tpu.memory_space<hbm>> -> memref<1x1015808xf32, #tpu.memory_space<hbm>>
      %dma_start3A_691 = tpu.memref_squeeze %dma_start3A_690 : memref<1x1015808xf32, #tpu.memory_space<hbm>> -> memref<1015808xf32, #tpu.memory_space<hbm>>
      %dma_start3A_692 = arith.constant 0 : i32
      %dma_start3A_693 = tpu.memref_slice %dma_start3A_691[%dma_start3A_692] : memref<1015808xf32, #tpu.memory_space<hbm>> -> memref<1015808xf32, #tpu.memory_space<hbm>>
      tpu.enqueue_indirect_dma source(%dma_start3A_693 : memref<1015808xf32, #tpu.memory_space<hbm>>) target(%dma_start3A_685 : memref<128xf32, #tpu.memory_space<vmem>>) offsets(%dma_start3A_688 : memref<128xi32, #tpu.memory_space<vmem>>) semaphore(%arg7 : memref<!tpu.dma_semaphore, #tpu.memory_space<semaphore_mem>>)
      %mul3A_694 = arith.constant 16 : i32
      %mul3A_695 = arith.muli %scan3A_8, %mul3A_694 : i32
      %add3A_696 = arith.constant 12 : i32
      %add3A_697 = arith.addi %mul3A_695, %add3A_696 : i32
      %jit3A_698 = arith.constant 4 : i32
      %div3A_699 = arith.divsi %add3A_697, %jit3A_698 : i32
      %sign3A_700 = arith.constant 0 : i32
      %sign3A_701 = arith.cmpi sgt, %add3A_697, %sign3A_700 : i32
      %sign3A_702 = arith.extui %sign3A_701 : i1 to i32
      %sign3A_703 = arith.constant 0 : i32
      %sign3A_704 = arith.cmpi slt, %add3A_697, %sign3A_703 : i32
      %sign3A_705 = arith.extui %sign3A_704 : i1 to i32
      %sign3A_706 = arith.subi %sign3A_702, %sign3A_705 : i32
      %sign3A_707 = arith.constant 0 : i32
      %sign3A_708 = arith.cmpi sgt, %jit3A_698, %sign3A_707 : i32
      %sign3A_709 = arith.extui %sign3A_708 : i1 to i32
      %sign3A_710 = arith.constant 0 : i32
      %sign3A_711 = arith.cmpi slt, %jit3A_698, %sign3A_710 : i32
      %sign3A_712 = arith.extui %sign3A_711 : i1 to i32
      %sign3A_713 = arith.subi %sign3A_709, %sign3A_712 : i32
      %ne3A_714 = arith.cmpi ne, %sign3A_706, %sign3A_713 : i32
      %rem3A_715 = arith.remsi %add3A_697, %jit3A_698 : i32
      %ne3A_716 = arith.constant 0 : i32
      %ne3A_717 = arith.cmpi ne, %rem3A_715, %ne3A_716 : i32
      %and3A_718 = arith.andi %ne3A_714, %ne3A_717 : i1
      %sub3A_719 = arith.constant 1 : i32
      %sub3A_720 = arith.subi %div3A_699, %sub3A_719 : i32
      %select_n3A_721 = arith.select %and3A_718, %sub3A_720, %div3A_699 : i32
      %jit3A_722 = arith.constant 4 : i32
      %eq3A_723 = arith.constant 0 : i32
      %eq3A_724 = arith.cmpi eq, %jit3A_722, %eq3A_723 : i32
      %jit3A_725 = arith.constant 1 : i32
      %select_n3A_726 = arith.select %eq3A_724, %jit3A_725, %jit3A_722 : i32
      %rem3A_727 = arith.remsi %add3A_697, %select_n3A_726 : i32
      %ne3A_728 = arith.constant 0 : i32
      %ne3A_729 = arith.cmpi ne, %rem3A_727, %ne3A_728 : i32
      %lt3A_730 = arith.constant 0 : i32
      %lt3A_731 = arith.cmpi slt, %rem3A_727, %lt3A_730 : i32
      %lt3A_732 = arith.constant 0 : i32
      %lt3A_733 = arith.cmpi slt, %select_n3A_726, %lt3A_732 : i32
      %ne3A_734 = arith.xori %lt3A_731, %lt3A_733 : i1
      %and3A_735 = arith.andi %ne3A_734, %ne3A_729 : i1
      %add3A_736 = arith.addi %rem3A_727, %select_n3A_726 : i32
      %select_n3A_737 = arith.select %and3A_735, %add3A_736, %rem3A_727 : i32
      %mul3A_738 = arith.constant 128 : i32
      %mul3A_739 = arith.muli %select_n3A_737, %mul3A_738 : i32
      %dma_start3A_740 = arith.constant 0 : i32
      %dma_start3A_741 = tpu.memref_slice %arg6[%select_n3A_721, %dma_start3A_740] : memref<32x512xf32, #tpu.memory_space<vmem>> -> memref<1x512xf32, #tpu.memory_space<vmem>>
      %dma_start3A_742 = tpu.memref_squeeze %dma_start3A_741 : memref<1x512xf32, #tpu.memory_space<vmem>> -> memref<512xf32, #tpu.memory_space<vmem>>
      %dma_start3A_743 = tpu.memref_slice %dma_start3A_742[%mul3A_739] : memref<512xf32, #tpu.memory_space<vmem>> -> memref<128xf32, #tpu.memory_space<vmem>>
      %dma_start3A_744 = arith.constant 0 : i32
      %dma_start3A_745 = tpu.memref_slice %arg5[%select_n3A_737, %dma_start3A_744] : memref<4x128xi32, #tpu.memory_space<vmem>> -> memref<1x128xi32, #tpu.memory_space<vmem>>
      %dma_start3A_746 = tpu.memref_squeeze %dma_start3A_745 : memref<1x128xi32, #tpu.memory_space<vmem>> -> memref<128xi32, #tpu.memory_space<vmem>>
      %dma_start3A_747 = arith.constant 0 : i32
      %dma_start3A_748 = tpu.memref_slice %arg3[%select_n3A_721, %dma_start3A_747] : memref<32x1015808xf32, #tpu.memory_space<hbm>> -> memref<1x1015808xf32, #tpu.memory_space<hbm>>
      %dma_start3A_749 = tpu.memref_squeeze %dma_start3A_748 : memref<1x1015808xf32, #tpu.memory_space<hbm>> -> memref<1015808xf32, #tpu.memory_space<hbm>>
      %dma_start3A_750 = arith.constant 0 : i32
      %dma_start3A_751 = tpu.memref_slice %dma_start3A_749[%dma_start3A_750] : memref<1015808xf32, #tpu.memory_space<hbm>> -> memref<1015808xf32, #tpu.memory_space<hbm>>
      tpu.enqueue_indirect_dma source(%dma_start3A_751 : memref<1015808xf32, #tpu.memory_space<hbm>>) target(%dma_start3A_743 : memref<128xf32, #tpu.memory_space<vmem>>) offsets(%dma_start3A_746 : memref<128xi32, #tpu.memory_space<vmem>>) semaphore(%arg7 : memref<!tpu.dma_semaphore, #tpu.memory_space<semaphore_mem>>)
      %mul3A_752 = arith.constant 16 : i32
      %mul3A_753 = arith.muli %scan3A_8, %mul3A_752 : i32
      %add3A_754 = arith.constant 13 : i32
      %add3A_755 = arith.addi %mul3A_753, %add3A_754 : i32
      %jit3A_756 = arith.constant 4 : i32
      %div3A_757 = arith.divsi %add3A_755, %jit3A_756 : i32
      %sign3A_758 = arith.constant 0 : i32
      %sign3A_759 = arith.cmpi sgt, %add3A_755, %sign3A_758 : i32
      %sign3A_760 = arith.extui %sign3A_759 : i1 to i32
      %sign3A_761 = arith.constant 0 : i32
      %sign3A_762 = arith.cmpi slt, %add3A_755, %sign3A_761 : i32
      %sign3A_763 = arith.extui %sign3A_762 : i1 to i32
      %sign3A_764 = arith.subi %sign3A_760, %sign3A_763 : i32
      %sign3A_765 = arith.constant 0 : i32
      %sign3A_766 = arith.cmpi sgt, %jit3A_756, %sign3A_765 : i32
      %sign3A_767 = arith.extui %sign3A_766 : i1 to i32
      %sign3A_768 = arith.constant 0 : i32
      %sign3A_769 = arith.cmpi slt, %jit3A_756, %sign3A_768 : i32
      %sign3A_770 = arith.extui %sign3A_769 : i1 to i32
      %sign3A_771 = arith.subi %sign3A_767, %sign3A_770 : i32
      %ne3A_772 = arith.cmpi ne, %sign3A_764, %sign3A_771 : i32
      %rem3A_773 = arith.remsi %add3A_755, %jit3A_756 : i32
      %ne3A_774 = arith.constant 0 : i32
      %ne3A_775 = arith.cmpi ne, %rem3A_773, %ne3A_774 : i32
      %and3A_776 = arith.andi %ne3A_772, %ne3A_775 : i1
      %sub3A_777 = arith.constant 1 : i32
      %sub3A_778 = arith.subi %div3A_757, %sub3A_777 : i32
      %select_n3A_779 = arith.select %and3A_776, %sub3A_778, %div3A_757 : i32
      %jit3A_780 = arith.constant 4 : i32
      %eq3A_781 = arith.constant 0 : i32
      %eq3A_782 = arith.cmpi eq, %jit3A_780, %eq3A_781 : i32
      %jit3A_783 = arith.constant 1 : i32
      %select_n3A_784 = arith.select %eq3A_782, %jit3A_783, %jit3A_780 : i32
      %rem3A_785 = arith.remsi %add3A_755, %select_n3A_784 : i32
      %ne3A_786 = arith.constant 0 : i32
      %ne3A_787 = arith.cmpi ne, %rem3A_785, %ne3A_786 : i32
      %lt3A_788 = arith.constant 0 : i32
      %lt3A_789 = arith.cmpi slt, %rem3A_785, %lt3A_788 : i32
      %lt3A_790 = arith.constant 0 : i32
      %lt3A_791 = arith.cmpi slt, %select_n3A_784, %lt3A_790 : i32
      %ne3A_792 = arith.xori %lt3A_789, %lt3A_791 : i1
      %and3A_793 = arith.andi %ne3A_792, %ne3A_787 : i1
      %add3A_794 = arith.addi %rem3A_785, %select_n3A_784 : i32
      %select_n3A_795 = arith.select %and3A_793, %add3A_794, %rem3A_785 : i32
      %mul3A_796 = arith.constant 128 : i32
      %mul3A_797 = arith.muli %select_n3A_795, %mul3A_796 : i32
      %dma_start3A_798 = arith.constant 0 : i32
      %dma_start3A_799 = tpu.memref_slice %arg6[%select_n3A_779, %dma_start3A_798] : memref<32x512xf32, #tpu.memory_space<vmem>> -> memref<1x512xf32, #tpu.memory_space<vmem>>
      %dma_start3A_800 = tpu.memref_squeeze %dma_start3A_799 : memref<1x512xf32, #tpu.memory_space<vmem>> -> memref<512xf32, #tpu.memory_space<vmem>>
      %dma_start3A_801 = tpu.memref_slice %dma_start3A_800[%mul3A_797] : memref<512xf32, #tpu.memory_space<vmem>> -> memref<128xf32, #tpu.memory_space<vmem>>
      %dma_start3A_802 = arith.constant 0 : i32
      %dma_start3A_803 = tpu.memref_slice %arg5[%select_n3A_795, %dma_start3A_802] : memref<4x128xi32, #tpu.memory_space<vmem>> -> memref<1x128xi32, #tpu.memory_space<vmem>>
      %dma_start3A_804 = tpu.memref_squeeze %dma_start3A_803 : memref<1x128xi32, #tpu.memory_space<vmem>> -> memref<128xi32, #tpu.memory_space<vmem>>
      %dma_start3A_805 = arith.constant 0 : i32
      %dma_start3A_806 = tpu.memref_slice %arg3[%select_n3A_779, %dma_start3A_805] : memref<32x1015808xf32, #tpu.memory_space<hbm>> -> memref<1x1015808xf32, #tpu.memory_space<hbm>>
      %dma_start3A_807 = tpu.memref_squeeze %dma_start3A_806 : memref<1x1015808xf32, #tpu.memory_space<hbm>> -> memref<1015808xf32, #tpu.memory_space<hbm>>
      %dma_start3A_808 = arith.constant 0 : i32
      %dma_start3A_809 = tpu.memref_slice %dma_start3A_807[%dma_start3A_808] : memref<1015808xf32, #tpu.memory_space<hbm>> -> memref<1015808xf32, #tpu.memory_space<hbm>>
      tpu.enqueue_indirect_dma source(%dma_start3A_809 : memref<1015808xf32, #tpu.memory_space<hbm>>) target(%dma_start3A_801 : memref<128xf32, #tpu.memory_space<vmem>>) offsets(%dma_start3A_804 : memref<128xi32, #tpu.memory_space<vmem>>) semaphore(%arg7 : memref<!tpu.dma_semaphore, #tpu.memory_space<semaphore_mem>>)
      %mul3A_810 = arith.constant 16 : i32
      %mul3A_811 = arith.muli %scan3A_8, %mul3A_810 : i32
      %add3A_812 = arith.constant 14 : i32
      %add3A_813 = arith.addi %mul3A_811, %add3A_812 : i32
      %jit3A_814 = arith.constant 4 : i32
      %div3A_815 = arith.divsi %add3A_813, %jit3A_814 : i32
      %sign3A_816 = arith.constant 0 : i32
      %sign3A_817 = arith.cmpi sgt, %add3A_813, %sign3A_816 : i32
      %sign3A_818 = arith.extui %sign3A_817 : i1 to i32
      %sign3A_819 = arith.constant 0 : i32
      %sign3A_820 = arith.cmpi slt, %add3A_813, %sign3A_819 : i32
      %sign3A_821 = arith.extui %sign3A_820 : i1 to i32
      %sign3A_822 = arith.subi %sign3A_818, %sign3A_821 : i32
      %sign3A_823 = arith.constant 0 : i32
      %sign3A_824 = arith.cmpi sgt, %jit3A_814, %sign3A_823 : i32
      %sign3A_825 = arith.extui %sign3A_824 : i1 to i32
      %sign3A_826 = arith.constant 0 : i32
      %sign3A_827 = arith.cmpi slt, %jit3A_814, %sign3A_826 : i32
      %sign3A_828 = arith.extui %sign3A_827 : i1 to i32
      %sign3A_829 = arith.subi %sign3A_825, %sign3A_828 : i32
      %ne3A_830 = arith.cmpi ne, %sign3A_822, %sign3A_829 : i32
      %rem3A_831 = arith.remsi %add3A_813, %jit3A_814 : i32
      %ne3A_832 = arith.constant 0 : i32
      %ne3A_833 = arith.cmpi ne, %rem3A_831, %ne3A_832 : i32
      %and3A_834 = arith.andi %ne3A_830, %ne3A_833 : i1
      %sub3A_835 = arith.constant 1 : i32
      %sub3A_836 = arith.subi %div3A_815, %sub3A_835 : i32
      %select_n3A_837 = arith.select %and3A_834, %sub3A_836, %div3A_815 : i32
      %jit3A_838 = arith.constant 4 : i32
      %eq3A_839 = arith.constant 0 : i32
      %eq3A_840 = arith.cmpi eq, %jit3A_838, %eq3A_839 : i32
      %jit3A_841 = arith.constant 1 : i32
      %select_n3A_842 = arith.select %eq3A_840, %jit3A_841, %jit3A_838 : i32
      %rem3A_843 = arith.remsi %add3A_813, %select_n3A_842 : i32
      %ne3A_844 = arith.constant 0 : i32
      %ne3A_845 = arith.cmpi ne, %rem3A_843, %ne3A_844 : i32
      %lt3A_846 = arith.constant 0 : i32
      %lt3A_847 = arith.cmpi slt, %rem3A_843, %lt3A_846 : i32
      %lt3A_848 = arith.constant 0 : i32
      %lt3A_849 = arith.cmpi slt, %select_n3A_842, %lt3A_848 : i32
      %ne3A_850 = arith.xori %lt3A_847, %lt3A_849 : i1
      %and3A_851 = arith.andi %ne3A_850, %ne3A_845 : i1
      %add3A_852 = arith.addi %rem3A_843, %select_n3A_842 : i32
      %select_n3A_853 = arith.select %and3A_851, %add3A_852, %rem3A_843 : i32
      %mul3A_854 = arith.constant 128 : i32
      %mul3A_855 = arith.muli %select_n3A_853, %mul3A_854 : i32
      %dma_start3A_856 = arith.constant 0 : i32
      %dma_start3A_857 = tpu.memref_slice %arg6[%select_n3A_837, %dma_start3A_856] : memref<32x512xf32, #tpu.memory_space<vmem>> -> memref<1x512xf32, #tpu.memory_space<vmem>>
      %dma_start3A_858 = tpu.memref_squeeze %dma_start3A_857 : memref<1x512xf32, #tpu.memory_space<vmem>> -> memref<512xf32, #tpu.memory_space<vmem>>
      %dma_start3A_859 = tpu.memref_slice %dma_start3A_858[%mul3A_855] : memref<512xf32, #tpu.memory_space<vmem>> -> memref<128xf32, #tpu.memory_space<vmem>>
      %dma_start3A_860 = arith.constant 0 : i32
      %dma_start3A_861 = tpu.memref_slice %arg5[%select_n3A_853, %dma_start3A_860] : memref<4x128xi32, #tpu.memory_space<vmem>> -> memref<1x128xi32, #tpu.memory_space<vmem>>
      %dma_start3A_862 = tpu.memref_squeeze %dma_start3A_861 : memref<1x128xi32, #tpu.memory_space<vmem>> -> memref<128xi32, #tpu.memory_space<vmem>>
      %dma_start3A_863 = arith.constant 0 : i32
      %dma_start3A_864 = tpu.memref_slice %arg3[%select_n3A_837, %dma_start3A_863] : memref<32x1015808xf32, #tpu.memory_space<hbm>> -> memref<1x1015808xf32, #tpu.memory_space<hbm>>
      %dma_start3A_865 = tpu.memref_squeeze %dma_start3A_864 : memref<1x1015808xf32, #tpu.memory_space<hbm>> -> memref<1015808xf32, #tpu.memory_space<hbm>>
      %dma_start3A_866 = arith.constant 0 : i32
      %dma_start3A_867 = tpu.memref_slice %dma_start3A_865[%dma_start3A_866] : memref<1015808xf32, #tpu.memory_space<hbm>> -> memref<1015808xf32, #tpu.memory_space<hbm>>
      tpu.enqueue_indirect_dma source(%dma_start3A_867 : memref<1015808xf32, #tpu.memory_space<hbm>>) target(%dma_start3A_859 : memref<128xf32, #tpu.memory_space<vmem>>) offsets(%dma_start3A_862 : memref<128xi32, #tpu.memory_space<vmem>>) semaphore(%arg7 : memref<!tpu.dma_semaphore, #tpu.memory_space<semaphore_mem>>)
      %mul3A_868 = arith.constant 16 : i32
      %mul3A_869 = arith.muli %scan3A_8, %mul3A_868 : i32
      %add3A_870 = arith.constant 15 : i32
      %add3A_871 = arith.addi %mul3A_869, %add3A_870 : i32
      %jit3A_872 = arith.constant 4 : i32
      %div3A_873 = arith.divsi %add3A_871, %jit3A_872 : i32
      %sign3A_874 = arith.constant 0 : i32
      %sign3A_875 = arith.cmpi sgt, %add3A_871, %sign3A_874 : i32
      %sign3A_876 = arith.extui %sign3A_875 : i1 to i32
      %sign3A_877 = arith.constant 0 : i32
      %sign3A_878 = arith.cmpi slt, %add3A_871, %sign3A_877 : i32
      %sign3A_879 = arith.extui %sign3A_878 : i1 to i32
      %sign3A_880 = arith.subi %sign3A_876, %sign3A_879 : i32
      %sign3A_881 = arith.constant 0 : i32
      %sign3A_882 = arith.cmpi sgt, %jit3A_872, %sign3A_881 : i32
      %sign3A_883 = arith.extui %sign3A_882 : i1 to i32
      %sign3A_884 = arith.constant 0 : i32
      %sign3A_885 = arith.cmpi slt, %jit3A_872, %sign3A_884 : i32
      %sign3A_886 = arith.extui %sign3A_885 : i1 to i32
      %sign3A_887 = arith.subi %sign3A_883, %sign3A_886 : i32
      %ne3A_888 = arith.cmpi ne, %sign3A_880, %sign3A_887 : i32
      %rem3A_889 = arith.remsi %add3A_871, %jit3A_872 : i32
      %ne3A_890 = arith.constant 0 : i32
      %ne3A_891 = arith.cmpi ne, %rem3A_889, %ne3A_890 : i32
      %and3A_892 = arith.andi %ne3A_888, %ne3A_891 : i1
      %sub3A_893 = arith.constant 1 : i32
      %sub3A_894 = arith.subi %div3A_873, %sub3A_893 : i32
      %select_n3A_895 = arith.select %and3A_892, %sub3A_894, %div3A_873 : i32
      %jit3A_896 = arith.constant 4 : i32
      %eq3A_897 = arith.constant 0 : i32
      %eq3A_898 = arith.cmpi eq, %jit3A_896, %eq3A_897 : i32
      %jit3A_899 = arith.constant 1 : i32
      %select_n3A_900 = arith.select %eq3A_898, %jit3A_899, %jit3A_896 : i32
      %rem3A_901 = arith.remsi %add3A_871, %select_n3A_900 : i32
      %ne3A_902 = arith.constant 0 : i32
      %ne3A_903 = arith.cmpi ne, %rem3A_901, %ne3A_902 : i32
      %lt3A_904 = arith.constant 0 : i32
      %lt3A_905 = arith.cmpi slt, %rem3A_901, %lt3A_904 : i32
      %lt3A_906 = arith.constant 0 : i32
      %lt3A_907 = arith.cmpi slt, %select_n3A_900, %lt3A_906 : i32
      %ne3A_908 = arith.xori %lt3A_905, %lt3A_907 : i1
      %and3A_909 = arith.andi %ne3A_908, %ne3A_903 : i1
      %add3A_910 = arith.addi %rem3A_901, %select_n3A_900 : i32
      %select_n3A_911 = arith.select %and3A_909, %add3A_910, %rem3A_901 : i32
      %mul3A_912 = arith.constant 128 : i32
      %mul3A_913 = arith.muli %select_n3A_911, %mul3A_912 : i32
      %dma_start3A_914 = arith.constant 0 : i32
      %dma_start3A_915 = tpu.memref_slice %arg6[%select_n3A_895, %dma_start3A_914] : memref<32x512xf32, #tpu.memory_space<vmem>> -> memref<1x512xf32, #tpu.memory_space<vmem>>
      %dma_start3A_916 = tpu.memref_squeeze %dma_start3A_915 : memref<1x512xf32, #tpu.memory_space<vmem>> -> memref<512xf32, #tpu.memory_space<vmem>>
      %dma_start3A_917 = tpu.memref_slice %dma_start3A_916[%mul3A_913] : memref<512xf32, #tpu.memory_space<vmem>> -> memref<128xf32, #tpu.memory_space<vmem>>
      %dma_start3A_918 = arith.constant 0 : i32
      %dma_start3A_919 = tpu.memref_slice %arg5[%select_n3A_911, %dma_start3A_918] : memref<4x128xi32, #tpu.memory_space<vmem>> -> memref<1x128xi32, #tpu.memory_space<vmem>>
      %dma_start3A_920 = tpu.memref_squeeze %dma_start3A_919 : memref<1x128xi32, #tpu.memory_space<vmem>> -> memref<128xi32, #tpu.memory_space<vmem>>
      %dma_start3A_921 = arith.constant 0 : i32
      %dma_start3A_922 = tpu.memref_slice %arg3[%select_n3A_895, %dma_start3A_921] : memref<32x1015808xf32, #tpu.memory_space<hbm>> -> memref<1x1015808xf32, #tpu.memory_space<hbm>>
      %dma_start3A_923 = tpu.memref_squeeze %dma_start3A_922 : memref<1x1015808xf32, #tpu.memory_space<hbm>> -> memref<1015808xf32, #tpu.memory_space<hbm>>
      %dma_start3A_924 = arith.constant 0 : i32
      %dma_start3A_925 = tpu.memref_slice %dma_start3A_923[%dma_start3A_924] : memref<1015808xf32, #tpu.memory_space<hbm>> -> memref<1015808xf32, #tpu.memory_space<hbm>>
      tpu.enqueue_indirect_dma source(%dma_start3A_925 : memref<1015808xf32, #tpu.memory_space<hbm>>) target(%dma_start3A_917 : memref<128xf32, #tpu.memory_space<vmem>>) offsets(%dma_start3A_920 : memref<128xi32, #tpu.memory_space<vmem>>) semaphore(%arg7 : memref<!tpu.dma_semaphore, #tpu.memory_space<semaphore_mem>>)
      %dma_wait3A = arith.constant 0 : i32
      %dma_wait3A_926 = tpu.memref_slice %arg6[%select_n3A, %dma_wait3A] : memref<32x512xf32, #tpu.memory_space<vmem>> -> memref<1x512xf32, #tpu.memory_space<vmem>>
      %dma_wait3A_927 = tpu.memref_squeeze %dma_wait3A_926 : memref<1x512xf32, #tpu.memory_space<vmem>> -> memref<512xf32, #tpu.memory_space<vmem>>
      %dma_wait3A_928 = tpu.memref_slice %dma_wait3A_927[%mul3A_44] : memref<512xf32, #tpu.memory_space<vmem>> -> memref<128xf32, #tpu.memory_space<vmem>>
      %dma_wait3A_929 = arith.constant 0 : i32
      %dma_wait3A_930 = tpu.memref_slice %arg5[%select_n3A_42, %dma_wait3A_929] : memref<4x128xi32, #tpu.memory_space<vmem>> -> memref<1x128xi32, #tpu.memory_space<vmem>>
      %dma_wait3A_931 = tpu.memref_squeeze %dma_wait3A_930 : memref<1x128xi32, #tpu.memory_space<vmem>> -> memref<128xi32, #tpu.memory_space<vmem>>
      %dma_wait3A_932 = arith.constant 0 : i32
      %dma_wait3A_933 = tpu.memref_slice %arg3[%select_n3A, %dma_wait3A_932] : memref<32x1015808xf32, #tpu.memory_space<hbm>> -> memref<1x1015808xf32, #tpu.memory_space<hbm>>
      %dma_wait3A_934 = tpu.memref_squeeze %dma_wait3A_933 : memref<1x1015808xf32, #tpu.memory_space<hbm>> -> memref<1015808xf32, #tpu.memory_space<hbm>>
      %dma_wait3A_935 = arith.constant 0 : i32
      %dma_wait3A_936 = tpu.memref_slice %dma_wait3A_934[%dma_wait3A_935] : memref<1015808xf32, #tpu.memory_space<hbm>> -> memref<1015808xf32, #tpu.memory_space<hbm>>
      tpu.wait_indirect_dma semaphore(%arg7 : memref<!tpu.dma_semaphore, #tpu.memory_space<semaphore_mem>>) src(%dma_wait3A_936 : memref<1015808xf32, #tpu.memory_space<hbm>>) dst(%dma_wait3A_928 : memref<128xf32, #tpu.memory_space<vmem>>)
      %dma_wait3A_937 = arith.constant 0 : i32
      %dma_wait3A_938 = tpu.memref_slice %arg6[%select_n3A_83, %dma_wait3A_937] : memref<32x512xf32, #tpu.memory_space<vmem>> -> memref<1x512xf32, #tpu.memory_space<vmem>>
      %dma_wait3A_939 = tpu.memref_squeeze %dma_wait3A_938 : memref<1x512xf32, #tpu.memory_space<vmem>> -> memref<512xf32, #tpu.memory_space<vmem>>
      %dma_wait3A_940 = tpu.memref_slice %dma_wait3A_939[%mul3A_101] : memref<512xf32, #tpu.memory_space<vmem>> -> memref<128xf32, #tpu.memory_space<vmem>>
      %dma_wait3A_941 = arith.constant 0 : i32
      %dma_wait3A_942 = tpu.memref_slice %arg5[%select_n3A_99, %dma_wait3A_941] : memref<4x128xi32, #tpu.memory_space<vmem>> -> memref<1x128xi32, #tpu.memory_space<vmem>>
      %dma_wait3A_943 = tpu.memref_squeeze %dma_wait3A_942 : memref<1x128xi32, #tpu.memory_space<vmem>> -> memref<128xi32, #tpu.memory_space<vmem>>
      %dma_wait3A_944 = arith.constant 0 : i32
      %dma_wait3A_945 = tpu.memref_slice %arg3[%select_n3A_83, %dma_wait3A_944] : memref<32x1015808xf32, #tpu.memory_space<hbm>> -> memref<1x1015808xf32, #tpu.memory_space<hbm>>
      %dma_wait3A_946 = tpu.memref_squeeze %dma_wait3A_945 : memref<1x1015808xf32, #tpu.memory_space<hbm>> -> memref<1015808xf32, #tpu.memory_space<hbm>>
      %dma_wait3A_947 = arith.constant 0 : i32
      %dma_wait3A_948 = tpu.memref_slice %dma_wait3A_946[%dma_wait3A_947] : memref<1015808xf32, #tpu.memory_space<hbm>> -> memref<1015808xf32, #tpu.memory_space<hbm>>
      tpu.wait_indirect_dma semaphore(%arg7 : memref<!tpu.dma_semaphore, #tpu.memory_space<semaphore_mem>>) src(%dma_wait3A_948 : memref<1015808xf32, #tpu.memory_space<hbm>>) dst(%dma_wait3A_940 : memref<128xf32, #tpu.memory_space<vmem>>)
      %dma_wait3A_949 = arith.constant 0 : i32
      %dma_wait3A_950 = tpu.memref_slice %arg6[%select_n3A_141, %dma_wait3A_949] : memref<32x512xf32, #tpu.memory_space<vmem>> -> memref<1x512xf32, #tpu.memory_space<vmem>>
      %dma_wait3A_951 = tpu.memref_squeeze %dma_wait3A_950 : memref<1x512xf32, #tpu.memory_space<vmem>> -> memref<512xf32, #tpu.memory_space<vmem>>
      %dma_wait3A_952 = tpu.memref_slice %dma_wait3A_951[%mul3A_159] : memref<512xf32, #tpu.memory_space<vmem>> -> memref<128xf32, #tpu.memory_space<vmem>>
      %dma_wait3A_953 = arith.constant 0 : i32
      %dma_wait3A_954 = tpu.memref_slice %arg5[%select_n3A_157, %dma_wait3A_953] : memref<4x128xi32, #tpu.memory_space<vmem>> -> memref<1x128xi32, #tpu.memory_space<vmem>>
      %dma_wait3A_955 = tpu.memref_squeeze %dma_wait3A_954 : memref<1x128xi32, #tpu.memory_space<vmem>> -> memref<128xi32, #tpu.memory_space<vmem>>
      %dma_wait3A_956 = arith.constant 0 : i32
      %dma_wait3A_957 = tpu.memref_slice %arg3[%select_n3A_141, %dma_wait3A_956] : memref<32x1015808xf32, #tpu.memory_space<hbm>> -> memref<1x1015808xf32, #tpu.memory_space<hbm>>
      %dma_wait3A_958 = tpu.memref_squeeze %dma_wait3A_957 : memref<1x1015808xf32, #tpu.memory_space<hbm>> -> memref<1015808xf32, #tpu.memory_space<hbm>>
      %dma_wait3A_959 = arith.constant 0 : i32
      %dma_wait3A_960 = tpu.memref_slice %dma_wait3A_958[%dma_wait3A_959] : memref<1015808xf32, #tpu.memory_space<hbm>> -> memref<1015808xf32, #tpu.memory_space<hbm>>
      tpu.wait_indirect_dma semaphore(%arg7 : memref<!tpu.dma_semaphore, #tpu.memory_space<semaphore_mem>>) src(%dma_wait3A_960 : memref<1015808xf32, #tpu.memory_space<hbm>>) dst(%dma_wait3A_952 : memref<128xf32, #tpu.memory_space<vmem>>)
      %dma_wait3A_961 = arith.constant 0 : i32
      %dma_wait3A_962 = tpu.memref_slice %arg6[%select_n3A_199, %dma_wait3A_961] : memref<32x512xf32, #tpu.memory_space<vmem>> -> memref<1x512xf32, #tpu.memory_space<vmem>>
      %dma_wait3A_963 = tpu.memref_squeeze %dma_wait3A_962 : memref<1x512xf32, #tpu.memory_space<vmem>> -> memref<512xf32, #tpu.memory_space<vmem>>
      %dma_wait3A_964 = tpu.memref_slice %dma_wait3A_963[%mul3A_217] : memref<512xf32, #tpu.memory_space<vmem>> -> memref<128xf32, #tpu.memory_space<vmem>>
      %dma_wait3A_965 = arith.constant 0 : i32
      %dma_wait3A_966 = tpu.memref_slice %arg5[%select_n3A_215, %dma_wait3A_965] : memref<4x128xi32, #tpu.memory_space<vmem>> -> memref<1x128xi32, #tpu.memory_space<vmem>>
      %dma_wait3A_967 = tpu.memref_squeeze %dma_wait3A_966 : memref<1x128xi32, #tpu.memory_space<vmem>> -> memref<128xi32, #tpu.memory_space<vmem>>
      %dma_wait3A_968 = arith.constant 0 : i32
      %dma_wait3A_969 = tpu.memref_slice %arg3[%select_n3A_199, %dma_wait3A_968] : memref<32x1015808xf32, #tpu.memory_space<hbm>> -> memref<1x1015808xf32, #tpu.memory_space<hbm>>
      %dma_wait3A_970 = tpu.memref_squeeze %dma_wait3A_969 : memref<1x1015808xf32, #tpu.memory_space<hbm>> -> memref<1015808xf32, #tpu.memory_space<hbm>>
      %dma_wait3A_971 = arith.constant 0 : i32
      %dma_wait3A_972 = tpu.memref_slice %dma_wait3A_970[%dma_wait3A_971] : memref<1015808xf32, #tpu.memory_space<hbm>> -> memref<1015808xf32, #tpu.memory_space<hbm>>
      tpu.wait_indirect_dma semaphore(%arg7 : memref<!tpu.dma_semaphore, #tpu.memory_space<semaphore_mem>>) src(%dma_wait3A_972 : memref<1015808xf32, #tpu.memory_space<hbm>>) dst(%dma_wait3A_964 : memref<128xf32, #tpu.memory_space<vmem>>)
      %dma_wait3A_973 = arith.constant 0 : i32
      %dma_wait3A_974 = tpu.memref_slice %arg6[%select_n3A_257, %dma_wait3A_973] : memref<32x512xf32, #tpu.memory_space<vmem>> -> memref<1x512xf32, #tpu.memory_space<vmem>>
      %dma_wait3A_975 = tpu.memref_squeeze %dma_wait3A_974 : memref<1x512xf32, #tpu.memory_space<vmem>> -> memref<512xf32, #tpu.memory_space<vmem>>
      %dma_wait3A_976 = tpu.memref_slice %dma_wait3A_975[%mul3A_275] : memref<512xf32, #tpu.memory_space<vmem>> -> memref<128xf32, #tpu.memory_space<vmem>>
      %dma_wait3A_977 = arith.constant 0 : i32
      %dma_wait3A_978 = tpu.memref_slice %arg5[%select_n3A_273, %dma_wait3A_977] : memref<4x128xi32, #tpu.memory_space<vmem>> -> memref<1x128xi32, #tpu.memory_space<vmem>>
      %dma_wait3A_979 = tpu.memref_squeeze %dma_wait3A_978 : memref<1x128xi32, #tpu.memory_space<vmem>> -> memref<128xi32, #tpu.memory_space<vmem>>
      %dma_wait3A_980 = arith.constant 0 : i32
      %dma_wait3A_981 = tpu.memref_slice %arg3[%select_n3A_257, %dma_wait3A_980] : memref<32x1015808xf32, #tpu.memory_space<hbm>> -> memref<1x1015808xf32, #tpu.memory_space<hbm>>
      %dma_wait3A_982 = tpu.memref_squeeze %dma_wait3A_981 : memref<1x1015808xf32, #tpu.memory_space<hbm>> -> memref<1015808xf32, #tpu.memory_space<hbm>>
      %dma_wait3A_983 = arith.constant 0 : i32
      %dma_wait3A_984 = tpu.memref_slice %dma_wait3A_982[%dma_wait3A_983] : memref<1015808xf32, #tpu.memory_space<hbm>> -> memref<1015808xf32, #tpu.memory_space<hbm>>
      tpu.wait_indirect_dma semaphore(%arg7 : memref<!tpu.dma_semaphore, #tpu.memory_space<semaphore_mem>>) src(%dma_wait3A_984 : memref<1015808xf32, #tpu.memory_space<hbm>>) dst(%dma_wait3A_976 : memref<128xf32, #tpu.memory_space<vmem>>)
      %dma_wait3A_985 = arith.constant 0 : i32
      %dma_wait3A_986 = tpu.memref_slice %arg6[%select_n3A_315, %dma_wait3A_985] : memref<32x512xf32, #tpu.memory_space<vmem>> -> memref<1x512xf32, #tpu.memory_space<vmem>>
      %dma_wait3A_987 = tpu.memref_squeeze %dma_wait3A_986 : memref<1x512xf32, #tpu.memory_space<vmem>> -> memref<512xf32, #tpu.memory_space<vmem>>
      %dma_wait3A_988 = tpu.memref_slice %dma_wait3A_987[%mul3A_333] : memref<512xf32, #tpu.memory_space<vmem>> -> memref<128xf32, #tpu.memory_space<vmem>>
      %dma_wait3A_989 = arith.constant 0 : i32
      %dma_wait3A_990 = tpu.memref_slice %arg5[%select_n3A_331, %dma_wait3A_989] : memref<4x128xi32, #tpu.memory_space<vmem>> -> memref<1x128xi32, #tpu.memory_space<vmem>>
      %dma_wait3A_991 = tpu.memref_squeeze %dma_wait3A_990 : memref<1x128xi32, #tpu.memory_space<vmem>> -> memref<128xi32, #tpu.memory_space<vmem>>
      %dma_wait3A_992 = arith.constant 0 : i32
      %dma_wait3A_993 = tpu.memref_slice %arg3[%select_n3A_315, %dma_wait3A_992] : memref<32x1015808xf32, #tpu.memory_space<hbm>> -> memref<1x1015808xf32, #tpu.memory_space<hbm>>
      %dma_wait3A_994 = tpu.memref_squeeze %dma_wait3A_993 : memref<1x1015808xf32, #tpu.memory_space<hbm>> -> memref<1015808xf32, #tpu.memory_space<hbm>>
      %dma_wait3A_995 = arith.constant 0 : i32
      %dma_wait3A_996 = tpu.memref_slice %dma_wait3A_994[%dma_wait3A_995] : memref<1015808xf32, #tpu.memory_space<hbm>> -> memref<1015808xf32, #tpu.memory_space<hbm>>
      tpu.wait_indirect_dma semaphore(%arg7 : memref<!tpu.dma_semaphore, #tpu.memory_space<semaphore_mem>>) src(%dma_wait3A_996 : memref<1015808xf32, #tpu.memory_space<hbm>>) dst(%dma_wait3A_988 : memref<128xf32, #tpu.memory_space<vmem>>)
      %dma_wait3A_997 = arith.constant 0 : i32
      %dma_wait3A_998 = tpu.memref_slice %arg6[%select_n3A_373, %dma_wait3A_997] : memref<32x512xf32, #tpu.memory_space<vmem>> -> memref<1x512xf32, #tpu.memory_space<vmem>>
      %dma_wait3A_999 = tpu.memref_squeeze %dma_wait3A_998 : memref<1x512xf32, #tpu.memory_space<vmem>> -> memref<512xf32, #tpu.memory_space<vmem>>
      %dma_wait3A_1000 = tpu.memref_slice %dma_wait3A_999[%mul3A_391] : memref<512xf32, #tpu.memory_space<vmem>> -> memref<128xf32, #tpu.memory_space<vmem>>
      %dma_wait3A_1001 = arith.constant 0 : i32
      %dma_wait3A_1002 = tpu.memref_slice %arg5[%select_n3A_389, %dma_wait3A_1001] : memref<4x128xi32, #tpu.memory_space<vmem>> -> memref<1x128xi32, #tpu.memory_space<vmem>>
      %dma_wait3A_1003 = tpu.memref_squeeze %dma_wait3A_1002 : memref<1x128xi32, #tpu.memory_space<vmem>> -> memref<128xi32, #tpu.memory_space<vmem>>
      %dma_wait3A_1004 = arith.constant 0 : i32
      %dma_wait3A_1005 = tpu.memref_slice %arg3[%select_n3A_373, %dma_wait3A_1004] : memref<32x1015808xf32, #tpu.memory_space<hbm>> -> memref<1x1015808xf32, #tpu.memory_space<hbm>>
      %dma_wait3A_1006 = tpu.memref_squeeze %dma_wait3A_1005 : memref<1x1015808xf32, #tpu.memory_space<hbm>> -> memref<1015808xf32, #tpu.memory_space<hbm>>
      %dma_wait3A_1007 = arith.constant 0 : i32
      %dma_wait3A_1008 = tpu.memref_slice %dma_wait3A_1006[%dma_wait3A_1007] : memref<1015808xf32, #tpu.memory_space<hbm>> -> memref<1015808xf32, #tpu.memory_space<hbm>>
      tpu.wait_indirect_dma semaphore(%arg7 : memref<!tpu.dma_semaphore, #tpu.memory_space<semaphore_mem>>) src(%dma_wait3A_1008 : memref<1015808xf32, #tpu.memory_space<hbm>>) dst(%dma_wait3A_1000 : memref<128xf32, #tpu.memory_space<vmem>>)
      %dma_wait3A_1009 = arith.constant 0 : i32
      %dma_wait3A_1010 = tpu.memref_slice %arg6[%select_n3A_431, %dma_wait3A_1009] : memref<32x512xf32, #tpu.memory_space<vmem>> -> memref<1x512xf32, #tpu.memory_space<vmem>>
      %dma_wait3A_1011 = tpu.memref_squeeze %dma_wait3A_1010 : memref<1x512xf32, #tpu.memory_space<vmem>> -> memref<512xf32, #tpu.memory_space<vmem>>
      %dma_wait3A_1012 = tpu.memref_slice %dma_wait3A_1011[%mul3A_449] : memref<512xf32, #tpu.memory_space<vmem>> -> memref<128xf32, #tpu.memory_space<vmem>>
      %dma_wait3A_1013 = arith.constant 0 : i32
      %dma_wait3A_1014 = tpu.memref_slice %arg5[%select_n3A_447, %dma_wait3A_1013] : memref<4x128xi32, #tpu.memory_space<vmem>> -> memref<1x128xi32, #tpu.memory_space<vmem>>
      %dma_wait3A_1015 = tpu.memref_squeeze %dma_wait3A_1014 : memref<1x128xi32, #tpu.memory_space<vmem>> -> memref<128xi32, #tpu.memory_space<vmem>>
      %dma_wait3A_1016 = arith.constant 0 : i32
      %dma_wait3A_1017 = tpu.memref_slice %arg3[%select_n3A_431, %dma_wait3A_1016] : memref<32x1015808xf32, #tpu.memory_space<hbm>> -> memref<1x1015808xf32, #tpu.memory_space<hbm>>
      %dma_wait3A_1018 = tpu.memref_squeeze %dma_wait3A_1017 : memref<1x1015808xf32, #tpu.memory_space<hbm>> -> memref<1015808xf32, #tpu.memory_space<hbm>>
      %dma_wait3A_1019 = arith.constant 0 : i32
      %dma_wait3A_1020 = tpu.memref_slice %dma_wait3A_1018[%dma_wait3A_1019] : memref<1015808xf32, #tpu.memory_space<hbm>> -> memref<1015808xf32, #tpu.memory_space<hbm>>
      tpu.wait_indirect_dma semaphore(%arg7 : memref<!tpu.dma_semaphore, #tpu.memory_space<semaphore_mem>>) src(%dma_wait3A_1020 : memref<1015808xf32, #tpu.memory_space<hbm>>) dst(%dma_wait3A_1012 : memref<128xf32, #tpu.memory_space<vmem>>)
      %dma_wait3A_1021 = arith.constant 0 : i32
      %dma_wait3A_1022 = tpu.memref_slice %arg6[%select_n3A_489, %dma_wait3A_1021] : memref<32x512xf32, #tpu.memory_space<vmem>> -> memref<1x512xf32, #tpu.memory_space<vmem>>
      %dma_wait3A_1023 = tpu.memref_squeeze %dma_wait3A_1022 : memref<1x512xf32, #tpu.memory_space<vmem>> -> memref<512xf32, #tpu.memory_space<vmem>>
      %dma_wait3A_1024 = tpu.memref_slice %dma_wait3A_1023[%mul3A_507] : memref<512xf32, #tpu.memory_space<vmem>> -> memref<128xf32, #tpu.memory_space<vmem>>
      %dma_wait3A_1025 = arith.constant 0 : i32
      %dma_wait3A_1026 = tpu.memref_slice %arg5[%select_n3A_505, %dma_wait3A_1025] : memref<4x128xi32, #tpu.memory_space<vmem>> -> memref<1x128xi32, #tpu.memory_space<vmem>>
      %dma_wait3A_1027 = tpu.memref_squeeze %dma_wait3A_1026 : memref<1x128xi32, #tpu.memory_space<vmem>> -> memref<128xi32, #tpu.memory_space<vmem>>
      %dma_wait3A_1028 = arith.constant 0 : i32
      %dma_wait3A_1029 = tpu.memref_slice %arg3[%select_n3A_489, %dma_wait3A_1028] : memref<32x1015808xf32, #tpu.memory_space<hbm>> -> memref<1x1015808xf32, #tpu.memory_space<hbm>>
      %dma_wait3A_1030 = tpu.memref_squeeze %dma_wait3A_1029 : memref<1x1015808xf32, #tpu.memory_space<hbm>> -> memref<1015808xf32, #tpu.memory_space<hbm>>
      %dma_wait3A_1031 = arith.constant 0 : i32
      %dma_wait3A_1032 = tpu.memref_slice %dma_wait3A_1030[%dma_wait3A_1031] : memref<1015808xf32, #tpu.memory_space<hbm>> -> memref<1015808xf32, #tpu.memory_space<hbm>>
      tpu.wait_indirect_dma semaphore(%arg7 : memref<!tpu.dma_semaphore, #tpu.memory_space<semaphore_mem>>) src(%dma_wait3A_1032 : memref<1015808xf32, #tpu.memory_space<hbm>>) dst(%dma_wait3A_1024 : memref<128xf32, #tpu.memory_space<vmem>>)
      %dma_wait3A_1033 = arith.constant 0 : i32
      %dma_wait3A_1034 = tpu.memref_slice %arg6[%select_n3A_547, %dma_wait3A_1033] : memref<32x512xf32, #tpu.memory_space<vmem>> -> memref<1x512xf32, #tpu.memory_space<vmem>>
      %dma_wait3A_1035 = tpu.memref_squeeze %dma_wait3A_1034 : memref<1x512xf32, #tpu.memory_space<vmem>> -> memref<512xf32, #tpu.memory_space<vmem>>
      %dma_wait3A_1036 = tpu.memref_slice %dma_wait3A_1035[%mul3A_565] : memref<512xf32, #tpu.memory_space<vmem>> -> memref<128xf32, #tpu.memory_space<vmem>>
      %dma_wait3A_1037 = arith.constant 0 : i32
      %dma_wait3A_1038 = tpu.memref_slice %arg5[%select_n3A_563, %dma_wait3A_1037] : memref<4x128xi32, #tpu.memory_space<vmem>> -> memref<1x128xi32, #tpu.memory_space<vmem>>
      %dma_wait3A_1039 = tpu.memref_squeeze %dma_wait3A_1038 : memref<1x128xi32, #tpu.memory_space<vmem>> -> memref<128xi32, #tpu.memory_space<vmem>>
      %dma_wait3A_1040 = arith.constant 0 : i32
      %dma_wait3A_1041 = tpu.memref_slice %arg3[%select_n3A_547, %dma_wait3A_1040] : memref<32x1015808xf32, #tpu.memory_space<hbm>> -> memref<1x1015808xf32, #tpu.memory_space<hbm>>
      %dma_wait3A_1042 = tpu.memref_squeeze %dma_wait3A_1041 : memref<1x1015808xf32, #tpu.memory_space<hbm>> -> memref<1015808xf32, #tpu.memory_space<hbm>>
      %dma_wait3A_1043 = arith.constant 0 : i32
      %dma_wait3A_1044 = tpu.memref_slice %dma_wait3A_1042[%dma_wait3A_1043] : memref<1015808xf32, #tpu.memory_space<hbm>> -> memref<1015808xf32, #tpu.memory_space<hbm>>
      tpu.wait_indirect_dma semaphore(%arg7 : memref<!tpu.dma_semaphore, #tpu.memory_space<semaphore_mem>>) src(%dma_wait3A_1044 : memref<1015808xf32, #tpu.memory_space<hbm>>) dst(%dma_wait3A_1036 : memref<128xf32, #tpu.memory_space<vmem>>)
      %dma_wait3A_1045 = arith.constant 0 : i32
      %dma_wait3A_1046 = tpu.memref_slice %arg6[%select_n3A_605, %dma_wait3A_1045] : memref<32x512xf32, #tpu.memory_space<vmem>> -> memref<1x512xf32, #tpu.memory_space<vmem>>
      %dma_wait3A_1047 = tpu.memref_squeeze %dma_wait3A_1046 : memref<1x512xf32, #tpu.memory_space<vmem>> -> memref<512xf32, #tpu.memory_space<vmem>>
      %dma_wait3A_1048 = tpu.memref_slice %dma_wait3A_1047[%mul3A_623] : memref<512xf32, #tpu.memory_space<vmem>> -> memref<128xf32, #tpu.memory_space<vmem>>
      %dma_wait3A_1049 = arith.constant 0 : i32
      %dma_wait3A_1050 = tpu.memref_slice %arg5[%select_n3A_621, %dma_wait3A_1049] : memref<4x128xi32, #tpu.memory_space<vmem>> -> memref<1x128xi32, #tpu.memory_space<vmem>>
      %dma_wait3A_1051 = tpu.memref_squeeze %dma_wait3A_1050 : memref<1x128xi32, #tpu.memory_space<vmem>> -> memref<128xi32, #tpu.memory_space<vmem>>
      %dma_wait3A_1052 = arith.constant 0 : i32
      %dma_wait3A_1053 = tpu.memref_slice %arg3[%select_n3A_605, %dma_wait3A_1052] : memref<32x1015808xf32, #tpu.memory_space<hbm>> -> memref<1x1015808xf32, #tpu.memory_space<hbm>>
      %dma_wait3A_1054 = tpu.memref_squeeze %dma_wait3A_1053 : memref<1x1015808xf32, #tpu.memory_space<hbm>> -> memref<1015808xf32, #tpu.memory_space<hbm>>
      %dma_wait3A_1055 = arith.constant 0 : i32
      %dma_wait3A_1056 = tpu.memref_slice %dma_wait3A_1054[%dma_wait3A_1055] : memref<1015808xf32, #tpu.memory_space<hbm>> -> memref<1015808xf32, #tpu.memory_space<hbm>>
      tpu.wait_indirect_dma semaphore(%arg7 : memref<!tpu.dma_semaphore, #tpu.memory_space<semaphore_mem>>) src(%dma_wait3A_1056 : memref<1015808xf32, #tpu.memory_space<hbm>>) dst(%dma_wait3A_1048 : memref<128xf32, #tpu.memory_space<vmem>>)
      %dma_wait3A_1057 = arith.constant 0 : i32
      %dma_wait3A_1058 = tpu.memref_slice %arg6[%select_n3A_663, %dma_wait3A_1057] : memref<32x512xf32, #tpu.memory_space<vmem>> -> memref<1x512xf32, #tpu.memory_space<vmem>>
      %dma_wait3A_1059 = tpu.memref_squeeze %dma_wait3A_1058 : memref<1x512xf32, #tpu.memory_space<vmem>> -> memref<512xf32, #tpu.memory_space<vmem>>
      %dma_wait3A_1060 = tpu.memref_slice %dma_wait3A_1059[%mul3A_681] : memref<512xf32, #tpu.memory_space<vmem>> -> memref<128xf32, #tpu.memory_space<vmem>>
      %dma_wait3A_1061 = arith.constant 0 : i32
      %dma_wait3A_1062 = tpu.memref_slice %arg5[%select_n3A_679, %dma_wait3A_1061] : memref<4x128xi32, #tpu.memory_space<vmem>> -> memref<1x128xi32, #tpu.memory_space<vmem>>
      %dma_wait3A_1063 = tpu.memref_squeeze %dma_wait3A_1062 : memref<1x128xi32, #tpu.memory_space<vmem>> -> memref<128xi32, #tpu.memory_space<vmem>>
      %dma_wait3A_1064 = arith.constant 0 : i32
      %dma_wait3A_1065 = tpu.memref_slice %arg3[%select_n3A_663, %dma_wait3A_1064] : memref<32x1015808xf32, #tpu.memory_space<hbm>> -> memref<1x1015808xf32, #tpu.memory_space<hbm>>
      %dma_wait3A_1066 = tpu.memref_squeeze %dma_wait3A_1065 : memref<1x1015808xf32, #tpu.memory_space<hbm>> -> memref<1015808xf32, #tpu.memory_space<hbm>>
      %dma_wait3A_1067 = arith.constant 0 : i32
      %dma_wait3A_1068 = tpu.memref_slice %dma_wait3A_1066[%dma_wait3A_1067] : memref<1015808xf32, #tpu.memory_space<hbm>> -> memref<1015808xf32, #tpu.memory_space<hbm>>
      tpu.wait_indirect_dma semaphore(%arg7 : memref<!tpu.dma_semaphore, #tpu.memory_space<semaphore_mem>>) src(%dma_wait3A_1068 : memref<1015808xf32, #tpu.memory_space<hbm>>) dst(%dma_wait3A_1060 : memref<128xf32, #tpu.memory_space<vmem>>)
      %dma_wait3A_1069 = arith.constant 0 : i32
      %dma_wait3A_1070 = tpu.memref_slice %arg6[%select_n3A_721, %dma_wait3A_1069] : memref<32x512xf32, #tpu.memory_space<vmem>> -> memref<1x512xf32, #tpu.memory_space<vmem>>
      %dma_wait3A_1071 = tpu.memref_squeeze %dma_wait3A_1070 : memref<1x512xf32, #tpu.memory_space<vmem>> -> memref<512xf32, #tpu.memory_space<vmem>>
      %dma_wait3A_1072 = tpu.memref_slice %dma_wait3A_1071[%mul3A_739] : memref<512xf32, #tpu.memory_space<vmem>> -> memref<128xf32, #tpu.memory_space<vmem>>
      %dma_wait3A_1073 = arith.constant 0 : i32
      %dma_wait3A_1074 = tpu.memref_slice %arg5[%select_n3A_737, %dma_wait3A_1073] : memref<4x128xi32, #tpu.memory_space<vmem>> -> memref<1x128xi32, #tpu.memory_space<vmem>>
      %dma_wait3A_1075 = tpu.memref_squeeze %dma_wait3A_1074 : memref<1x128xi32, #tpu.memory_space<vmem>> -> memref<128xi32, #tpu.memory_space<vmem>>
      %dma_wait3A_1076 = arith.constant 0 : i32
      %dma_wait3A_1077 = tpu.memref_slice %arg3[%select_n3A_721, %dma_wait3A_1076] : memref<32x1015808xf32, #tpu.memory_space<hbm>> -> memref<1x1015808xf32, #tpu.memory_space<hbm>>
      %dma_wait3A_1078 = tpu.memref_squeeze %dma_wait3A_1077 : memref<1x1015808xf32, #tpu.memory_space<hbm>> -> memref<1015808xf32, #tpu.memory_space<hbm>>
      %dma_wait3A_1079 = arith.constant 0 : i32
      %dma_wait3A_1080 = tpu.memref_slice %dma_wait3A_1078[%dma_wait3A_1079] : memref<1015808xf32, #tpu.memory_space<hbm>> -> memref<1015808xf32, #tpu.memory_space<hbm>>
      tpu.wait_indirect_dma semaphore(%arg7 : memref<!tpu.dma_semaphore, #tpu.memory_space<semaphore_mem>>) src(%dma_wait3A_1080 : memref<1015808xf32, #tpu.memory_space<hbm>>) dst(%dma_wait3A_1072 : memref<128xf32, #tpu.memory_space<vmem>>)
      %dma_wait3A_1081 = arith.constant 0 : i32
      %dma_wait3A_1082 = tpu.memref_slice %arg6[%select_n3A_779, %dma_wait3A_1081] : memref<32x512xf32, #tpu.memory_space<vmem>> -> memref<1x512xf32, #tpu.memory_space<vmem>>
      %dma_wait3A_1083 = tpu.memref_squeeze %dma_wait3A_1082 : memref<1x512xf32, #tpu.memory_space<vmem>> -> memref<512xf32, #tpu.memory_space<vmem>>
      %dma_wait3A_1084 = tpu.memref_slice %dma_wait3A_1083[%mul3A_797] : memref<512xf32, #tpu.memory_space<vmem>> -> memref<128xf32, #tpu.memory_space<vmem>>
      %dma_wait3A_1085 = arith.constant 0 : i32
      %dma_wait3A_1086 = tpu.memref_slice %arg5[%select_n3A_795, %dma_wait3A_1085] : memref<4x128xi32, #tpu.memory_space<vmem>> -> memref<1x128xi32, #tpu.memory_space<vmem>>
      %dma_wait3A_1087 = tpu.memref_squeeze %dma_wait3A_1086 : memref<1x128xi32, #tpu.memory_space<vmem>> -> memref<128xi32, #tpu.memory_space<vmem>>
      %dma_wait3A_1088 = arith.constant 0 : i32
      %dma_wait3A_1089 = tpu.memref_slice %arg3[%select_n3A_779, %dma_wait3A_1088] : memref<32x1015808xf32, #tpu.memory_space<hbm>> -> memref<1x1015808xf32, #tpu.memory_space<hbm>>
      %dma_wait3A_1090 = tpu.memref_squeeze %dma_wait3A_1089 : memref<1x1015808xf32, #tpu.memory_space<hbm>> -> memref<1015808xf32, #tpu.memory_space<hbm>>
      %dma_wait3A_1091 = arith.constant 0 : i32
      %dma_wait3A_1092 = tpu.memref_slice %dma_wait3A_1090[%dma_wait3A_1091] : memref<1015808xf32, #tpu.memory_space<hbm>> -> memref<1015808xf32, #tpu.memory_space<hbm>>
      tpu.wait_indirect_dma semaphore(%arg7 : memref<!tpu.dma_semaphore, #tpu.memory_space<semaphore_mem>>) src(%dma_wait3A_1092 : memref<1015808xf32, #tpu.memory_space<hbm>>) dst(%dma_wait3A_1084 : memref<128xf32, #tpu.memory_space<vmem>>)
      %dma_wait3A_1093 = arith.constant 0 : i32
      %dma_wait3A_1094 = tpu.memref_slice %arg6[%select_n3A_837, %dma_wait3A_1093] : memref<32x512xf32, #tpu.memory_space<vmem>> -> memref<1x512xf32, #tpu.memory_space<vmem>>
      %dma_wait3A_1095 = tpu.memref_squeeze %dma_wait3A_1094 : memref<1x512xf32, #tpu.memory_space<vmem>> -> memref<512xf32, #tpu.memory_space<vmem>>
      %dma_wait3A_1096 = tpu.memref_slice %dma_wait3A_1095[%mul3A_855] : memref<512xf32, #tpu.memory_space<vmem>> -> memref<128xf32, #tpu.memory_space<vmem>>
      %dma_wait3A_1097 = arith.constant 0 : i32
      %dma_wait3A_1098 = tpu.memref_slice %arg5[%select_n3A_853, %dma_wait3A_1097] : memref<4x128xi32, #tpu.memory_space<vmem>> -> memref<1x128xi32, #tpu.memory_space<vmem>>
      %dma_wait3A_1099 = tpu.memref_squeeze %dma_wait3A_1098 : memref<1x128xi32, #tpu.memory_space<vmem>> -> memref<128xi32, #tpu.memory_space<vmem>>
      %dma_wait3A_1100 = arith.constant 0 : i32
      %dma_wait3A_1101 = tpu.memref_slice %arg3[%select_n3A_837, %dma_wait3A_1100] : memref<32x1015808xf32, #tpu.memory_space<hbm>> -> memref<1x1015808xf32, #tpu.memory_space<hbm>>
      %dma_wait3A_1102 = tpu.memref_squeeze %dma_wait3A_1101 : memref<1x1015808xf32, #tpu.memory_space<hbm>> -> memref<1015808xf32, #tpu.memory_space<hbm>>
      %dma_wait3A_1103 = arith.constant 0 : i32
      %dma_wait3A_1104 = tpu.memref_slice %dma_wait3A_1102[%dma_wait3A_1103] : memref<1015808xf32, #tpu.memory_space<hbm>> -> memref<1015808xf32, #tpu.memory_space<hbm>>
      tpu.wait_indirect_dma semaphore(%arg7 : memref<!tpu.dma_semaphore, #tpu.memory_space<semaphore_mem>>) src(%dma_wait3A_1104 : memref<1015808xf32, #tpu.memory_space<hbm>>) dst(%dma_wait3A_1096 : memref<128xf32, #tpu.memory_space<vmem>>)
      %dma_wait3A_1105 = arith.constant 0 : i32
      %dma_wait3A_1106 = tpu.memref_slice %arg6[%select_n3A_895, %dma_wait3A_1105] : memref<32x512xf32, #tpu.memory_space<vmem>> -> memref<1x512xf32, #tpu.memory_space<vmem>>
      %dma_wait3A_1107 = tpu.memref_squeeze %dma_wait3A_1106 : memref<1x512xf32, #tpu.memory_space<vmem>> -> memref<512xf32, #tpu.memory_space<vmem>>
      %dma_wait3A_1108 = tpu.memref_slice %dma_wait3A_1107[%mul3A_913] : memref<512xf32, #tpu.memory_space<vmem>> -> memref<128xf32, #tpu.memory_space<vmem>>
      %dma_wait3A_1109 = arith.constant 0 : i32
      %dma_wait3A_1110 = tpu.memref_slice %arg5[%select_n3A_911, %dma_wait3A_1109] : memref<4x128xi32, #tpu.memory_space<vmem>> -> memref<1x128xi32, #tpu.memory_space<vmem>>
      %dma_wait3A_1111 = tpu.memref_squeeze %dma_wait3A_1110 : memref<1x128xi32, #tpu.memory_space<vmem>> -> memref<128xi32, #tpu.memory_space<vmem>>
      %dma_wait3A_1112 = arith.constant 0 : i32
      %dma_wait3A_1113 = tpu.memref_slice %arg3[%select_n3A_895, %dma_wait3A_1112] : memref<32x1015808xf32, #tpu.memory_space<hbm>> -> memref<1x1015808xf32, #tpu.memory_space<hbm>>
      %dma_wait3A_1114 = tpu.memref_squeeze %dma_wait3A_1113 : memref<1x1015808xf32, #tpu.memory_space<hbm>> -> memref<1015808xf32, #tpu.memory_space<hbm>>
      %dma_wait3A_1115 = arith.constant 0 : i32
      %dma_wait3A_1116 = tpu.memref_slice %dma_wait3A_1114[%dma_wait3A_1115] : memref<1015808xf32, #tpu.memory_space<hbm>> -> memref<1015808xf32, #tpu.memory_space<hbm>>
      tpu.wait_indirect_dma semaphore(%arg7 : memref<!tpu.dma_semaphore, #tpu.memory_space<semaphore_mem>>) src(%dma_wait3A_1116 : memref<1015808xf32, #tpu.memory_space<hbm>>) dst(%dma_wait3A_1108 : memref<128xf32, #tpu.memory_space<vmem>>)
    }
    %scan3A_7 = arith.constant 8 : i32
    "tpu.region"() ({
      %run_scoped3A = tpu.sem_alloc : memref<!tpu.dma_semaphore, #tpu.memory_space<semaphore_mem>>
      %dma_start3A = arith.constant 0 : i32
      %dma_start3A_8 = tpu.memref_slice %arg4[%dma_start3A, %mul3A_2] : memref<32x16384xf32, #tpu.memory_space<hbm>> -> memref<32x512xf32, #tpu.memory_space<hbm>>
      %dma_start3A_9 = arith.constant 0 : i32
      %dma_start3A_10 = tpu.memref_slice %arg4[%dma_start3A_9, %mul3A_2] : memref<32x16384xf32, #tpu.memory_space<hbm>> -> memref<32x512xf32, #tpu.memory_space<hbm>>
      tpu.enqueue_dma source(%arg6 : memref<32x512xf32, #tpu.memory_space<vmem>>) target(%dma_start3A_10 : memref<32x512xf32, #tpu.memory_space<hbm>>) target_semaphore(%run_scoped3A : memref<!tpu.dma_semaphore, #tpu.memory_space<semaphore_mem>>)
      %dma_wait3A = arith.constant 0 : i32
      %dma_wait3A_11 = tpu.memref_slice %arg4[%dma_wait3A, %mul3A_2] : memref<32x16384xf32, #tpu.memory_space<hbm>> -> memref<32x512xf32, #tpu.memory_space<hbm>>
      %dma_wait3A_12 = arith.constant 0 : i32
      %dma_wait3A_13 = tpu.memref_slice %arg4[%dma_wait3A_12, %mul3A_2] : memref<32x16384xf32, #tpu.memory_space<hbm>> -> memref<32x512xf32, #tpu.memory_space<hbm>>
      tpu.wait_dma2 semaphore(%run_scoped3A : memref<!tpu.dma_semaphore, #tpu.memory_space<semaphore_mem>>) src(%arg6 : memref<32x512xf32, #tpu.memory_space<vmem>>) dst(%dma_wait3A_13 : memref<32x512xf32, #tpu.memory_space<hbm>>)
      tpu.yield
    }) : () -> ()
    return
  }
}

#map = affine_map<(d0, d1) -> (0, 0, 0)>
#map1 = affine_map<(d0, d1) -> (0, 0)>
module attributes {stable_mosaic.version = 14 : i64} {
  func.func @gather(%arg0: i32, %arg1: i32, %arg2: memref<32x4x128xi32, #tpu.memory_space<hbm>>, %arg3: memref<32x1015808xf32, #tpu.memory_space<hbm>>, %arg4: memref<32x16384xf32, #tpu.memory_space<hbm>>, %arg5: memref<4x128xi32, #tpu.memory_space<vmem>>, %arg6: memref<32x512xf32, #tpu.memory_space<vmem>>, %arg7: memref<!tpu.dma_semaphore, #tpu.memory_space<semaphore_mem>>) attributes {dimension_semantics = [#tpu.dimension_semantics<core_parallel>, #tpu.dimension_semantics<subcore_parallel>], iteration_bounds = array<i64: 2, 16>, scalar_prefetch = 0 : i64, scratch_operands = 3 : i64, tpu.core_type = #tpu.core_type<sc_vector_subcore>, window_params = [{transform_indices = #map}, {transform_indices = #map1}, {transform_indices = #map1}]} {
    %mul3A = arith.constant 2 : i32
    %mul3A_0 = arith.muli %arg1, %mul3A : i32
    %add3A = arith.addi %mul3A_0, %arg0 : i32
    %mul3A_1 = arith.constant 512 : i32
    %mul3A_2 = arith.muli %add3A, %mul3A_1 : i32
    "tpu.region"() ({
      %run_scoped3A = tpu.sem_alloc : memref<!tpu.dma_semaphore, #tpu.memory_space<semaphore_mem>>
      %dma_start3A = arith.constant 0 : i32
      %dma_start3A_8 = arith.constant 0 : i32
      %dma_start3A_9 = tpu.memref_slice %arg2[%add3A, %dma_start3A, %dma_start3A_8] : memref<32x4x128xi32, #tpu.memory_space<hbm>> -> memref<1x4x128xi32, #tpu.memory_space<hbm>>
      %dma_start3A_10 = tpu.memref_squeeze %dma_start3A_9 : memref<1x4x128xi32, #tpu.memory_space<hbm>> -> memref<4x128xi32, #tpu.memory_space<hbm>>
      %dma_start3A_11 = arith.constant 0 : i32
      %dma_start3A_12 = arith.constant 0 : i32
      %dma_start3A_13 = tpu.memref_slice %arg2[%add3A, %dma_start3A_11, %dma_start3A_12] : memref<32x4x128xi32, #tpu.memory_space<hbm>> -> memref<1x4x128xi32, #tpu.memory_space<hbm>>
      %dma_start3A_14 = tpu.memref_squeeze %dma_start3A_13 : memref<1x4x128xi32, #tpu.memory_space<hbm>> -> memref<4x128xi32, #tpu.memory_space<hbm>>
      tpu.enqueue_dma source(%dma_start3A_14 : memref<4x128xi32, #tpu.memory_space<hbm>>) target(%arg5 : memref<4x128xi32, #tpu.memory_space<vmem>>) target_semaphore(%run_scoped3A : memref<!tpu.dma_semaphore, #tpu.memory_space<semaphore_mem>>)
      %dma_wait3A = arith.constant 0 : i32
      %dma_wait3A_15 = arith.constant 0 : i32
      %dma_wait3A_16 = tpu.memref_slice %arg2[%add3A, %dma_wait3A, %dma_wait3A_15] : memref<32x4x128xi32, #tpu.memory_space<hbm>> -> memref<1x4x128xi32, #tpu.memory_space<hbm>>
      %dma_wait3A_17 = tpu.memref_squeeze %dma_wait3A_16 : memref<1x4x128xi32, #tpu.memory_space<hbm>> -> memref<4x128xi32, #tpu.memory_space<hbm>>
      %dma_wait3A_18 = arith.constant 0 : i32
      %dma_wait3A_19 = arith.constant 0 : i32
      %dma_wait3A_20 = tpu.memref_slice %arg2[%add3A, %dma_wait3A_18, %dma_wait3A_19] : memref<32x4x128xi32, #tpu.memory_space<hbm>> -> memref<1x4x128xi32, #tpu.memory_space<hbm>>
      %dma_wait3A_21 = tpu.memref_squeeze %dma_wait3A_20 : memref<1x4x128xi32, #tpu.memory_space<hbm>> -> memref<4x128xi32, #tpu.memory_space<hbm>>
      tpu.wait_dma2 semaphore(%run_scoped3A : memref<!tpu.dma_semaphore, #tpu.memory_space<semaphore_mem>>) src(%dma_wait3A_21 : memref<4x128xi32, #tpu.memory_space<hbm>>) dst(%arg5 : memref<4x128xi32, #tpu.memory_space<vmem>>)
      tpu.yield
    }) : () -> ()
    %scan3A = arith.constant 0 : i32
    %scan3A_3 = arith.constant 0 : i32
    %scan3A_4 = arith.constant 8 : i32
    %scan3A_5 = arith.addi %scan3A_3, %scan3A_4 : i32
    %scan3A_6 = arith.constant 1 : i32
    scf.for %scan3A_8 = %scan3A_3 to %scan3A_5 step %scan3A_6  : i32 {
      %mul3A_9 = arith.constant 16 : i32
      %mul3A_10 = arith.muli %scan3A_8, %mul3A_9 : i32
      %add3A_11 = arith.constant 0 : i32
      %add3A_12 = arith.addi %mul3A_10, %add3A_11 : i32
      %jit3A = arith.constant 4 : i32
      %div3A = arith.divsi %add3A_12, %jit3A : i32
      %sign3A = arith.constant 0 : i32
      %sign3A_13 = arith.cmpi sgt, %add3A_12, %sign3A : i32
      %sign3A_14 = arith.extui %sign3A_13 : i1 to i32
      %sign3A_15 = arith.constant 0 : i32
      %sign3A_16 = arith.cmpi slt, %add3A_12, %sign3A_15 : i32
      %sign3A_17 = arith.extui %sign3A_16 : i1 to i32
      %sign3A_18 = arith.subi %sign3A_14, %sign3A_17 : i32
      %sign3A_19 = arith.constant 0 : i32
      %sign3A_20 = arith.cmpi sgt, %jit3A, %sign3A_19 : i32
      %sign3A_21 = arith.extui %sign3A_20 : i1 to i32
      %sign3A_22 = arith.constant 0 : i32
      %sign3A_23 = arith.cmpi slt, %jit3A, %sign3A_22 : i32
      %sign3A_24 = arith.extui %sign3A_23 : i1 to i32
      %sign3A_25 = arith.subi %sign3A_21, %sign3A_24 : i32
      %ne3A = arith.cmpi ne, %sign3A_18, %sign3A_25 : i32
      %rem3A = arith.remsi %add3A_12, %jit3A : i32
      %ne3A_26 = arith.constant 0 : i32
      %ne3A_27 = arith.cmpi ne, %rem3A, %ne3A_26 : i32
      %and3A = arith.andi %ne3A, %ne3A_27 : i1
      %sub3A = arith.constant 1 : i32
      %sub3A_28 = arith.subi %div3A, %sub3A : i32
      %select_n3A = arith.select %and3A, %sub3A_28, %div3A : i32
      %jit3A_29 = arith.constant 4 : i32
      %eq3A = arith.constant 0 : i32
      %eq3A_30 = arith.cmpi eq, %jit3A_29, %eq3A : i32
      %jit3A_31 = arith.constant 1 : i32
      %select_n3A_32 = arith.select %eq3A_30, %jit3A_31, %jit3A_29 : i32
      %rem3A_33 = arith.remsi %add3A_12, %select_n3A_32 : i32
      %ne3A_34 = arith.constant 0 : i32
      %ne3A_35 = arith.cmpi ne, %rem3A_33, %ne3A_34 : i32
      %lt3A = arith.constant 0 : i32
      %lt3A_36 = arith.cmpi slt, %rem3A_33, %lt3A : i32
      %lt3A_37 = arith.constant 0 : i32
      %lt3A_38 = arith.cmpi slt, %select_n3A_32, %lt3A_37 : i32
      %ne3A_39 = arith.xori %lt3A_36, %lt3A_38 : i1
      %and3A_40 = arith.andi %ne3A_39, %ne3A_35 : i1
      %add3A_41 = arith.addi %rem3A_33, %select_n3A_32 : i32
      %select_n3A_42 = arith.select %and3A_40, %add3A_41, %rem3A_33 : i32
      %mul3A_43 = arith.constant 128 : i32
      %mul3A_44 = arith.muli %select_n3A_42, %mul3A_43 : i32
      %dma_start3A = arith.constant 0 : i32
      %dma_start3A_45 = tpu.memref_slice %arg6[%select_n3A, %dma_start3A] : memref<32x512xf32, #tpu.memory_space<vmem>> -> memref<1x512xf32, #tpu.memory_space<vmem>>
      %dma_start3A_46 = tpu.memref_squeeze %dma_start3A_45 : memref<1x512xf32, #tpu.memory_space<vmem>> -> memref<512xf32, #tpu.memory_space<vmem>>
      %dma_start3A_47 = tpu.memref_slice %dma_start3A_46[%mul3A_44] : memref<512xf32, #tpu.memory_space<vmem>> -> memref<128xf32, #tpu.memory_space<vmem>>
      %dma_start3A_48 = arith.constant 0 : i32
      %dma_start3A_49 = tpu.memref_slice %arg5[%select_n3A_42, %dma_start3A_48] : memref<4x128xi32, #tpu.memory_space<vmem>> -> memref<1x128xi32, #tpu.memory_space<vmem>>
      %dma_start3A_50 = tpu.memref_squeeze %dma_start3A_49 : memref<1x128xi32, #tpu.memory_space<vmem>> -> memref<128xi32, #tpu.memory_space<vmem>>
      %dma_start3A_51 = arith.constant 0 : i32
      %dma_start3A_52 = tpu.memref_slice %arg3[%select_n3A, %dma_start3A_51] : memref<32x1015808xf32, #tpu.memory_space<hbm>> -> memref<1x1015808xf32, #tpu.memory_space<hbm>>
      %dma_start3A_53 = tpu.memref_squeeze %dma_start3A_52 : memref<1x1015808xf32, #tpu.memory_space<hbm>> -> memref<1015808xf32, #tpu.memory_space<hbm>>
      %dma_start3A_54 = arith.constant 0 : i32
      %dma_start3A_55 = tpu.memref_slice %dma_start3A_53[%dma_start3A_54] : memref<1015808xf32, #tpu.memory_space<hbm>> -> memref<1015808xf32, #tpu.memory_space<hbm>>
      tpu.enqueue_indirect_dma source(%dma_start3A_55 : memref<1015808xf32, #tpu.memory_space<hbm>>) target(%dma_start3A_47 : memref<128xf32, #tpu.memory_space<vmem>>) offsets(%dma_start3A_50 : memref<128xi32, #tpu.memory_space<vmem>>) semaphore(%arg7 : memref<!tpu.dma_semaphore, #tpu.memory_space<semaphore_mem>>)
      %mul3A_56 = arith.constant 16 : i32
      %mul3A_57 = arith.muli %scan3A_8, %mul3A_56 : i32
      %add3A_58 = arith.constant 1 : i32
      %add3A_59 = arith.addi %mul3A_57, %add3A_58 : i32
      %jit3A_60 = arith.constant 4 : i32
      %div3A_61 = arith.divsi %add3A_59, %jit3A_60 : i32
      %sign3A_62 = arith.constant 0 : i32
      %sign3A_63 = arith.cmpi sgt, %add3A_59, %sign3A_62 : i32
      %sign3A_64 = arith.extui %sign3A_63 : i1 to i32
      %sign3A_65 = arith.constant 0 : i32
      %sign3A_66 = arith.cmpi slt, %add3A_59, %sign3A_65 : i32
      %sign3A_67 = arith.extui %sign3A_66 : i1 to i32
      %sign3A_68 = arith.subi %sign3A_64, %sign3A_67 : i32
      %sign3A_69 = arith.constant 0 : i32
      %sign3A_70 = arith.cmpi sgt, %jit3A_60, %sign3A_69 : i32
      %sign3A_71 = arith.extui %sign3A_70 : i1 to i32
      %sign3A_72 = arith.constant 0 : i32
      %sign3A_73 = arith.cmpi slt, %jit3A_60, %sign3A_72 : i32
      %sign3A_74 = arith.extui %sign3A_73 : i1 to i32
      %sign3A_75 = arith.subi %sign3A_71, %sign3A_74 : i32
      %ne3A_76 = arith.cmpi ne, %sign3A_68, %sign3A_75 : i32
      %rem3A_77 = arith.remsi %add3A_59, %jit3A_60 : i32
      %ne3A_78 = arith.constant 0 : i32
      %ne3A_79 = arith.cmpi ne, %rem3A_77, %ne3A_78 : i32
      %and3A_80 = arith.andi %ne3A_76, %ne3A_79 : i1
      %sub3A_81 = arith.constant 1 : i32
      %sub3A_82 = arith.subi %div3A_61, %sub3A_81 : i32
      %select_n3A_83 = arith.select %and3A_80, %sub3A_82, %div3A_61 : i32
      %jit3A_84 = arith.constant 4 : i32
      %eq3A_85 = arith.constant 0 : i32
      %eq3A_86 = arith.cmpi eq, %jit3A_84, %eq3A_85 : i32
      %jit3A_87 = arith.constant 1 : i32
      %select_n3A_88 = arith.select %eq3A_86, %jit3A_87, %jit3A_84 : i32
      %rem3A_89 = arith.remsi %add3A_59, %select_n3A_88 : i32
      %ne3A_90 = arith.constant 0 : i32
      %ne3A_91 = arith.cmpi ne, %rem3A_89, %ne3A_90 : i32
      %lt3A_92 = arith.constant 0 : i32
      %lt3A_93 = arith.cmpi slt, %rem3A_89, %lt3A_92 : i32
      %lt3A_94 = arith.constant 0 : i32
      %lt3A_95 = arith.cmpi slt, %select_n3A_88, %lt3A_94 : i32
      %ne3A_96 = arith.xori %lt3A_93, %lt3A_95 : i1
      %and3A_97 = arith.andi %ne3A_96, %ne3A_91 : i1
      %add3A_98 = arith.addi %rem3A_89, %select_n3A_88 : i32
      %select_n3A_99 = arith.select %and3A_97, %add3A_98, %rem3A_89 : i32
      %mul3A_100 = arith.constant 128 : i32
      %mul3A_101 = arith.muli %select_n3A_99, %mul3A_100 : i32
      %dma_start3A_102 = arith.constant 0 : i32
      %dma_start3A_103 = tpu.memref_slice %arg6[%select_n3A_83, %dma_start3A_102] : memref<32x512xf32, #tpu.memory_space<vmem>> -> memref<1x512xf32, #tpu.memory_space<vmem>>
      %dma_start3A_104 = tpu.memref_squeeze %dma_start3A_103 : memref<1x512xf32, #tpu.memory_space<vmem>> -> memref<512xf32, #tpu.memory_space<vmem>>
      %dma_start3A_105 = tpu.memref_slice %dma_start3A_104[%mul3A_101] : memref<512xf32, #tpu.memory_space<vmem>> -> memref<128xf32, #tpu.memory_space<vmem>>
      %dma_start3A_106 = arith.constant 0 : i32
      %dma_start3A_107 = tpu.memref_slice %arg5[%select_n3A_99, %dma_start3A_106] : memref<4x128xi32, #tpu.memory_space<vmem>> -> memref<1x128xi32, #tpu.memory_space<vmem>>
      %dma_start3A_108 = tpu.memref_squeeze %dma_start3A_107 : memref<1x128xi32, #tpu.memory_space<vmem>> -> memref<128xi32, #tpu.memory_space<vmem>>
      %dma_start3A_109 = arith.constant 0 : i32
      %dma_start3A_110 = tpu.memref_slice %arg3[%select_n3A_83, %dma_start3A_109] : memref<32x1015808xf32, #tpu.memory_space<hbm>> -> memref<1x1015808xf32, #tpu.memory_space<hbm>>
      %dma_start3A_111 = tpu.memref_squeeze %dma_start3A_110 : memref<1x1015808xf32, #tpu.memory_space<hbm>> -> memref<1015808xf32, #tpu.memory_space<hbm>>
      %dma_start3A_112 = arith.constant 0 : i32
      %dma_start3A_113 = tpu.memref_slice %dma_start3A_111[%dma_start3A_112] : memref<1015808xf32, #tpu.memory_space<hbm>> -> memref<1015808xf32, #tpu.memory_space<hbm>>
      tpu.enqueue_indirect_dma source(%dma_start3A_113 : memref<1015808xf32, #tpu.memory_space<hbm>>) target(%dma_start3A_105 : memref<128xf32, #tpu.memory_space<vmem>>) offsets(%dma_start3A_108 : memref<128xi32, #tpu.memory_space<vmem>>) semaphore(%arg7 : memref<!tpu.dma_semaphore, #tpu.memory_space<semaphore_mem>>)
      %mul3A_114 = arith.constant 16 : i32
      %mul3A_115 = arith.muli %scan3A_8, %mul3A_114 : i32
      %add3A_116 = arith.constant 2 : i32
      %add3A_117 = arith.addi %mul3A_115, %add3A_116 : i32
      %jit3A_118 = arith.constant 4 : i32
      %div3A_119 = arith.divsi %add3A_117, %jit3A_118 : i32
      %sign3A_120 = arith.constant 0 : i32
      %sign3A_121 = arith.cmpi sgt, %add3A_117, %sign3A_120 : i32
      %sign3A_122 = arith.extui %sign3A_121 : i1 to i32
      %sign3A_123 = arith.constant 0 : i32
      %sign3A_124 = arith.cmpi slt, %add3A_117, %sign3A_123 : i32
      %sign3A_125 = arith.extui %sign3A_124 : i1 to i32
      %sign3A_126 = arith.subi %sign3A_122, %sign3A_125 : i32
      %sign3A_127 = arith.constant 0 : i32
      %sign3A_128 = arith.cmpi sgt, %jit3A_118, %sign3A_127 : i32
      %sign3A_129 = arith.extui %sign3A_128 : i1 to i32
      %sign3A_130 = arith.constant 0 : i32
      %sign3A_131 = arith.cmpi slt, %jit3A_118, %sign3A_130 : i32
      %sign3A_132 = arith.extui %sign3A_131 : i1 to i32
      %sign3A_133 = arith.subi %sign3A_129, %sign3A_132 : i32
      %ne3A_134 = arith.cmpi ne, %sign3A_126, %sign3A_133 : i32
      %rem3A_135 = arith.remsi %add3A_117, %jit3A_118 : i32
      %ne3A_136 = arith.constant 0 : i32
      %ne3A_137 = arith.cmpi ne, %rem3A_135, %ne3A_136 : i32
      %and3A_138 = arith.andi %ne3A_134, %ne3A_137 : i1
      %sub3A_139 = arith.constant 1 : i32
      %sub3A_140 = arith.subi %div3A_119, %sub3A_139 : i32
      %select_n3A_141 = arith.select %and3A_138, %sub3A_140, %div3A_119 : i32
      %jit3A_142 = arith.constant 4 : i32
      %eq3A_143 = arith.constant 0 : i32
      %eq3A_144 = arith.cmpi eq, %jit3A_142, %eq3A_143 : i32
      %jit3A_145 = arith.constant 1 : i32
      %select_n3A_146 = arith.select %eq3A_144, %jit3A_145, %jit3A_142 : i32
      %rem3A_147 = arith.remsi %add3A_117, %select_n3A_146 : i32
      %ne3A_148 = arith.constant 0 : i32
      %ne3A_149 = arith.cmpi ne, %rem3A_147, %ne3A_148 : i32
      %lt3A_150 = arith.constant 0 : i32
      %lt3A_151 = arith.cmpi slt, %rem3A_147, %lt3A_150 : i32
      %lt3A_152 = arith.constant 0 : i32
      %lt3A_153 = arith.cmpi slt, %select_n3A_146, %lt3A_152 : i32
      %ne3A_154 = arith.xori %lt3A_151, %lt3A_153 : i1
      %and3A_155 = arith.andi %ne3A_154, %ne3A_149 : i1
      %add3A_156 = arith.addi %rem3A_147, %select_n3A_146 : i32
      %select_n3A_157 = arith.select %and3A_155, %add3A_156, %rem3A_147 : i32
      %mul3A_158 = arith.constant 128 : i32
      %mul3A_159 = arith.muli %select_n3A_157, %mul3A_158 : i32
      %dma_start3A_160 = arith.constant 0 : i32
      %dma_start3A_161 = tpu.memref_slice %arg6[%select_n3A_141, %dma_start3A_160] : memref<32x512xf32, #tpu.memory_space<vmem>> -> memref<1x512xf32, #tpu.memory_space<vmem>>
      %dma_start3A_162 = tpu.memref_squeeze %dma_start3A_161 : memref<1x512xf32, #tpu.memory_space<vmem>> -> memref<512xf32, #tpu.memory_space<vmem>>
      %dma_start3A_163 = tpu.memref_slice %dma_start3A_162[%mul3A_159] : memref<512xf32, #tpu.memory_space<vmem>> -> memref<128xf32, #tpu.memory_space<vmem>>
      %dma_start3A_164 = arith.constant 0 : i32
      %dma_start3A_165 = tpu.memref_slice %arg5[%select_n3A_157, %dma_start3A_164] : memref<4x128xi32, #tpu.memory_space<vmem>> -> memref<1x128xi32, #tpu.memory_space<vmem>>
      %dma_start3A_166 = tpu.memref_squeeze %dma_start3A_165 : memref<1x128xi32, #tpu.memory_space<vmem>> -> memref<128xi32, #tpu.memory_space<vmem>>
      %dma_start3A_167 = arith.constant 0 : i32
      %dma_start3A_168 = tpu.memref_slice %arg3[%select_n3A_141, %dma_start3A_167] : memref<32x1015808xf32, #tpu.memory_space<hbm>> -> memref<1x1015808xf32, #tpu.memory_space<hbm>>
      %dma_start3A_169 = tpu.memref_squeeze %dma_start3A_168 : memref<1x1015808xf32, #tpu.memory_space<hbm>> -> memref<1015808xf32, #tpu.memory_space<hbm>>
      %dma_start3A_170 = arith.constant 0 : i32
      %dma_start3A_171 = tpu.memref_slice %dma_start3A_169[%dma_start3A_170] : memref<1015808xf32, #tpu.memory_space<hbm>> -> memref<1015808xf32, #tpu.memory_space<hbm>>
      tpu.enqueue_indirect_dma source(%dma_start3A_171 : memref<1015808xf32, #tpu.memory_space<hbm>>) target(%dma_start3A_163 : memref<128xf32, #tpu.memory_space<vmem>>) offsets(%dma_start3A_166 : memref<128xi32, #tpu.memory_space<vmem>>) semaphore(%arg7 : memref<!tpu.dma_semaphore, #tpu.memory_space<semaphore_mem>>)
      %mul3A_172 = arith.constant 16 : i32
      %mul3A_173 = arith.muli %scan3A_8, %mul3A_172 : i32
      %add3A_174 = arith.constant 3 : i32
      %add3A_175 = arith.addi %mul3A_173, %add3A_174 : i32
      %jit3A_176 = arith.constant 4 : i32
      %div3A_177 = arith.divsi %add3A_175, %jit3A_176 : i32
      %sign3A_178 = arith.constant 0 : i32
      %sign3A_179 = arith.cmpi sgt, %add3A_175, %sign3A_178 : i32
      %sign3A_180 = arith.extui %sign3A_179 : i1 to i32
      %sign3A_181 = arith.constant 0 : i32
      %sign3A_182 = arith.cmpi slt, %add3A_175, %sign3A_181 : i32
      %sign3A_183 = arith.extui %sign3A_182 : i1 to i32
      %sign3A_184 = arith.subi %sign3A_180, %sign3A_183 : i32
      %sign3A_185 = arith.constant 0 : i32
      %sign3A_186 = arith.cmpi sgt, %jit3A_176, %sign3A_185 : i32
      %sign3A_187 = arith.extui %sign3A_186 : i1 to i32
      %sign3A_188 = arith.constant 0 : i32
      %sign3A_189 = arith.cmpi slt, %jit3A_176, %sign3A_188 : i32
      %sign3A_190 = arith.extui %sign3A_189 : i1 to i32
      %sign3A_191 = arith.subi %sign3A_187, %sign3A_190 : i32
      %ne3A_192 = arith.cmpi ne, %sign3A_184, %sign3A_191 : i32
      %rem3A_193 = arith.remsi %add3A_175, %jit3A_176 : i32
      %ne3A_194 = arith.constant 0 : i32
      %ne3A_195 = arith.cmpi ne, %rem3A_193, %ne3A_194 : i32
      %and3A_196 = arith.andi %ne3A_192, %ne3A_195 : i1
      %sub3A_197 = arith.constant 1 : i32
      %sub3A_198 = arith.subi %div3A_177, %sub3A_197 : i32
      %select_n3A_199 = arith.select %and3A_196, %sub3A_198, %div3A_177 : i32
      %jit3A_200 = arith.constant 4 : i32
      %eq3A_201 = arith.constant 0 : i32
      %eq3A_202 = arith.cmpi eq, %jit3A_200, %eq3A_201 : i32
      %jit3A_203 = arith.constant 1 : i32
      %select_n3A_204 = arith.select %eq3A_202, %jit3A_203, %jit3A_200 : i32
      %rem3A_205 = arith.remsi %add3A_175, %select_n3A_204 : i32
      %ne3A_206 = arith.constant 0 : i32
      %ne3A_207 = arith.cmpi ne, %rem3A_205, %ne3A_206 : i32
      %lt3A_208 = arith.constant 0 : i32
      %lt3A_209 = arith.cmpi slt, %rem3A_205, %lt3A_208 : i32
      %lt3A_210 = arith.constant 0 : i32
      %lt3A_211 = arith.cmpi slt, %select_n3A_204, %lt3A_210 : i32
      %ne3A_212 = arith.xori %lt3A_209, %lt3A_211 : i1
      %and3A_213 = arith.andi %ne3A_212, %ne3A_207 : i1
      %add3A_214 = arith.addi %rem3A_205, %select_n3A_204 : i32
      %select_n3A_215 = arith.select %and3A_213, %add3A_214, %rem3A_205 : i32
      %mul3A_216 = arith.constant 128 : i32
      %mul3A_217 = arith.muli %select_n3A_215, %mul3A_216 : i32
      %dma_start3A_218 = arith.constant 0 : i32
      %dma_start3A_219 = tpu.memref_slice %arg6[%select_n3A_199, %dma_start3A_218] : memref<32x512xf32, #tpu.memory_space<vmem>> -> memref<1x512xf32, #tpu.memory_space<vmem>>
      %dma_start3A_220 = tpu.memref_squeeze %dma_start3A_219 : memref<1x512xf32, #tpu.memory_space<vmem>> -> memref<512xf32, #tpu.memory_space<vmem>>
      %dma_start3A_221 = tpu.memref_slice %dma_start3A_220[%mul3A_217] : memref<512xf32, #tpu.memory_space<vmem>> -> memref<128xf32, #tpu.memory_space<vmem>>
      %dma_start3A_222 = arith.constant 0 : i32
      %dma_start3A_223 = tpu.memref_slice %arg5[%select_n3A_215, %dma_start3A_222] : memref<4x128xi32, #tpu.memory_space<vmem>> -> memref<1x128xi32, #tpu.memory_space<vmem>>
      %dma_start3A_224 = tpu.memref_squeeze %dma_start3A_223 : memref<1x128xi32, #tpu.memory_space<vmem>> -> memref<128xi32, #tpu.memory_space<vmem>>
      %dma_start3A_225 = arith.constant 0 : i32
      %dma_start3A_226 = tpu.memref_slice %arg3[%select_n3A_199, %dma_start3A_225] : memref<32x1015808xf32, #tpu.memory_space<hbm>> -> memref<1x1015808xf32, #tpu.memory_space<hbm>>
      %dma_start3A_227 = tpu.memref_squeeze %dma_start3A_226 : memref<1x1015808xf32, #tpu.memory_space<hbm>> -> memref<1015808xf32, #tpu.memory_space<hbm>>
      %dma_start3A_228 = arith.constant 0 : i32
      %dma_start3A_229 = tpu.memref_slice %dma_start3A_227[%dma_start3A_228] : memref<1015808xf32, #tpu.memory_space<hbm>> -> memref<1015808xf32, #tpu.memory_space<hbm>>
      tpu.enqueue_indirect_dma source(%dma_start3A_229 : memref<1015808xf32, #tpu.memory_space<hbm>>) target(%dma_start3A_221 : memref<128xf32, #tpu.memory_space<vmem>>) offsets(%dma_start3A_224 : memref<128xi32, #tpu.memory_space<vmem>>) semaphore(%arg7 : memref<!tpu.dma_semaphore, #tpu.memory_space<semaphore_mem>>)
      %mul3A_230 = arith.constant 16 : i32
      %mul3A_231 = arith.muli %scan3A_8, %mul3A_230 : i32
      %add3A_232 = arith.constant 4 : i32
      %add3A_233 = arith.addi %mul3A_231, %add3A_232 : i32
      %jit3A_234 = arith.constant 4 : i32
      %div3A_235 = arith.divsi %add3A_233, %jit3A_234 : i32
      %sign3A_236 = arith.constant 0 : i32
      %sign3A_237 = arith.cmpi sgt, %add3A_233, %sign3A_236 : i32
      %sign3A_238 = arith.extui %sign3A_237 : i1 to i32
      %sign3A_239 = arith.constant 0 : i32
      %sign3A_240 = arith.cmpi slt, %add3A_233, %sign3A_239 : i32
      %sign3A_241 = arith.extui %sign3A_240 : i1 to i32
      %sign3A_242 = arith.subi %sign3A_238, %sign3A_241 : i32
      %sign3A_243 = arith.constant 0 : i32
      %sign3A_244 = arith.cmpi sgt, %jit3A_234, %sign3A_243 : i32
      %sign3A_245 = arith.extui %sign3A_244 : i1 to i32
      %sign3A_246 = arith.constant 0 : i32
      %sign3A_247 = arith.cmpi slt, %jit3A_234, %sign3A_246 : i32
      %sign3A_248 = arith.extui %sign3A_247 : i1 to i32
      %sign3A_249 = arith.subi %sign3A_245, %sign3A_248 : i32
      %ne3A_250 = arith.cmpi ne, %sign3A_242, %sign3A_249 : i32
      %rem3A_251 = arith.remsi %add3A_233, %jit3A_234 : i32
      %ne3A_252 = arith.constant 0 : i32
      %ne3A_253 = arith.cmpi ne, %rem3A_251, %ne3A_252 : i32
      %and3A_254 = arith.andi %ne3A_250, %ne3A_253 : i1
      %sub3A_255 = arith.constant 1 : i32
      %sub3A_256 = arith.subi %div3A_235, %sub3A_255 : i32
      %select_n3A_257 = arith.select %and3A_254, %sub3A_256, %div3A_235 : i32
      %jit3A_258 = arith.constant 4 : i32
      %eq3A_259 = arith.constant 0 : i32
      %eq3A_260 = arith.cmpi eq, %jit3A_258, %eq3A_259 : i32
      %jit3A_261 = arith.constant 1 : i32
      %select_n3A_262 = arith.select %eq3A_260, %jit3A_261, %jit3A_258 : i32
      %rem3A_263 = arith.remsi %add3A_233, %select_n3A_262 : i32
      %ne3A_264 = arith.constant 0 : i32
      %ne3A_265 = arith.cmpi ne, %rem3A_263, %ne3A_264 : i32
      %lt3A_266 = arith.constant 0 : i32
      %lt3A_267 = arith.cmpi slt, %rem3A_263, %lt3A_266 : i32
      %lt3A_268 = arith.constant 0 : i32
      %lt3A_269 = arith.cmpi slt, %select_n3A_262, %lt3A_268 : i32
      %ne3A_270 = arith.xori %lt3A_267, %lt3A_269 : i1
      %and3A_271 = arith.andi %ne3A_270, %ne3A_265 : i1
      %add3A_272 = arith.addi %rem3A_263, %select_n3A_262 : i32
      %select_n3A_273 = arith.select %and3A_271, %add3A_272, %rem3A_263 : i32
      %mul3A_274 = arith.constant 128 : i32
      %mul3A_275 = arith.muli %select_n3A_273, %mul3A_274 : i32
      %dma_start3A_276 = arith.constant 0 : i32
      %dma_start3A_277 = tpu.memref_slice %arg6[%select_n3A_257, %dma_start3A_276] : memref<32x512xf32, #tpu.memory_space<vmem>> -> memref<1x512xf32, #tpu.memory_space<vmem>>
      %dma_start3A_278 = tpu.memref_squeeze %dma_start3A_277 : memref<1x512xf32, #tpu.memory_space<vmem>> -> memref<512xf32, #tpu.memory_space<vmem>>
      %dma_start3A_279 = tpu.memref_slice %dma_start3A_278[%mul3A_275] : memref<512xf32, #tpu.memory_space<vmem>> -> memref<128xf32, #tpu.memory_space<vmem>>
      %dma_start3A_280 = arith.constant 0 : i32
      %dma_start3A_281 = tpu.memref_slice %arg5[%select_n3A_273, %dma_start3A_280] : memref<4x128xi32, #tpu.memory_space<vmem>> -> memref<1x128xi32, #tpu.memory_space<vmem>>
      %dma_start3A_282 = tpu.memref_squeeze %dma_start3A_281 : memref<1x128xi32, #tpu.memory_space<vmem>> -> memref<128xi32, #tpu.memory_space<vmem>>
      %dma_start3A_283 = arith.constant 0 : i32
      %dma_start3A_284 = tpu.memref_slice %arg3[%select_n3A_257, %dma_start3A_283] : memref<32x1015808xf32, #tpu.memory_space<hbm>> -> memref<1x1015808xf32, #tpu.memory_space<hbm>>
      %dma_start3A_285 = tpu.memref_squeeze %dma_start3A_284 : memref<1x1015808xf32, #tpu.memory_space<hbm>> -> memref<1015808xf32, #tpu.memory_space<hbm>>
      %dma_start3A_286 = arith.constant 0 : i32
      %dma_start3A_287 = tpu.memref_slice %dma_start3A_285[%dma_start3A_286] : memref<1015808xf32, #tpu.memory_space<hbm>> -> memref<1015808xf32, #tpu.memory_space<hbm>>
      tpu.enqueue_indirect_dma source(%dma_start3A_287 : memref<1015808xf32, #tpu.memory_space<hbm>>) target(%dma_start3A_279 : memref<128xf32, #tpu.memory_space<vmem>>) offsets(%dma_start3A_282 : memref<128xi32, #tpu.memory_space<vmem>>) semaphore(%arg7 : memref<!tpu.dma_semaphore, #tpu.memory_space<semaphore_mem>>)
      %mul3A_288 = arith.constant 16 : i32
      %mul3A_289 = arith.muli %scan3A_8, %mul3A_288 : i32
      %add3A_290 = arith.constant 5 : i32
      %add3A_291 = arith.addi %mul3A_289, %add3A_290 : i32
      %jit3A_292 = arith.constant 4 : i32
      %div3A_293 = arith.divsi %add3A_291, %jit3A_292 : i32
      %sign3A_294 = arith.constant 0 : i32
      %sign3A_295 = arith.cmpi sgt, %add3A_291, %sign3A_294 : i32
      %sign3A_296 = arith.extui %sign3A_295 : i1 to i32
      %sign3A_297 = arith.constant 0 : i32
      %sign3A_298 = arith.cmpi slt, %add3A_291, %sign3A_297 : i32
      %sign3A_299 = arith.extui %sign3A_298 : i1 to i32
      %sign3A_300 = arith.subi %sign3A_296, %sign3A_299 : i32
      %sign3A_301 = arith.constant 0 : i32
      %sign3A_302 = arith.cmpi sgt, %jit3A_292, %sign3A_301 : i32
      %sign3A_303 = arith.extui %sign3A_302 : i1 to i32
      %sign3A_304 = arith.constant 0 : i32
      %sign3A_305 = arith.cmpi slt, %jit3A_292, %sign3A_304 : i32
      %sign3A_306 = arith.extui %sign3A_305 : i1 to i32
      %sign3A_307 = arith.subi %sign3A_303, %sign3A_306 : i32
      %ne3A_308 = arith.cmpi ne, %sign3A_300, %sign3A_307 : i32
      %rem3A_309 = arith.remsi %add3A_291, %jit3A_292 : i32
      %ne3A_310 = arith.constant 0 : i32
      %ne3A_311 = arith.cmpi ne, %rem3A_309, %ne3A_310 : i32
      %and3A_312 = arith.andi %ne3A_308, %ne3A_311 : i1
      %sub3A_313 = arith.constant 1 : i32
      %sub3A_314 = arith.subi %div3A_293, %sub3A_313 : i32
      %select_n3A_315 = arith.select %and3A_312, %sub3A_314, %div3A_293 : i32
      %jit3A_316 = arith.constant 4 : i32
      %eq3A_317 = arith.constant 0 : i32
      %eq3A_318 = arith.cmpi eq, %jit3A_316, %eq3A_317 : i32
      %jit3A_319 = arith.constant 1 : i32
      %select_n3A_320 = arith.select %eq3A_318, %jit3A_319, %jit3A_316 : i32
      %rem3A_321 = arith.remsi %add3A_291, %select_n3A_320 : i32
      %ne3A_322 = arith.constant 0 : i32
      %ne3A_323 = arith.cmpi ne, %rem3A_321, %ne3A_322 : i32
      %lt3A_324 = arith.constant 0 : i32
      %lt3A_325 = arith.cmpi slt, %rem3A_321, %lt3A_324 : i32
      %lt3A_326 = arith.constant 0 : i32
      %lt3A_327 = arith.cmpi slt, %select_n3A_320, %lt3A_326 : i32
      %ne3A_328 = arith.xori %lt3A_325, %lt3A_327 : i1
      %and3A_329 = arith.andi %ne3A_328, %ne3A_323 : i1
      %add3A_330 = arith.addi %rem3A_321, %select_n3A_320 : i32
      %select_n3A_331 = arith.select %and3A_329, %add3A_330, %rem3A_321 : i32
      %mul3A_332 = arith.constant 128 : i32
      %mul3A_333 = arith.muli %select_n3A_331, %mul3A_332 : i32
      %dma_start3A_334 = arith.constant 0 : i32
      %dma_start3A_335 = tpu.memref_slice %arg6[%select_n3A_315, %dma_start3A_334] : memref<32x512xf32, #tpu.memory_space<vmem>> -> memref<1x512xf32, #tpu.memory_space<vmem>>
      %dma_start3A_336 = tpu.memref_squeeze %dma_start3A_335 : memref<1x512xf32, #tpu.memory_space<vmem>> -> memref<512xf32, #tpu.memory_space<vmem>>
      %dma_start3A_337 = tpu.memref_slice %dma_start3A_336[%mul3A_333] : memref<512xf32, #tpu.memory_space<vmem>> -> memref<128xf32, #tpu.memory_space<vmem>>
      %dma_start3A_338 = arith.constant 0 : i32
      %dma_start3A_339 = tpu.memref_slice %arg5[%select_n3A_331, %dma_start3A_338] : memref<4x128xi32, #tpu.memory_space<vmem>> -> memref<1x128xi32, #tpu.memory_space<vmem>>
      %dma_start3A_340 = tpu.memref_squeeze %dma_start3A_339 : memref<1x128xi32, #tpu.memory_space<vmem>> -> memref<128xi32, #tpu.memory_space<vmem>>
      %dma_start3A_341 = arith.constant 0 : i32
      %dma_start3A_342 = tpu.memref_slice %arg3[%select_n3A_315, %dma_start3A_341] : memref<32x1015808xf32, #tpu.memory_space<hbm>> -> memref<1x1015808xf32, #tpu.memory_space<hbm>>
      %dma_start3A_343 = tpu.memref_squeeze %dma_start3A_342 : memref<1x1015808xf32, #tpu.memory_space<hbm>> -> memref<1015808xf32, #tpu.memory_space<hbm>>
      %dma_start3A_344 = arith.constant 0 : i32
      %dma_start3A_345 = tpu.memref_slice %dma_start3A_343[%dma_start3A_344] : memref<1015808xf32, #tpu.memory_space<hbm>> -> memref<1015808xf32, #tpu.memory_space<hbm>>
      tpu.enqueue_indirect_dma source(%dma_start3A_345 : memref<1015808xf32, #tpu.memory_space<hbm>>) target(%dma_start3A_337 : memref<128xf32, #tpu.memory_space<vmem>>) offsets(%dma_start3A_340 : memref<128xi32, #tpu.memory_space<vmem>>) semaphore(%arg7 : memref<!tpu.dma_semaphore, #tpu.memory_space<semaphore_mem>>)
      %mul3A_346 = arith.constant 16 : i32
      %mul3A_347 = arith.muli %scan3A_8, %mul3A_346 : i32
      %add3A_348 = arith.constant 6 : i32
      %add3A_349 = arith.addi %mul3A_347, %add3A_348 : i32
      %jit3A_350 = arith.constant 4 : i32
      %div3A_351 = arith.divsi %add3A_349, %jit3A_350 : i32
      %sign3A_352 = arith.constant 0 : i32
      %sign3A_353 = arith.cmpi sgt, %add3A_349, %sign3A_352 : i32
      %sign3A_354 = arith.extui %sign3A_353 : i1 to i32
      %sign3A_355 = arith.constant 0 : i32
      %sign3A_356 = arith.cmpi slt, %add3A_349, %sign3A_355 : i32
      %sign3A_357 = arith.extui %sign3A_356 : i1 to i32
      %sign3A_358 = arith.subi %sign3A_354, %sign3A_357 : i32
      %sign3A_359 = arith.constant 0 : i32
      %sign3A_360 = arith.cmpi sgt, %jit3A_350, %sign3A_359 : i32
      %sign3A_361 = arith.extui %sign3A_360 : i1 to i32
      %sign3A_362 = arith.constant 0 : i32
      %sign3A_363 = arith.cmpi slt, %jit3A_350, %sign3A_362 : i32
      %sign3A_364 = arith.extui %sign3A_363 : i1 to i32
      %sign3A_365 = arith.subi %sign3A_361, %sign3A_364 : i32
      %ne3A_366 = arith.cmpi ne, %sign3A_358, %sign3A_365 : i32
      %rem3A_367 = arith.remsi %add3A_349, %jit3A_350 : i32
      %ne3A_368 = arith.constant 0 : i32
      %ne3A_369 = arith.cmpi ne, %rem3A_367, %ne3A_368 : i32
      %and3A_370 = arith.andi %ne3A_366, %ne3A_369 : i1
      %sub3A_371 = arith.constant 1 : i32
      %sub3A_372 = arith.subi %div3A_351, %sub3A_371 : i32
      %select_n3A_373 = arith.select %and3A_370, %sub3A_372, %div3A_351 : i32
      %jit3A_374 = arith.constant 4 : i32
      %eq3A_375 = arith.constant 0 : i32
      %eq3A_376 = arith.cmpi eq, %jit3A_374, %eq3A_375 : i32
      %jit3A_377 = arith.constant 1 : i32
      %select_n3A_378 = arith.select %eq3A_376, %jit3A_377, %jit3A_374 : i32
      %rem3A_379 = arith.remsi %add3A_349, %select_n3A_378 : i32
      %ne3A_380 = arith.constant 0 : i32
      %ne3A_381 = arith.cmpi ne, %rem3A_379, %ne3A_380 : i32
      %lt3A_382 = arith.constant 0 : i32
      %lt3A_383 = arith.cmpi slt, %rem3A_379, %lt3A_382 : i32
      %lt3A_384 = arith.constant 0 : i32
      %lt3A_385 = arith.cmpi slt, %select_n3A_378, %lt3A_384 : i32
      %ne3A_386 = arith.xori %lt3A_383, %lt3A_385 : i1
      %and3A_387 = arith.andi %ne3A_386, %ne3A_381 : i1
      %add3A_388 = arith.addi %rem3A_379, %select_n3A_378 : i32
      %select_n3A_389 = arith.select %and3A_387, %add3A_388, %rem3A_379 : i32
      %mul3A_390 = arith.constant 128 : i32
      %mul3A_391 = arith.muli %select_n3A_389, %mul3A_390 : i32
      %dma_start3A_392 = arith.constant 0 : i32
      %dma_start3A_393 = tpu.memref_slice %arg6[%select_n3A_373, %dma_start3A_392] : memref<32x512xf32, #tpu.memory_space<vmem>> -> memref<1x512xf32, #tpu.memory_space<vmem>>
      %dma_start3A_394 = tpu.memref_squeeze %dma_start3A_393 : memref<1x512xf32, #tpu.memory_space<vmem>> -> memref<512xf32, #tpu.memory_space<vmem>>
      %dma_start3A_395 = tpu.memref_slice %dma_start3A_394[%mul3A_391] : memref<512xf32, #tpu.memory_space<vmem>> -> memref<128xf32, #tpu.memory_space<vmem>>
      %dma_start3A_396 = arith.constant 0 : i32
      %dma_start3A_397 = tpu.memref_slice %arg5[%select_n3A_389, %dma_start3A_396] : memref<4x128xi32, #tpu.memory_space<vmem>> -> memref<1x128xi32, #tpu.memory_space<vmem>>
      %dma_start3A_398 = tpu.memref_squeeze %dma_start3A_397 : memref<1x128xi32, #tpu.memory_space<vmem>> -> memref<128xi32, #tpu.memory_space<vmem>>
      %dma_start3A_399 = arith.constant 0 : i32
      %dma_start3A_400 = tpu.memref_slice %arg3[%select_n3A_373, %dma_start3A_399] : memref<32x1015808xf32, #tpu.memory_space<hbm>> -> memref<1x1015808xf32, #tpu.memory_space<hbm>>
      %dma_start3A_401 = tpu.memref_squeeze %dma_start3A_400 : memref<1x1015808xf32, #tpu.memory_space<hbm>> -> memref<1015808xf32, #tpu.memory_space<hbm>>
      %dma_start3A_402 = arith.constant 0 : i32
      %dma_start3A_403 = tpu.memref_slice %dma_start3A_401[%dma_start3A_402] : memref<1015808xf32, #tpu.memory_space<hbm>> -> memref<1015808xf32, #tpu.memory_space<hbm>>
      tpu.enqueue_indirect_dma source(%dma_start3A_403 : memref<1015808xf32, #tpu.memory_space<hbm>>) target(%dma_start3A_395 : memref<128xf32, #tpu.memory_space<vmem>>) offsets(%dma_start3A_398 : memref<128xi32, #tpu.memory_space<vmem>>) semaphore(%arg7 : memref<!tpu.dma_semaphore, #tpu.memory_space<semaphore_mem>>)
      %mul3A_404 = arith.constant 16 : i32
      %mul3A_405 = arith.muli %scan3A_8, %mul3A_404 : i32
      %add3A_406 = arith.constant 7 : i32
      %add3A_407 = arith.addi %mul3A_405, %add3A_406 : i32
      %jit3A_408 = arith.constant 4 : i32
      %div3A_409 = arith.divsi %add3A_407, %jit3A_408 : i32
      %sign3A_410 = arith.constant 0 : i32
      %sign3A_411 = arith.cmpi sgt, %add3A_407, %sign3A_410 : i32
      %sign3A_412 = arith.extui %sign3A_411 : i1 to i32
      %sign3A_413 = arith.constant 0 : i32
      %sign3A_414 = arith.cmpi slt, %add3A_407, %sign3A_413 : i32
      %sign3A_415 = arith.extui %sign3A_414 : i1 to i32
      %sign3A_416 = arith.subi %sign3A_412, %sign3A_415 : i32
      %sign3A_417 = arith.constant 0 : i32
      %sign3A_418 = arith.cmpi sgt, %jit3A_408, %sign3A_417 : i32
      %sign3A_419 = arith.extui %sign3A_418 : i1 to i32
      %sign3A_420 = arith.constant 0 : i32
      %sign3A_421 = arith.cmpi slt, %jit3A_408, %sign3A_420 : i32
      %sign3A_422 = arith.extui %sign3A_421 : i1 to i32
      %sign3A_423 = arith.subi %sign3A_419, %sign3A_422 : i32
      %ne3A_424 = arith.cmpi ne, %sign3A_416, %sign3A_423 : i32
      %rem3A_425 = arith.remsi %add3A_407, %jit3A_408 : i32
      %ne3A_426 = arith.constant 0 : i32
      %ne3A_427 = arith.cmpi ne, %rem3A_425, %ne3A_426 : i32
      %and3A_428 = arith.andi %ne3A_424, %ne3A_427 : i1
      %sub3A_429 = arith.constant 1 : i32
      %sub3A_430 = arith.subi %div3A_409, %sub3A_429 : i32
      %select_n3A_431 = arith.select %and3A_428, %sub3A_430, %div3A_409 : i32
      %jit3A_432 = arith.constant 4 : i32
      %eq3A_433 = arith.constant 0 : i32
      %eq3A_434 = arith.cmpi eq, %jit3A_432, %eq3A_433 : i32
      %jit3A_435 = arith.constant 1 : i32
      %select_n3A_436 = arith.select %eq3A_434, %jit3A_435, %jit3A_432 : i32
      %rem3A_437 = arith.remsi %add3A_407, %select_n3A_436 : i32
      %ne3A_438 = arith.constant 0 : i32
      %ne3A_439 = arith.cmpi ne, %rem3A_437, %ne3A_438 : i32
      %lt3A_440 = arith.constant 0 : i32
      %lt3A_441 = arith.cmpi slt, %rem3A_437, %lt3A_440 : i32
      %lt3A_442 = arith.constant 0 : i32
      %lt3A_443 = arith.cmpi slt, %select_n3A_436, %lt3A_442 : i32
      %ne3A_444 = arith.xori %lt3A_441, %lt3A_443 : i1
      %and3A_445 = arith.andi %ne3A_444, %ne3A_439 : i1
      %add3A_446 = arith.addi %rem3A_437, %select_n3A_436 : i32
      %select_n3A_447 = arith.select %and3A_445, %add3A_446, %rem3A_437 : i32
      %mul3A_448 = arith.constant 128 : i32
      %mul3A_449 = arith.muli %select_n3A_447, %mul3A_448 : i32
      %dma_start3A_450 = arith.constant 0 : i32
      %dma_start3A_451 = tpu.memref_slice %arg6[%select_n3A_431, %dma_start3A_450] : memref<32x512xf32, #tpu.memory_space<vmem>> -> memref<1x512xf32, #tpu.memory_space<vmem>>
      %dma_start3A_452 = tpu.memref_squeeze %dma_start3A_451 : memref<1x512xf32, #tpu.memory_space<vmem>> -> memref<512xf32, #tpu.memory_space<vmem>>
      %dma_start3A_453 = tpu.memref_slice %dma_start3A_452[%mul3A_449] : memref<512xf32, #tpu.memory_space<vmem>> -> memref<128xf32, #tpu.memory_space<vmem>>
      %dma_start3A_454 = arith.constant 0 : i32
      %dma_start3A_455 = tpu.memref_slice %arg5[%select_n3A_447, %dma_start3A_454] : memref<4x128xi32, #tpu.memory_space<vmem>> -> memref<1x128xi32, #tpu.memory_space<vmem>>
      %dma_start3A_456 = tpu.memref_squeeze %dma_start3A_455 : memref<1x128xi32, #tpu.memory_space<vmem>> -> memref<128xi32, #tpu.memory_space<vmem>>
      %dma_start3A_457 = arith.constant 0 : i32
      %dma_start3A_458 = tpu.memref_slice %arg3[%select_n3A_431, %dma_start3A_457] : memref<32x1015808xf32, #tpu.memory_space<hbm>> -> memref<1x1015808xf32, #tpu.memory_space<hbm>>
      %dma_start3A_459 = tpu.memref_squeeze %dma_start3A_458 : memref<1x1015808xf32, #tpu.memory_space<hbm>> -> memref<1015808xf32, #tpu.memory_space<hbm>>
      %dma_start3A_460 = arith.constant 0 : i32
      %dma_start3A_461 = tpu.memref_slice %dma_start3A_459[%dma_start3A_460] : memref<1015808xf32, #tpu.memory_space<hbm>> -> memref<1015808xf32, #tpu.memory_space<hbm>>
      tpu.enqueue_indirect_dma source(%dma_start3A_461 : memref<1015808xf32, #tpu.memory_space<hbm>>) target(%dma_start3A_453 : memref<128xf32, #tpu.memory_space<vmem>>) offsets(%dma_start3A_456 : memref<128xi32, #tpu.memory_space<vmem>>) semaphore(%arg7 : memref<!tpu.dma_semaphore, #tpu.memory_space<semaphore_mem>>)
      %mul3A_462 = arith.constant 16 : i32
      %mul3A_463 = arith.muli %scan3A_8, %mul3A_462 : i32
      %add3A_464 = arith.constant 8 : i32
      %add3A_465 = arith.addi %mul3A_463, %add3A_464 : i32
      %jit3A_466 = arith.constant 4 : i32
      %div3A_467 = arith.divsi %add3A_465, %jit3A_466 : i32
      %sign3A_468 = arith.constant 0 : i32
      %sign3A_469 = arith.cmpi sgt, %add3A_465, %sign3A_468 : i32
      %sign3A_470 = arith.extui %sign3A_469 : i1 to i32
      %sign3A_471 = arith.constant 0 : i32
      %sign3A_472 = arith.cmpi slt, %add3A_465, %sign3A_471 : i32
      %sign3A_473 = arith.extui %sign3A_472 : i1 to i32
      %sign3A_474 = arith.subi %sign3A_470, %sign3A_473 : i32
      %sign3A_475 = arith.constant 0 : i32
      %sign3A_476 = arith.cmpi sgt, %jit3A_466, %sign3A_475 : i32
      %sign3A_477 = arith.extui %sign3A_476 : i1 to i32
      %sign3A_478 = arith.constant 0 : i32
      %sign3A_479 = arith.cmpi slt, %jit3A_466, %sign3A_478 : i32
      %sign3A_480 = arith.extui %sign3A_479 : i1 to i32
      %sign3A_481 = arith.subi %sign3A_477, %sign3A_480 : i32
      %ne3A_482 = arith.cmpi ne, %sign3A_474, %sign3A_481 : i32
      %rem3A_483 = arith.remsi %add3A_465, %jit3A_466 : i32
      %ne3A_484 = arith.constant 0 : i32
      %ne3A_485 = arith.cmpi ne, %rem3A_483, %ne3A_484 : i32
      %and3A_486 = arith.andi %ne3A_482, %ne3A_485 : i1
      %sub3A_487 = arith.constant 1 : i32
      %sub3A_488 = arith.subi %div3A_467, %sub3A_487 : i32
      %select_n3A_489 = arith.select %and3A_486, %sub3A_488, %div3A_467 : i32
      %jit3A_490 = arith.constant 4 : i32
      %eq3A_491 = arith.constant 0 : i32
      %eq3A_492 = arith.cmpi eq, %jit3A_490, %eq3A_491 : i32
      %jit3A_493 = arith.constant 1 : i32
      %select_n3A_494 = arith.select %eq3A_492, %jit3A_493, %jit3A_490 : i32
      %rem3A_495 = arith.remsi %add3A_465, %select_n3A_494 : i32
      %ne3A_496 = arith.constant 0 : i32
      %ne3A_497 = arith.cmpi ne, %rem3A_495, %ne3A_496 : i32
      %lt3A_498 = arith.constant 0 : i32
      %lt3A_499 = arith.cmpi slt, %rem3A_495, %lt3A_498 : i32
      %lt3A_500 = arith.constant 0 : i32
      %lt3A_501 = arith.cmpi slt, %select_n3A_494, %lt3A_500 : i32
      %ne3A_502 = arith.xori %lt3A_499, %lt3A_501 : i1
      %and3A_503 = arith.andi %ne3A_502, %ne3A_497 : i1
      %add3A_504 = arith.addi %rem3A_495, %select_n3A_494 : i32
      %select_n3A_505 = arith.select %and3A_503, %add3A_504, %rem3A_495 : i32
      %mul3A_506 = arith.constant 128 : i32
      %mul3A_507 = arith.muli %select_n3A_505, %mul3A_506 : i32
      %dma_start3A_508 = arith.constant 0 : i32
      %dma_start3A_509 = tpu.memref_slice %arg6[%select_n3A_489, %dma_start3A_508] : memref<32x512xf32, #tpu.memory_space<vmem>> -> memref<1x512xf32, #tpu.memory_space<vmem>>
      %dma_start3A_510 = tpu.memref_squeeze %dma_start3A_509 : memref<1x512xf32, #tpu.memory_space<vmem>> -> memref<512xf32, #tpu.memory_space<vmem>>
      %dma_start3A_511 = tpu.memref_slice %dma_start3A_510[%mul3A_507] : memref<512xf32, #tpu.memory_space<vmem>> -> memref<128xf32, #tpu.memory_space<vmem>>
      %dma_start3A_512 = arith.constant 0 : i32
      %dma_start3A_513 = tpu.memref_slice %arg5[%select_n3A_505, %dma_start3A_512] : memref<4x128xi32, #tpu.memory_space<vmem>> -> memref<1x128xi32, #tpu.memory_space<vmem>>
      %dma_start3A_514 = tpu.memref_squeeze %dma_start3A_513 : memref<1x128xi32, #tpu.memory_space<vmem>> -> memref<128xi32, #tpu.memory_space<vmem>>
      %dma_start3A_515 = arith.constant 0 : i32
      %dma_start3A_516 = tpu.memref_slice %arg3[%select_n3A_489, %dma_start3A_515] : memref<32x1015808xf32, #tpu.memory_space<hbm>> -> memref<1x1015808xf32, #tpu.memory_space<hbm>>
      %dma_start3A_517 = tpu.memref_squeeze %dma_start3A_516 : memref<1x1015808xf32, #tpu.memory_space<hbm>> -> memref<1015808xf32, #tpu.memory_space<hbm>>
      %dma_start3A_518 = arith.constant 0 : i32
      %dma_start3A_519 = tpu.memref_slice %dma_start3A_517[%dma_start3A_518] : memref<1015808xf32, #tpu.memory_space<hbm>> -> memref<1015808xf32, #tpu.memory_space<hbm>>
      tpu.enqueue_indirect_dma source(%dma_start3A_519 : memref<1015808xf32, #tpu.memory_space<hbm>>) target(%dma_start3A_511 : memref<128xf32, #tpu.memory_space<vmem>>) offsets(%dma_start3A_514 : memref<128xi32, #tpu.memory_space<vmem>>) semaphore(%arg7 : memref<!tpu.dma_semaphore, #tpu.memory_space<semaphore_mem>>)
      %mul3A_520 = arith.constant 16 : i32
      %mul3A_521 = arith.muli %scan3A_8, %mul3A_520 : i32
      %add3A_522 = arith.constant 9 : i32
      %add3A_523 = arith.addi %mul3A_521, %add3A_522 : i32
      %jit3A_524 = arith.constant 4 : i32
      %div3A_525 = arith.divsi %add3A_523, %jit3A_524 : i32
      %sign3A_526 = arith.constant 0 : i32
      %sign3A_527 = arith.cmpi sgt, %add3A_523, %sign3A_526 : i32
      %sign3A_528 = arith.extui %sign3A_527 : i1 to i32
      %sign3A_529 = arith.constant 0 : i32
      %sign3A_530 = arith.cmpi slt, %add3A_523, %sign3A_529 : i32
      %sign3A_531 = arith.extui %sign3A_530 : i1 to i32
      %sign3A_532 = arith.subi %sign3A_528, %sign3A_531 : i32
      %sign3A_533 = arith.constant 0 : i32
      %sign3A_534 = arith.cmpi sgt, %jit3A_524, %sign3A_533 : i32
      %sign3A_535 = arith.extui %sign3A_534 : i1 to i32
      %sign3A_536 = arith.constant 0 : i32
      %sign3A_537 = arith.cmpi slt, %jit3A_524, %sign3A_536 : i32
      %sign3A_538 = arith.extui %sign3A_537 : i1 to i32
      %sign3A_539 = arith.subi %sign3A_535, %sign3A_538 : i32
      %ne3A_540 = arith.cmpi ne, %sign3A_532, %sign3A_539 : i32
      %rem3A_541 = arith.remsi %add3A_523, %jit3A_524 : i32
      %ne3A_542 = arith.constant 0 : i32
      %ne3A_543 = arith.cmpi ne, %rem3A_541, %ne3A_542 : i32
      %and3A_544 = arith.andi %ne3A_540, %ne3A_543 : i1
      %sub3A_545 = arith.constant 1 : i32
      %sub3A_546 = arith.subi %div3A_525, %sub3A_545 : i32
      %select_n3A_547 = arith.select %and3A_544, %sub3A_546, %div3A_525 : i32
      %jit3A_548 = arith.constant 4 : i32
      %eq3A_549 = arith.constant 0 : i32
      %eq3A_550 = arith.cmpi eq, %jit3A_548, %eq3A_549 : i32
      %jit3A_551 = arith.constant 1 : i32
      %select_n3A_552 = arith.select %eq3A_550, %jit3A_551, %jit3A_548 : i32
      %rem3A_553 = arith.remsi %add3A_523, %select_n3A_552 : i32
      %ne3A_554 = arith.constant 0 : i32
      %ne3A_555 = arith.cmpi ne, %rem3A_553, %ne3A_554 : i32
      %lt3A_556 = arith.constant 0 : i32
      %lt3A_557 = arith.cmpi slt, %rem3A_553, %lt3A_556 : i32
      %lt3A_558 = arith.constant 0 : i32
      %lt3A_559 = arith.cmpi slt, %select_n3A_552, %lt3A_558 : i32
      %ne3A_560 = arith.xori %lt3A_557, %lt3A_559 : i1
      %and3A_561 = arith.andi %ne3A_560, %ne3A_555 : i1
      %add3A_562 = arith.addi %rem3A_553, %select_n3A_552 : i32
      %select_n3A_563 = arith.select %and3A_561, %add3A_562, %rem3A_553 : i32
      %mul3A_564 = arith.constant 128 : i32
      %mul3A_565 = arith.muli %select_n3A_563, %mul3A_564 : i32
      %dma_start3A_566 = arith.constant 0 : i32
      %dma_start3A_567 = tpu.memref_slice %arg6[%select_n3A_547, %dma_start3A_566] : memref<32x512xf32, #tpu.memory_space<vmem>> -> memref<1x512xf32, #tpu.memory_space<vmem>>
      %dma_start3A_568 = tpu.memref_squeeze %dma_start3A_567 : memref<1x512xf32, #tpu.memory_space<vmem>> -> memref<512xf32, #tpu.memory_space<vmem>>
      %dma_start3A_569 = tpu.memref_slice %dma_start3A_568[%mul3A_565] : memref<512xf32, #tpu.memory_space<vmem>> -> memref<128xf32, #tpu.memory_space<vmem>>
      %dma_start3A_570 = arith.constant 0 : i32
      %dma_start3A_571 = tpu.memref_slice %arg5[%select_n3A_563, %dma_start3A_570] : memref<4x128xi32, #tpu.memory_space<vmem>> -> memref<1x128xi32, #tpu.memory_space<vmem>>
      %dma_start3A_572 = tpu.memref_squeeze %dma_start3A_571 : memref<1x128xi32, #tpu.memory_space<vmem>> -> memref<128xi32, #tpu.memory_space<vmem>>
      %dma_start3A_573 = arith.constant 0 : i32
      %dma_start3A_574 = tpu.memref_slice %arg3[%select_n3A_547, %dma_start3A_573] : memref<32x1015808xf32, #tpu.memory_space<hbm>> -> memref<1x1015808xf32, #tpu.memory_space<hbm>>
      %dma_start3A_575 = tpu.memref_squeeze %dma_start3A_574 : memref<1x1015808xf32, #tpu.memory_space<hbm>> -> memref<1015808xf32, #tpu.memory_space<hbm>>
      %dma_start3A_576 = arith.constant 0 : i32
      %dma_start3A_577 = tpu.memref_slice %dma_start3A_575[%dma_start3A_576] : memref<1015808xf32, #tpu.memory_space<hbm>> -> memref<1015808xf32, #tpu.memory_space<hbm>>
      tpu.enqueue_indirect_dma source(%dma_start3A_577 : memref<1015808xf32, #tpu.memory_space<hbm>>) target(%dma_start3A_569 : memref<128xf32, #tpu.memory_space<vmem>>) offsets(%dma_start3A_572 : memref<128xi32, #tpu.memory_space<vmem>>) semaphore(%arg7 : memref<!tpu.dma_semaphore, #tpu.memory_space<semaphore_mem>>)
      %mul3A_578 = arith.constant 16 : i32
      %mul3A_579 = arith.muli %scan3A_8, %mul3A_578 : i32
      %add3A_580 = arith.constant 10 : i32
      %add3A_581 = arith.addi %mul3A_579, %add3A_580 : i32
      %jit3A_582 = arith.constant 4 : i32
      %div3A_583 = arith.divsi %add3A_581, %jit3A_582 : i32
      %sign3A_584 = arith.constant 0 : i32
      %sign3A_585 = arith.cmpi sgt, %add3A_581, %sign3A_584 : i32
      %sign3A_586 = arith.extui %sign3A_585 : i1 to i32
      %sign3A_587 = arith.constant 0 : i32
      %sign3A_588 = arith.cmpi slt, %add3A_581, %sign3A_587 : i32
      %sign3A_589 = arith.extui %sign3A_588 : i1 to i32
      %sign3A_590 = arith.subi %sign3A_586, %sign3A_589 : i32
      %sign3A_591 = arith.constant 0 : i32
      %sign3A_592 = arith.cmpi sgt, %jit3A_582, %sign3A_591 : i32
      %sign3A_593 = arith.extui %sign3A_592 : i1 to i32
      %sign3A_594 = arith.constant 0 : i32
      %sign3A_595 = arith.cmpi slt, %jit3A_582, %sign3A_594 : i32
      %sign3A_596 = arith.extui %sign3A_595 : i1 to i32
      %sign3A_597 = arith.subi %sign3A_593, %sign3A_596 : i32
      %ne3A_598 = arith.cmpi ne, %sign3A_590, %sign3A_597 : i32
      %rem3A_599 = arith.remsi %add3A_581, %jit3A_582 : i32
      %ne3A_600 = arith.constant 0 : i32
      %ne3A_601 = arith.cmpi ne, %rem3A_599, %ne3A_600 : i32
      %and3A_602 = arith.andi %ne3A_598, %ne3A_601 : i1
      %sub3A_603 = arith.constant 1 : i32
      %sub3A_604 = arith.subi %div3A_583, %sub3A_603 : i32
      %select_n3A_605 = arith.select %and3A_602, %sub3A_604, %div3A_583 : i32
      %jit3A_606 = arith.constant 4 : i32
      %eq3A_607 = arith.constant 0 : i32
      %eq3A_608 = arith.cmpi eq, %jit3A_606, %eq3A_607 : i32
      %jit3A_609 = arith.constant 1 : i32
      %select_n3A_610 = arith.select %eq3A_608, %jit3A_609, %jit3A_606 : i32
      %rem3A_611 = arith.remsi %add3A_581, %select_n3A_610 : i32
      %ne3A_612 = arith.constant 0 : i32
      %ne3A_613 = arith.cmpi ne, %rem3A_611, %ne3A_612 : i32
      %lt3A_614 = arith.constant 0 : i32
      %lt3A_615 = arith.cmpi slt, %rem3A_611, %lt3A_614 : i32
      %lt3A_616 = arith.constant 0 : i32
      %lt3A_617 = arith.cmpi slt, %select_n3A_610, %lt3A_616 : i32
      %ne3A_618 = arith.xori %lt3A_615, %lt3A_617 : i1
      %and3A_619 = arith.andi %ne3A_618, %ne3A_613 : i1
      %add3A_620 = arith.addi %rem3A_611, %select_n3A_610 : i32
      %select_n3A_621 = arith.select %and3A_619, %add3A_620, %rem3A_611 : i32
      %mul3A_622 = arith.constant 128 : i32
      %mul3A_623 = arith.muli %select_n3A_621, %mul3A_622 : i32
      %dma_start3A_624 = arith.constant 0 : i32
      %dma_start3A_625 = tpu.memref_slice %arg6[%select_n3A_605, %dma_start3A_624] : memref<32x512xf32, #tpu.memory_space<vmem>> -> memref<1x512xf32, #tpu.memory_space<vmem>>
      %dma_start3A_626 = tpu.memref_squeeze %dma_start3A_625 : memref<1x512xf32, #tpu.memory_space<vmem>> -> memref<512xf32, #tpu.memory_space<vmem>>
      %dma_start3A_627 = tpu.memref_slice %dma_start3A_626[%mul3A_623] : memref<512xf32, #tpu.memory_space<vmem>> -> memref<128xf32, #tpu.memory_space<vmem>>
      %dma_start3A_628 = arith.constant 0 : i32
      %dma_start3A_629 = tpu.memref_slice %arg5[%select_n3A_621, %dma_start3A_628] : memref<4x128xi32, #tpu.memory_space<vmem>> -> memref<1x128xi32, #tpu.memory_space<vmem>>
      %dma_start3A_630 = tpu.memref_squeeze %dma_start3A_629 : memref<1x128xi32, #tpu.memory_space<vmem>> -> memref<128xi32, #tpu.memory_space<vmem>>
      %dma_start3A_631 = arith.constant 0 : i32
      %dma_start3A_632 = tpu.memref_slice %arg3[%select_n3A_605, %dma_start3A_631] : memref<32x1015808xf32, #tpu.memory_space<hbm>> -> memref<1x1015808xf32, #tpu.memory_space<hbm>>
      %dma_start3A_633 = tpu.memref_squeeze %dma_start3A_632 : memref<1x1015808xf32, #tpu.memory_space<hbm>> -> memref<1015808xf32, #tpu.memory_space<hbm>>
      %dma_start3A_634 = arith.constant 0 : i32
      %dma_start3A_635 = tpu.memref_slice %dma_start3A_633[%dma_start3A_634] : memref<1015808xf32, #tpu.memory_space<hbm>> -> memref<1015808xf32, #tpu.memory_space<hbm>>
      tpu.enqueue_indirect_dma source(%dma_start3A_635 : memref<1015808xf32, #tpu.memory_space<hbm>>) target(%dma_start3A_627 : memref<128xf32, #tpu.memory_space<vmem>>) offsets(%dma_start3A_630 : memref<128xi32, #tpu.memory_space<vmem>>) semaphore(%arg7 : memref<!tpu.dma_semaphore, #tpu.memory_space<semaphore_mem>>)
      %mul3A_636 = arith.constant 16 : i32
      %mul3A_637 = arith.muli %scan3A_8, %mul3A_636 : i32
      %add3A_638 = arith.constant 11 : i32
      %add3A_639 = arith.addi %mul3A_637, %add3A_638 : i32
      %jit3A_640 = arith.constant 4 : i32
      %div3A_641 = arith.divsi %add3A_639, %jit3A_640 : i32
      %sign3A_642 = arith.constant 0 : i32
      %sign3A_643 = arith.cmpi sgt, %add3A_639, %sign3A_642 : i32
      %sign3A_644 = arith.extui %sign3A_643 : i1 to i32
      %sign3A_645 = arith.constant 0 : i32
      %sign3A_646 = arith.cmpi slt, %add3A_639, %sign3A_645 : i32
      %sign3A_647 = arith.extui %sign3A_646 : i1 to i32
      %sign3A_648 = arith.subi %sign3A_644, %sign3A_647 : i32
      %sign3A_649 = arith.constant 0 : i32
      %sign3A_650 = arith.cmpi sgt, %jit3A_640, %sign3A_649 : i32
      %sign3A_651 = arith.extui %sign3A_650 : i1 to i32
      %sign3A_652 = arith.constant 0 : i32
      %sign3A_653 = arith.cmpi slt, %jit3A_640, %sign3A_652 : i32
      %sign3A_654 = arith.extui %sign3A_653 : i1 to i32
      %sign3A_655 = arith.subi %sign3A_651, %sign3A_654 : i32
      %ne3A_656 = arith.cmpi ne, %sign3A_648, %sign3A_655 : i32
      %rem3A_657 = arith.remsi %add3A_639, %jit3A_640 : i32
      %ne3A_658 = arith.constant 0 : i32
      %ne3A_659 = arith.cmpi ne, %rem3A_657, %ne3A_658 : i32
      %and3A_660 = arith.andi %ne3A_656, %ne3A_659 : i1
      %sub3A_661 = arith.constant 1 : i32
      %sub3A_662 = arith.subi %div3A_641, %sub3A_661 : i32
      %select_n3A_663 = arith.select %and3A_660, %sub3A_662, %div3A_641 : i32
      %jit3A_664 = arith.constant 4 : i32
      %eq3A_665 = arith.constant 0 : i32
      %eq3A_666 = arith.cmpi eq, %jit3A_664, %eq3A_665 : i32
      %jit3A_667 = arith.constant 1 : i32
      %select_n3A_668 = arith.select %eq3A_666, %jit3A_667, %jit3A_664 : i32
      %rem3A_669 = arith.remsi %add3A_639, %select_n3A_668 : i32
      %ne3A_670 = arith.constant 0 : i32
      %ne3A_671 = arith.cmpi ne, %rem3A_669, %ne3A_670 : i32
      %lt3A_672 = arith.constant 0 : i32
      %lt3A_673 = arith.cmpi slt, %rem3A_669, %lt3A_672 : i32
      %lt3A_674 = arith.constant 0 : i32
      %lt3A_675 = arith.cmpi slt, %select_n3A_668, %lt3A_674 : i32
      %ne3A_676 = arith.xori %lt3A_673, %lt3A_675 : i1
      %and3A_677 = arith.andi %ne3A_676, %ne3A_671 : i1
      %add3A_678 = arith.addi %rem3A_669, %select_n3A_668 : i32
      %select_n3A_679 = arith.select %and3A_677, %add3A_678, %rem3A_669 : i32
      %mul3A_680 = arith.constant 128 : i32
      %mul3A_681 = arith.muli %select_n3A_679, %mul3A_680 : i32
      %dma_start3A_682 = arith.constant 0 : i32
      %dma_start3A_683 = tpu.memref_slice %arg6[%select_n3A_663, %dma_start3A_682] : memref<32x512xf32, #tpu.memory_space<vmem>> -> memref<1x512xf32, #tpu.memory_space<vmem>>
      %dma_start3A_684 = tpu.memref_squeeze %dma_start3A_683 : memref<1x512xf32, #tpu.memory_space<vmem>> -> memref<512xf32, #tpu.memory_space<vmem>>
      %dma_start3A_685 = tpu.memref_slice %dma_start3A_684[%mul3A_681] : memref<512xf32, #tpu.memory_space<vmem>> -> memref<128xf32, #tpu.memory_space<vmem>>
      %dma_start3A_686 = arith.constant 0 : i32
      %dma_start3A_687 = tpu.memref_slice %arg5[%select_n3A_679, %dma_start3A_686] : memref<4x128xi32, #tpu.memory_space<vmem>> -> memref<1x128xi32, #tpu.memory_space<vmem>>
      %dma_start3A_688 = tpu.memref_squeeze %dma_start3A_687 : memref<1x128xi32, #tpu.memory_space<vmem>> -> memref<128xi32, #tpu.memory_space<vmem>>
      %dma_start3A_689 = arith.constant 0 : i32
      %dma_start3A_690 = tpu.memref_slice %arg3[%select_n3A_663, %dma_start3A_689] : memref<32x1015808xf32, #tpu.memory_space<hbm>> -> memref<1x1015808xf32, #tpu.memory_space<hbm>>
      %dma_start3A_691 = tpu.memref_squeeze %dma_start3A_690 : memref<1x1015808xf32, #tpu.memory_space<hbm>> -> memref<1015808xf32, #tpu.memory_space<hbm>>
      %dma_start3A_692 = arith.constant 0 : i32
      %dma_start3A_693 = tpu.memref_slice %dma_start3A_691[%dma_start3A_692] : memref<1015808xf32, #tpu.memory_space<hbm>> -> memref<1015808xf32, #tpu.memory_space<hbm>>
      tpu.enqueue_indirect_dma source(%dma_start3A_693 : memref<1015808xf32, #tpu.memory_space<hbm>>) target(%dma_start3A_685 : memref<128xf32, #tpu.memory_space<vmem>>) offsets(%dma_start3A_688 : memref<128xi32, #tpu.memory_space<vmem>>) semaphore(%arg7 : memref<!tpu.dma_semaphore, #tpu.memory_space<semaphore_mem>>)
      %mul3A_694 = arith.constant 16 : i32
      %mul3A_695 = arith.muli %scan3A_8, %mul3A_694 : i32
      %add3A_696 = arith.constant 12 : i32
      %add3A_697 = arith.addi %mul3A_695, %add3A_696 : i32
      %jit3A_698 = arith.constant 4 : i32
      %div3A_699 = arith.divsi %add3A_697, %jit3A_698 : i32
      %sign3A_700 = arith.constant 0 : i32
      %sign3A_701 = arith.cmpi sgt, %add3A_697, %sign3A_700 : i32
      %sign3A_702 = arith.extui %sign3A_701 : i1 to i32
      %sign3A_703 = arith.constant 0 : i32
      %sign3A_704 = arith.cmpi slt, %add3A_697, %sign3A_703 : i32
      %sign3A_705 = arith.extui %sign3A_704 : i1 to i32
      %sign3A_706 = arith.subi %sign3A_702, %sign3A_705 : i32
      %sign3A_707 = arith.constant 0 : i32
      %sign3A_708 = arith.cmpi sgt, %jit3A_698, %sign3A_707 : i32
      %sign3A_709 = arith.extui %sign3A_708 : i1 to i32
      %sign3A_710 = arith.constant 0 : i32
      %sign3A_711 = arith.cmpi slt, %jit3A_698, %sign3A_710 : i32
      %sign3A_712 = arith.extui %sign3A_711 : i1 to i32
      %sign3A_713 = arith.subi %sign3A_709, %sign3A_712 : i32
      %ne3A_714 = arith.cmpi ne, %sign3A_706, %sign3A_713 : i32
      %rem3A_715 = arith.remsi %add3A_697, %jit3A_698 : i32
      %ne3A_716 = arith.constant 0 : i32
      %ne3A_717 = arith.cmpi ne, %rem3A_715, %ne3A_716 : i32
      %and3A_718 = arith.andi %ne3A_714, %ne3A_717 : i1
      %sub3A_719 = arith.constant 1 : i32
      %sub3A_720 = arith.subi %div3A_699, %sub3A_719 : i32
      %select_n3A_721 = arith.select %and3A_718, %sub3A_720, %div3A_699 : i32
      %jit3A_722 = arith.constant 4 : i32
      %eq3A_723 = arith.constant 0 : i32
      %eq3A_724 = arith.cmpi eq, %jit3A_722, %eq3A_723 : i32
      %jit3A_725 = arith.constant 1 : i32
      %select_n3A_726 = arith.select %eq3A_724, %jit3A_725, %jit3A_722 : i32
      %rem3A_727 = arith.remsi %add3A_697, %select_n3A_726 : i32
      %ne3A_728 = arith.constant 0 : i32
      %ne3A_729 = arith.cmpi ne, %rem3A_727, %ne3A_728 : i32
      %lt3A_730 = arith.constant 0 : i32
      %lt3A_731 = arith.cmpi slt, %rem3A_727, %lt3A_730 : i32
      %lt3A_732 = arith.constant 0 : i32
      %lt3A_733 = arith.cmpi slt, %select_n3A_726, %lt3A_732 : i32
      %ne3A_734 = arith.xori %lt3A_731, %lt3A_733 : i1
      %and3A_735 = arith.andi %ne3A_734, %ne3A_729 : i1
      %add3A_736 = arith.addi %rem3A_727, %select_n3A_726 : i32
      %select_n3A_737 = arith.select %and3A_735, %add3A_736, %rem3A_727 : i32
      %mul3A_738 = arith.constant 128 : i32
      %mul3A_739 = arith.muli %select_n3A_737, %mul3A_738 : i32
      %dma_start3A_740 = arith.constant 0 : i32
      %dma_start3A_741 = tpu.memref_slice %arg6[%select_n3A_721, %dma_start3A_740] : memref<32x512xf32, #tpu.memory_space<vmem>> -> memref<1x512xf32, #tpu.memory_space<vmem>>
      %dma_start3A_742 = tpu.memref_squeeze %dma_start3A_741 : memref<1x512xf32, #tpu.memory_space<vmem>> -> memref<512xf32, #tpu.memory_space<vmem>>
      %dma_start3A_743 = tpu.memref_slice %dma_start3A_742[%mul3A_739] : memref<512xf32, #tpu.memory_space<vmem>> -> memref<128xf32, #tpu.memory_space<vmem>>
      %dma_start3A_744 = arith.constant 0 : i32
      %dma_start3A_745 = tpu.memref_slice %arg5[%select_n3A_737, %dma_start3A_744] : memref<4x128xi32, #tpu.memory_space<vmem>> -> memref<1x128xi32, #tpu.memory_space<vmem>>
      %dma_start3A_746 = tpu.memref_squeeze %dma_start3A_745 : memref<1x128xi32, #tpu.memory_space<vmem>> -> memref<128xi32, #tpu.memory_space<vmem>>
      %dma_start3A_747 = arith.constant 0 : i32
      %dma_start3A_748 = tpu.memref_slice %arg3[%select_n3A_721, %dma_start3A_747] : memref<32x1015808xf32, #tpu.memory_space<hbm>> -> memref<1x1015808xf32, #tpu.memory_space<hbm>>
      %dma_start3A_749 = tpu.memref_squeeze %dma_start3A_748 : memref<1x1015808xf32, #tpu.memory_space<hbm>> -> memref<1015808xf32, #tpu.memory_space<hbm>>
      %dma_start3A_750 = arith.constant 0 : i32
      %dma_start3A_751 = tpu.memref_slice %dma_start3A_749[%dma_start3A_750] : memref<1015808xf32, #tpu.memory_space<hbm>> -> memref<1015808xf32, #tpu.memory_space<hbm>>
      tpu.enqueue_indirect_dma source(%dma_start3A_751 : memref<1015808xf32, #tpu.memory_space<hbm>>) target(%dma_start3A_743 : memref<128xf32, #tpu.memory_space<vmem>>) offsets(%dma_start3A_746 : memref<128xi32, #tpu.memory_space<vmem>>) semaphore(%arg7 : memref<!tpu.dma_semaphore, #tpu.memory_space<semaphore_mem>>)
      %mul3A_752 = arith.constant 16 : i32
      %mul3A_753 = arith.muli %scan3A_8, %mul3A_752 : i32
      %add3A_754 = arith.constant 13 : i32
      %add3A_755 = arith.addi %mul3A_753, %add3A_754 : i32
      %jit3A_756 = arith.constant 4 : i32
      %div3A_757 = arith.divsi %add3A_755, %jit3A_756 : i32
      %sign3A_758 = arith.constant 0 : i32
      %sign3A_759 = arith.cmpi sgt, %add3A_755, %sign3A_758 : i32
      %sign3A_760 = arith.extui %sign3A_759 : i1 to i32
      %sign3A_761 = arith.constant 0 : i32
      %sign3A_762 = arith.cmpi slt, %add3A_755, %sign3A_761 : i32
      %sign3A_763 = arith.extui %sign3A_762 : i1 to i32
      %sign3A_764 = arith.subi %sign3A_760, %sign3A_763 : i32
      %sign3A_765 = arith.constant 0 : i32
      %sign3A_766 = arith.cmpi sgt, %jit3A_756, %sign3A_765 : i32
      %sign3A_767 = arith.extui %sign3A_766 : i1 to i32
      %sign3A_768 = arith.constant 0 : i32
      %sign3A_769 = arith.cmpi slt, %jit3A_756, %sign3A_768 : i32
      %sign3A_770 = arith.extui %sign3A_769 : i1 to i32
      %sign3A_771 = arith.subi %sign3A_767, %sign3A_770 : i32
      %ne3A_772 = arith.cmpi ne, %sign3A_764, %sign3A_771 : i32
      %rem3A_773 = arith.remsi %add3A_755, %jit3A_756 : i32
      %ne3A_774 = arith.constant 0 : i32
      %ne3A_775 = arith.cmpi ne, %rem3A_773, %ne3A_774 : i32
      %and3A_776 = arith.andi %ne3A_772, %ne3A_775 : i1
      %sub3A_777 = arith.constant 1 : i32
      %sub3A_778 = arith.subi %div3A_757, %sub3A_777 : i32
      %select_n3A_779 = arith.select %and3A_776, %sub3A_778, %div3A_757 : i32
      %jit3A_780 = arith.constant 4 : i32
      %eq3A_781 = arith.constant 0 : i32
      %eq3A_782 = arith.cmpi eq, %jit3A_780, %eq3A_781 : i32
      %jit3A_783 = arith.constant 1 : i32
      %select_n3A_784 = arith.select %eq3A_782, %jit3A_783, %jit3A_780 : i32
      %rem3A_785 = arith.remsi %add3A_755, %select_n3A_784 : i32
      %ne3A_786 = arith.constant 0 : i32
      %ne3A_787 = arith.cmpi ne, %rem3A_785, %ne3A_786 : i32
      %lt3A_788 = arith.constant 0 : i32
      %lt3A_789 = arith.cmpi slt, %rem3A_785, %lt3A_788 : i32
      %lt3A_790 = arith.constant 0 : i32
      %lt3A_791 = arith.cmpi slt, %select_n3A_784, %lt3A_790 : i32
      %ne3A_792 = arith.xori %lt3A_789, %lt3A_791 : i1
      %and3A_793 = arith.andi %ne3A_792, %ne3A_787 : i1
      %add3A_794 = arith.addi %rem3A_785, %select_n3A_784 : i32
      %select_n3A_795 = arith.select %and3A_793, %add3A_794, %rem3A_785 : i32
      %mul3A_796 = arith.constant 128 : i32
      %mul3A_797 = arith.muli %select_n3A_795, %mul3A_796 : i32
      %dma_start3A_798 = arith.constant 0 : i32
      %dma_start3A_799 = tpu.memref_slice %arg6[%select_n3A_779, %dma_start3A_798] : memref<32x512xf32, #tpu.memory_space<vmem>> -> memref<1x512xf32, #tpu.memory_space<vmem>>
      %dma_start3A_800 = tpu.memref_squeeze %dma_start3A_799 : memref<1x512xf32, #tpu.memory_space<vmem>> -> memref<512xf32, #tpu.memory_space<vmem>>
      %dma_start3A_801 = tpu.memref_slice %dma_start3A_800[%mul3A_797] : memref<512xf32, #tpu.memory_space<vmem>> -> memref<128xf32, #tpu.memory_space<vmem>>
      %dma_start3A_802 = arith.constant 0 : i32
      %dma_start3A_803 = tpu.memref_slice %arg5[%select_n3A_795, %dma_start3A_802] : memref<4x128xi32, #tpu.memory_space<vmem>> -> memref<1x128xi32, #tpu.memory_space<vmem>>
      %dma_start3A_804 = tpu.memref_squeeze %dma_start3A_803 : memref<1x128xi32, #tpu.memory_space<vmem>> -> memref<128xi32, #tpu.memory_space<vmem>>
      %dma_start3A_805 = arith.constant 0 : i32
      %dma_start3A_806 = tpu.memref_slice %arg3[%select_n3A_779, %dma_start3A_805] : memref<32x1015808xf32, #tpu.memory_space<hbm>> -> memref<1x1015808xf32, #tpu.memory_space<hbm>>
      %dma_start3A_807 = tpu.memref_squeeze %dma_start3A_806 : memref<1x1015808xf32, #tpu.memory_space<hbm>> -> memref<1015808xf32, #tpu.memory_space<hbm>>
      %dma_start3A_808 = arith.constant 0 : i32
      %dma_start3A_809 = tpu.memref_slice %dma_start3A_807[%dma_start3A_808] : memref<1015808xf32, #tpu.memory_space<hbm>> -> memref<1015808xf32, #tpu.memory_space<hbm>>
      tpu.enqueue_indirect_dma source(%dma_start3A_809 : memref<1015808xf32, #tpu.memory_space<hbm>>) target(%dma_start3A_801 : memref<128xf32, #tpu.memory_space<vmem>>) offsets(%dma_start3A_804 : memref<128xi32, #tpu.memory_space<vmem>>) semaphore(%arg7 : memref<!tpu.dma_semaphore, #tpu.memory_space<semaphore_mem>>)
      %mul3A_810 = arith.constant 16 : i32
      %mul3A_811 = arith.muli %scan3A_8, %mul3A_810 : i32
      %add3A_812 = arith.constant 14 : i32
      %add3A_813 = arith.addi %mul3A_811, %add3A_812 : i32
      %jit3A_814 = arith.constant 4 : i32
      %div3A_815 = arith.divsi %add3A_813, %jit3A_814 : i32
      %sign3A_816 = arith.constant 0 : i32
      %sign3A_817 = arith.cmpi sgt, %add3A_813, %sign3A_816 : i32
      %sign3A_818 = arith.extui %sign3A_817 : i1 to i32
      %sign3A_819 = arith.constant 0 : i32
      %sign3A_820 = arith.cmpi slt, %add3A_813, %sign3A_819 : i32
      %sign3A_821 = arith.extui %sign3A_820 : i1 to i32
      %sign3A_822 = arith.subi %sign3A_818, %sign3A_821 : i32
      %sign3A_823 = arith.constant 0 : i32
      %sign3A_824 = arith.cmpi sgt, %jit3A_814, %sign3A_823 : i32
      %sign3A_825 = arith.extui %sign3A_824 : i1 to i32
      %sign3A_826 = arith.constant 0 : i32
      %sign3A_827 = arith.cmpi slt, %jit3A_814, %sign3A_826 : i32
      %sign3A_828 = arith.extui %sign3A_827 : i1 to i32
      %sign3A_829 = arith.subi %sign3A_825, %sign3A_828 : i32
      %ne3A_830 = arith.cmpi ne, %sign3A_822, %sign3A_829 : i32
      %rem3A_831 = arith.remsi %add3A_813, %jit3A_814 : i32
      %ne3A_832 = arith.constant 0 : i32
      %ne3A_833 = arith.cmpi ne, %rem3A_831, %ne3A_832 : i32
      %and3A_834 = arith.andi %ne3A_830, %ne3A_833 : i1
      %sub3A_835 = arith.constant 1 : i32
      %sub3A_836 = arith.subi %div3A_815, %sub3A_835 : i32
      %select_n3A_837 = arith.select %and3A_834, %sub3A_836, %div3A_815 : i32
      %jit3A_838 = arith.constant 4 : i32
      %eq3A_839 = arith.constant 0 : i32
      %eq3A_840 = arith.cmpi eq, %jit3A_838, %eq3A_839 : i32
      %jit3A_841 = arith.constant 1 : i32
      %select_n3A_842 = arith.select %eq3A_840, %jit3A_841, %jit3A_838 : i32
      %rem3A_843 = arith.remsi %add3A_813, %select_n3A_842 : i32
      %ne3A_844 = arith.constant 0 : i32
      %ne3A_845 = arith.cmpi ne, %rem3A_843, %ne3A_844 : i32
      %lt3A_846 = arith.constant 0 : i32
      %lt3A_847 = arith.cmpi slt, %rem3A_843, %lt3A_846 : i32
      %lt3A_848 = arith.constant 0 : i32
      %lt3A_849 = arith.cmpi slt, %select_n3A_842, %lt3A_848 : i32
      %ne3A_850 = arith.xori %lt3A_847, %lt3A_849 : i1
      %and3A_851 = arith.andi %ne3A_850, %ne3A_845 : i1
      %add3A_852 = arith.addi %rem3A_843, %select_n3A_842 : i32
      %select_n3A_853 = arith.select %and3A_851, %add3A_852, %rem3A_843 : i32
      %mul3A_854 = arith.constant 128 : i32
      %mul3A_855 = arith.muli %select_n3A_853, %mul3A_854 : i32
      %dma_start3A_856 = arith.constant 0 : i32
      %dma_start3A_857 = tpu.memref_slice %arg6[%select_n3A_837, %dma_start3A_856] : memref<32x512xf32, #tpu.memory_space<vmem>> -> memref<1x512xf32, #tpu.memory_space<vmem>>
      %dma_start3A_858 = tpu.memref_squeeze %dma_start3A_857 : memref<1x512xf32, #tpu.memory_space<vmem>> -> memref<512xf32, #tpu.memory_space<vmem>>
      %dma_start3A_859 = tpu.memref_slice %dma_start3A_858[%mul3A_855] : memref<512xf32, #tpu.memory_space<vmem>> -> memref<128xf32, #tpu.memory_space<vmem>>
      %dma_start3A_860 = arith.constant 0 : i32
      %dma_start3A_861 = tpu.memref_slice %arg5[%select_n3A_853, %dma_start3A_860] : memref<4x128xi32, #tpu.memory_space<vmem>> -> memref<1x128xi32, #tpu.memory_space<vmem>>
      %dma_start3A_862 = tpu.memref_squeeze %dma_start3A_861 : memref<1x128xi32, #tpu.memory_space<vmem>> -> memref<128xi32, #tpu.memory_space<vmem>>
      %dma_start3A_863 = arith.constant 0 : i32
      %dma_start3A_864 = tpu.memref_slice %arg3[%select_n3A_837, %dma_start3A_863] : memref<32x1015808xf32, #tpu.memory_space<hbm>> -> memref<1x1015808xf32, #tpu.memory_space<hbm>>
      %dma_start3A_865 = tpu.memref_squeeze %dma_start3A_864 : memref<1x1015808xf32, #tpu.memory_space<hbm>> -> memref<1015808xf32, #tpu.memory_space<hbm>>
      %dma_start3A_866 = arith.constant 0 : i32
      %dma_start3A_867 = tpu.memref_slice %dma_start3A_865[%dma_start3A_866] : memref<1015808xf32, #tpu.memory_space<hbm>> -> memref<1015808xf32, #tpu.memory_space<hbm>>
      tpu.enqueue_indirect_dma source(%dma_start3A_867 : memref<1015808xf32, #tpu.memory_space<hbm>>) target(%dma_start3A_859 : memref<128xf32, #tpu.memory_space<vmem>>) offsets(%dma_start3A_862 : memref<128xi32, #tpu.memory_space<vmem>>) semaphore(%arg7 : memref<!tpu.dma_semaphore, #tpu.memory_space<semaphore_mem>>)
      %mul3A_868 = arith.constant 16 : i32
      %mul3A_869 = arith.muli %scan3A_8, %mul3A_868 : i32
      %add3A_870 = arith.constant 15 : i32
      %add3A_871 = arith.addi %mul3A_869, %add3A_870 : i32
      %jit3A_872 = arith.constant 4 : i32
      %div3A_873 = arith.divsi %add3A_871, %jit3A_872 : i32
      %sign3A_874 = arith.constant 0 : i32
      %sign3A_875 = arith.cmpi sgt, %add3A_871, %sign3A_874 : i32
      %sign3A_876 = arith.extui %sign3A_875 : i1 to i32
      %sign3A_877 = arith.constant 0 : i32
      %sign3A_878 = arith.cmpi slt, %add3A_871, %sign3A_877 : i32
      %sign3A_879 = arith.extui %sign3A_878 : i1 to i32
      %sign3A_880 = arith.subi %sign3A_876, %sign3A_879 : i32
      %sign3A_881 = arith.constant 0 : i32
      %sign3A_882 = arith.cmpi sgt, %jit3A_872, %sign3A_881 : i32
      %sign3A_883 = arith.extui %sign3A_882 : i1 to i32
      %sign3A_884 = arith.constant 0 : i32
      %sign3A_885 = arith.cmpi slt, %jit3A_872, %sign3A_884 : i32
      %sign3A_886 = arith.extui %sign3A_885 : i1 to i32
      %sign3A_887 = arith.subi %sign3A_883, %sign3A_886 : i32
      %ne3A_888 = arith.cmpi ne, %sign3A_880, %sign3A_887 : i32
      %rem3A_889 = arith.remsi %add3A_871, %jit3A_872 : i32
      %ne3A_890 = arith.constant 0 : i32
      %ne3A_891 = arith.cmpi ne, %rem3A_889, %ne3A_890 : i32
      %and3A_892 = arith.andi %ne3A_888, %ne3A_891 : i1
      %sub3A_893 = arith.constant 1 : i32
      %sub3A_894 = arith.subi %div3A_873, %sub3A_893 : i32
      %select_n3A_895 = arith.select %and3A_892, %sub3A_894, %div3A_873 : i32
      %jit3A_896 = arith.constant 4 : i32
      %eq3A_897 = arith.constant 0 : i32
      %eq3A_898 = arith.cmpi eq, %jit3A_896, %eq3A_897 : i32
      %jit3A_899 = arith.constant 1 : i32
      %select_n3A_900 = arith.select %eq3A_898, %jit3A_899, %jit3A_896 : i32
      %rem3A_901 = arith.remsi %add3A_871, %select_n3A_900 : i32
      %ne3A_902 = arith.constant 0 : i32
      %ne3A_903 = arith.cmpi ne, %rem3A_901, %ne3A_902 : i32
      %lt3A_904 = arith.constant 0 : i32
      %lt3A_905 = arith.cmpi slt, %rem3A_901, %lt3A_904 : i32
      %lt3A_906 = arith.constant 0 : i32
      %lt3A_907 = arith.cmpi slt, %select_n3A_900, %lt3A_906 : i32
      %ne3A_908 = arith.xori %lt3A_905, %lt3A_907 : i1
      %and3A_909 = arith.andi %ne3A_908, %ne3A_903 : i1
      %add3A_910 = arith.addi %rem3A_901, %select_n3A_900 : i32
      %select_n3A_911 = arith.select %and3A_909, %add3A_910, %rem3A_901 : i32
      %mul3A_912 = arith.constant 128 : i32
      %mul3A_913 = arith.muli %select_n3A_911, %mul3A_912 : i32
      %dma_start3A_914 = arith.constant 0 : i32
      %dma_start3A_915 = tpu.memref_slice %arg6[%select_n3A_895, %dma_start3A_914] : memref<32x512xf32, #tpu.memory_space<vmem>> -> memref<1x512xf32, #tpu.memory_space<vmem>>
      %dma_start3A_916 = tpu.memref_squeeze %dma_start3A_915 : memref<1x512xf32, #tpu.memory_space<vmem>> -> memref<512xf32, #tpu.memory_space<vmem>>
      %dma_start3A_917 = tpu.memref_slice %dma_start3A_916[%mul3A_913] : memref<512xf32, #tpu.memory_space<vmem>> -> memref<128xf32, #tpu.memory_space<vmem>>
      %dma_start3A_918 = arith.constant 0 : i32
      %dma_start3A_919 = tpu.memref_slice %arg5[%select_n3A_911, %dma_start3A_918] : memref<4x128xi32, #tpu.memory_space<vmem>> -> memref<1x128xi32, #tpu.memory_space<vmem>>
      %dma_start3A_920 = tpu.memref_squeeze %dma_start3A_919 : memref<1x128xi32, #tpu.memory_space<vmem>> -> memref<128xi32, #tpu.memory_space<vmem>>
      %dma_start3A_921 = arith.constant 0 : i32
      %dma_start3A_922 = tpu.memref_slice %arg3[%select_n3A_895, %dma_start3A_921] : memref<32x1015808xf32, #tpu.memory_space<hbm>> -> memref<1x1015808xf32, #tpu.memory_space<hbm>>
      %dma_start3A_923 = tpu.memref_squeeze %dma_start3A_922 : memref<1x1015808xf32, #tpu.memory_space<hbm>> -> memref<1015808xf32, #tpu.memory_space<hbm>>
      %dma_start3A_924 = arith.constant 0 : i32
      %dma_start3A_925 = tpu.memref_slice %dma_start3A_923[%dma_start3A_924] : memref<1015808xf32, #tpu.memory_space<hbm>> -> memref<1015808xf32, #tpu.memory_space<hbm>>
      tpu.enqueue_indirect_dma source(%dma_start3A_925 : memref<1015808xf32, #tpu.memory_space<hbm>>) target(%dma_start3A_917 : memref<128xf32, #tpu.memory_space<vmem>>) offsets(%dma_start3A_920 : memref<128xi32, #tpu.memory_space<vmem>>) semaphore(%arg7 : memref<!tpu.dma_semaphore, #tpu.memory_space<semaphore_mem>>)
      %dma_wait3A = arith.constant 0 : i32
      %dma_wait3A_926 = tpu.memref_slice %arg6[%select_n3A, %dma_wait3A] : memref<32x512xf32, #tpu.memory_space<vmem>> -> memref<1x512xf32, #tpu.memory_space<vmem>>
      %dma_wait3A_927 = tpu.memref_squeeze %dma_wait3A_926 : memref<1x512xf32, #tpu.memory_space<vmem>> -> memref<512xf32, #tpu.memory_space<vmem>>
      %dma_wait3A_928 = tpu.memref_slice %dma_wait3A_927[%mul3A_44] : memref<512xf32, #tpu.memory_space<vmem>> -> memref<128xf32, #tpu.memory_space<vmem>>
      %dma_wait3A_929 = arith.constant 0 : i32
      %dma_wait3A_930 = tpu.memref_slice %arg5[%select_n3A_42, %dma_wait3A_929] : memref<4x128xi32, #tpu.memory_space<vmem>> -> memref<1x128xi32, #tpu.memory_space<vmem>>
      %dma_wait3A_931 = tpu.memref_squeeze %dma_wait3A_930 : memref<1x128xi32, #tpu.memory_space<vmem>> -> memref<128xi32, #tpu.memory_space<vmem>>
      %dma_wait3A_932 = arith.constant 0 : i32
      %dma_wait3A_933 = tpu.memref_slice %arg3[%select_n3A, %dma_wait3A_932] : memref<32x1015808xf32, #tpu.memory_space<hbm>> -> memref<1x1015808xf32, #tpu.memory_space<hbm>>
      %dma_wait3A_934 = tpu.memref_squeeze %dma_wait3A_933 : memref<1x1015808xf32, #tpu.memory_space<hbm>> -> memref<1015808xf32, #tpu.memory_space<hbm>>
      %dma_wait3A_935 = arith.constant 0 : i32
      %dma_wait3A_936 = tpu.memref_slice %dma_wait3A_934[%dma_wait3A_935] : memref<1015808xf32, #tpu.memory_space<hbm>> -> memref<1015808xf32, #tpu.memory_space<hbm>>
      tpu.wait_indirect_dma semaphore(%arg7 : memref<!tpu.dma_semaphore, #tpu.memory_space<semaphore_mem>>) src(%dma_wait3A_936 : memref<1015808xf32, #tpu.memory_space<hbm>>) dst(%dma_wait3A_928 : memref<128xf32, #tpu.memory_space<vmem>>)
      %dma_wait3A_937 = arith.constant 0 : i32
      %dma_wait3A_938 = tpu.memref_slice %arg6[%select_n3A_83, %dma_wait3A_937] : memref<32x512xf32, #tpu.memory_space<vmem>> -> memref<1x512xf32, #tpu.memory_space<vmem>>
      %dma_wait3A_939 = tpu.memref_squeeze %dma_wait3A_938 : memref<1x512xf32, #tpu.memory_space<vmem>> -> memref<512xf32, #tpu.memory_space<vmem>>
      %dma_wait3A_940 = tpu.memref_slice %dma_wait3A_939[%mul3A_101] : memref<512xf32, #tpu.memory_space<vmem>> -> memref<128xf32, #tpu.memory_space<vmem>>
      %dma_wait3A_941 = arith.constant 0 : i32
      %dma_wait3A_942 = tpu.memref_slice %arg5[%select_n3A_99, %dma_wait3A_941] : memref<4x128xi32, #tpu.memory_space<vmem>> -> memref<1x128xi32, #tpu.memory_space<vmem>>
      %dma_wait3A_943 = tpu.memref_squeeze %dma_wait3A_942 : memref<1x128xi32, #tpu.memory_space<vmem>> -> memref<128xi32, #tpu.memory_space<vmem>>
      %dma_wait3A_944 = arith.constant 0 : i32
      %dma_wait3A_945 = tpu.memref_slice %arg3[%select_n3A_83, %dma_wait3A_944] : memref<32x1015808xf32, #tpu.memory_space<hbm>> -> memref<1x1015808xf32, #tpu.memory_space<hbm>>
      %dma_wait3A_946 = tpu.memref_squeeze %dma_wait3A_945 : memref<1x1015808xf32, #tpu.memory_space<hbm>> -> memref<1015808xf32, #tpu.memory_space<hbm>>
      %dma_wait3A_947 = arith.constant 0 : i32
      %dma_wait3A_948 = tpu.memref_slice %dma_wait3A_946[%dma_wait3A_947] : memref<1015808xf32, #tpu.memory_space<hbm>> -> memref<1015808xf32, #tpu.memory_space<hbm>>
      tpu.wait_indirect_dma semaphore(%arg7 : memref<!tpu.dma_semaphore, #tpu.memory_space<semaphore_mem>>) src(%dma_wait3A_948 : memref<1015808xf32, #tpu.memory_space<hbm>>) dst(%dma_wait3A_940 : memref<128xf32, #tpu.memory_space<vmem>>)
      %dma_wait3A_949 = arith.constant 0 : i32
      %dma_wait3A_950 = tpu.memref_slice %arg6[%select_n3A_141, %dma_wait3A_949] : memref<32x512xf32, #tpu.memory_space<vmem>> -> memref<1x512xf32, #tpu.memory_space<vmem>>
      %dma_wait3A_951 = tpu.memref_squeeze %dma_wait3A_950 : memref<1x512xf32, #tpu.memory_space<vmem>> -> memref<512xf32, #tpu.memory_space<vmem>>
      %dma_wait3A_952 = tpu.memref_slice %dma_wait3A_951[%mul3A_159] : memref<512xf32, #tpu.memory_space<vmem>> -> memref<128xf32, #tpu.memory_space<vmem>>
      %dma_wait3A_953 = arith.constant 0 : i32
      %dma_wait3A_954 = tpu.memref_slice %arg5[%select_n3A_157, %dma_wait3A_953] : memref<4x128xi32, #tpu.memory_space<vmem>> -> memref<1x128xi32, #tpu.memory_space<vmem>>
      %dma_wait3A_955 = tpu.memref_squeeze %dma_wait3A_954 : memref<1x128xi32, #tpu.memory_space<vmem>> -> memref<128xi32, #tpu.memory_space<vmem>>
      %dma_wait3A_956 = arith.constant 0 : i32
      %dma_wait3A_957 = tpu.memref_slice %arg3[%select_n3A_141, %dma_wait3A_956] : memref<32x1015808xf32, #tpu.memory_space<hbm>> -> memref<1x1015808xf32, #tpu.memory_space<hbm>>
      %dma_wait3A_958 = tpu.memref_squeeze %dma_wait3A_957 : memref<1x1015808xf32, #tpu.memory_space<hbm>> -> memref<1015808xf32, #tpu.memory_space<hbm>>
      %dma_wait3A_959 = arith.constant 0 : i32
      %dma_wait3A_960 = tpu.memref_slice %dma_wait3A_958[%dma_wait3A_959] : memref<1015808xf32, #tpu.memory_space<hbm>> -> memref<1015808xf32, #tpu.memory_space<hbm>>
      tpu.wait_indirect_dma semaphore(%arg7 : memref<!tpu.dma_semaphore, #tpu.memory_space<semaphore_mem>>) src(%dma_wait3A_960 : memref<1015808xf32, #tpu.memory_space<hbm>>) dst(%dma_wait3A_952 : memref<128xf32, #tpu.memory_space<vmem>>)
      %dma_wait3A_961 = arith.constant 0 : i32
      %dma_wait3A_962 = tpu.memref_slice %arg6[%select_n3A_199, %dma_wait3A_961] : memref<32x512xf32, #tpu.memory_space<vmem>> -> memref<1x512xf32, #tpu.memory_space<vmem>>
      %dma_wait3A_963 = tpu.memref_squeeze %dma_wait3A_962 : memref<1x512xf32, #tpu.memory_space<vmem>> -> memref<512xf32, #tpu.memory_space<vmem>>
      %dma_wait3A_964 = tpu.memref_slice %dma_wait3A_963[%mul3A_217] : memref<512xf32, #tpu.memory_space<vmem>> -> memref<128xf32, #tpu.memory_space<vmem>>
      %dma_wait3A_965 = arith.constant 0 : i32
      %dma_wait3A_966 = tpu.memref_slice %arg5[%select_n3A_215, %dma_wait3A_965] : memref<4x128xi32, #tpu.memory_space<vmem>> -> memref<1x128xi32, #tpu.memory_space<vmem>>
      %dma_wait3A_967 = tpu.memref_squeeze %dma_wait3A_966 : memref<1x128xi32, #tpu.memory_space<vmem>> -> memref<128xi32, #tpu.memory_space<vmem>>
      %dma_wait3A_968 = arith.constant 0 : i32
      %dma_wait3A_969 = tpu.memref_slice %arg3[%select_n3A_199, %dma_wait3A_968] : memref<32x1015808xf32, #tpu.memory_space<hbm>> -> memref<1x1015808xf32, #tpu.memory_space<hbm>>
      %dma_wait3A_970 = tpu.memref_squeeze %dma_wait3A_969 : memref<1x1015808xf32, #tpu.memory_space<hbm>> -> memref<1015808xf32, #tpu.memory_space<hbm>>
      %dma_wait3A_971 = arith.constant 0 : i32
      %dma_wait3A_972 = tpu.memref_slice %dma_wait3A_970[%dma_wait3A_971] : memref<1015808xf32, #tpu.memory_space<hbm>> -> memref<1015808xf32, #tpu.memory_space<hbm>>
      tpu.wait_indirect_dma semaphore(%arg7 : memref<!tpu.dma_semaphore, #tpu.memory_space<semaphore_mem>>) src(%dma_wait3A_972 : memref<1015808xf32, #tpu.memory_space<hbm>>) dst(%dma_wait3A_964 : memref<128xf32, #tpu.memory_space<vmem>>)
      %dma_wait3A_973 = arith.constant 0 : i32
      %dma_wait3A_974 = tpu.memref_slice %arg6[%select_n3A_257, %dma_wait3A_973] : memref<32x512xf32, #tpu.memory_space<vmem>> -> memref<1x512xf32, #tpu.memory_space<vmem>>
      %dma_wait3A_975 = tpu.memref_squeeze %dma_wait3A_974 : memref<1x512xf32, #tpu.memory_space<vmem>> -> memref<512xf32, #tpu.memory_space<vmem>>
      %dma_wait3A_976 = tpu.memref_slice %dma_wait3A_975[%mul3A_275] : memref<512xf32, #tpu.memory_space<vmem>> -> memref<128xf32, #tpu.memory_space<vmem>>
      %dma_wait3A_977 = arith.constant 0 : i32
      %dma_wait3A_978 = tpu.memref_slice %arg5[%select_n3A_273, %dma_wait3A_977] : memref<4x128xi32, #tpu.memory_space<vmem>> -> memref<1x128xi32, #tpu.memory_space<vmem>>
      %dma_wait3A_979 = tpu.memref_squeeze %dma_wait3A_978 : memref<1x128xi32, #tpu.memory_space<vmem>> -> memref<128xi32, #tpu.memory_space<vmem>>
      %dma_wait3A_980 = arith.constant 0 : i32
      %dma_wait3A_981 = tpu.memref_slice %arg3[%select_n3A_257, %dma_wait3A_980] : memref<32x1015808xf32, #tpu.memory_space<hbm>> -> memref<1x1015808xf32, #tpu.memory_space<hbm>>
      %dma_wait3A_982 = tpu.memref_squeeze %dma_wait3A_981 : memref<1x1015808xf32, #tpu.memory_space<hbm>> -> memref<1015808xf32, #tpu.memory_space<hbm>>
      %dma_wait3A_983 = arith.constant 0 : i32
      %dma_wait3A_984 = tpu.memref_slice %dma_wait3A_982[%dma_wait3A_983] : memref<1015808xf32, #tpu.memory_space<hbm>> -> memref<1015808xf32, #tpu.memory_space<hbm>>
      tpu.wait_indirect_dma semaphore(%arg7 : memref<!tpu.dma_semaphore, #tpu.memory_space<semaphore_mem>>) src(%dma_wait3A_984 : memref<1015808xf32, #tpu.memory_space<hbm>>) dst(%dma_wait3A_976 : memref<128xf32, #tpu.memory_space<vmem>>)
      %dma_wait3A_985 = arith.constant 0 : i32
      %dma_wait3A_986 = tpu.memref_slice %arg6[%select_n3A_315, %dma_wait3A_985] : memref<32x512xf32, #tpu.memory_space<vmem>> -> memref<1x512xf32, #tpu.memory_space<vmem>>
      %dma_wait3A_987 = tpu.memref_squeeze %dma_wait3A_986 : memref<1x512xf32, #tpu.memory_space<vmem>> -> memref<512xf32, #tpu.memory_space<vmem>>
      %dma_wait3A_988 = tpu.memref_slice %dma_wait3A_987[%mul3A_333] : memref<512xf32, #tpu.memory_space<vmem>> -> memref<128xf32, #tpu.memory_space<vmem>>
      %dma_wait3A_989 = arith.constant 0 : i32
      %dma_wait3A_990 = tpu.memref_slice %arg5[%select_n3A_331, %dma_wait3A_989] : memref<4x128xi32, #tpu.memory_space<vmem>> -> memref<1x128xi32, #tpu.memory_space<vmem>>
      %dma_wait3A_991 = tpu.memref_squeeze %dma_wait3A_990 : memref<1x128xi32, #tpu.memory_space<vmem>> -> memref<128xi32, #tpu.memory_space<vmem>>
      %dma_wait3A_992 = arith.constant 0 : i32
      %dma_wait3A_993 = tpu.memref_slice %arg3[%select_n3A_315, %dma_wait3A_992] : memref<32x1015808xf32, #tpu.memory_space<hbm>> -> memref<1x1015808xf32, #tpu.memory_space<hbm>>
      %dma_wait3A_994 = tpu.memref_squeeze %dma_wait3A_993 : memref<1x1015808xf32, #tpu.memory_space<hbm>> -> memref<1015808xf32, #tpu.memory_space<hbm>>
      %dma_wait3A_995 = arith.constant 0 : i32
      %dma_wait3A_996 = tpu.memref_slice %dma_wait3A_994[%dma_wait3A_995] : memref<1015808xf32, #tpu.memory_space<hbm>> -> memref<1015808xf32, #tpu.memory_space<hbm>>
      tpu.wait_indirect_dma semaphore(%arg7 : memref<!tpu.dma_semaphore, #tpu.memory_space<semaphore_mem>>) src(%dma_wait3A_996 : memref<1015808xf32, #tpu.memory_space<hbm>>) dst(%dma_wait3A_988 : memref<128xf32, #tpu.memory_space<vmem>>)
      %dma_wait3A_997 = arith.constant 0 : i32
      %dma_wait3A_998 = tpu.memref_slice %arg6[%select_n3A_373, %dma_wait3A_997] : memref<32x512xf32, #tpu.memory_space<vmem>> -> memref<1x512xf32, #tpu.memory_space<vmem>>
      %dma_wait3A_999 = tpu.memref_squeeze %dma_wait3A_998 : memref<1x512xf32, #tpu.memory_space<vmem>> -> memref<512xf32, #tpu.memory_space<vmem>>
      %dma_wait3A_1000 = tpu.memref_slice %dma_wait3A_999[%mul3A_391] : memref<512xf32, #tpu.memory_space<vmem>> -> memref<128xf32, #tpu.memory_space<vmem>>
      %dma_wait3A_1001 = arith.constant 0 : i32
      %dma_wait3A_1002 = tpu.memref_slice %arg5[%select_n3A_389, %dma_wait3A_1001] : memref<4x128xi32, #tpu.memory_space<vmem>> -> memref<1x128xi32, #tpu.memory_space<vmem>>
      %dma_wait3A_1003 = tpu.memref_squeeze %dma_wait3A_1002 : memref<1x128xi32, #tpu.memory_space<vmem>> -> memref<128xi32, #tpu.memory_space<vmem>>
      %dma_wait3A_1004 = arith.constant 0 : i32
      %dma_wait3A_1005 = tpu.memref_slice %arg3[%select_n3A_373, %dma_wait3A_1004] : memref<32x1015808xf32, #tpu.memory_space<hbm>> -> memref<1x1015808xf32, #tpu.memory_space<hbm>>
      %dma_wait3A_1006 = tpu.memref_squeeze %dma_wait3A_1005 : memref<1x1015808xf32, #tpu.memory_space<hbm>> -> memref<1015808xf32, #tpu.memory_space<hbm>>
      %dma_wait3A_1007 = arith.constant 0 : i32
      %dma_wait3A_1008 = tpu.memref_slice %dma_wait3A_1006[%dma_wait3A_1007] : memref<1015808xf32, #tpu.memory_space<hbm>> -> memref<1015808xf32, #tpu.memory_space<hbm>>
      tpu.wait_indirect_dma semaphore(%arg7 : memref<!tpu.dma_semaphore, #tpu.memory_space<semaphore_mem>>) src(%dma_wait3A_1008 : memref<1015808xf32, #tpu.memory_space<hbm>>) dst(%dma_wait3A_1000 : memref<128xf32, #tpu.memory_space<vmem>>)
      %dma_wait3A_1009 = arith.constant 0 : i32
      %dma_wait3A_1010 = tpu.memref_slice %arg6[%select_n3A_431, %dma_wait3A_1009] : memref<32x512xf32, #tpu.memory_space<vmem>> -> memref<1x512xf32, #tpu.memory_space<vmem>>
      %dma_wait3A_1011 = tpu.memref_squeeze %dma_wait3A_1010 : memref<1x512xf32, #tpu.memory_space<vmem>> -> memref<512xf32, #tpu.memory_space<vmem>>
      %dma_wait3A_1012 = tpu.memref_slice %dma_wait3A_1011[%mul3A_449] : memref<512xf32, #tpu.memory_space<vmem>> -> memref<128xf32, #tpu.memory_space<vmem>>
      %dma_wait3A_1013 = arith.constant 0 : i32
      %dma_wait3A_1014 = tpu.memref_slice %arg5[%select_n3A_447, %dma_wait3A_1013] : memref<4x128xi32, #tpu.memory_space<vmem>> -> memref<1x128xi32, #tpu.memory_space<vmem>>
      %dma_wait3A_1015 = tpu.memref_squeeze %dma_wait3A_1014 : memref<1x128xi32, #tpu.memory_space<vmem>> -> memref<128xi32, #tpu.memory_space<vmem>>
      %dma_wait3A_1016 = arith.constant 0 : i32
      %dma_wait3A_1017 = tpu.memref_slice %arg3[%select_n3A_431, %dma_wait3A_1016] : memref<32x1015808xf32, #tpu.memory_space<hbm>> -> memref<1x1015808xf32, #tpu.memory_space<hbm>>
      %dma_wait3A_1018 = tpu.memref_squeeze %dma_wait3A_1017 : memref<1x1015808xf32, #tpu.memory_space<hbm>> -> memref<1015808xf32, #tpu.memory_space<hbm>>
      %dma_wait3A_1019 = arith.constant 0 : i32
      %dma_wait3A_1020 = tpu.memref_slice %dma_wait3A_1018[%dma_wait3A_1019] : memref<1015808xf32, #tpu.memory_space<hbm>> -> memref<1015808xf32, #tpu.memory_space<hbm>>
      tpu.wait_indirect_dma semaphore(%arg7 : memref<!tpu.dma_semaphore, #tpu.memory_space<semaphore_mem>>) src(%dma_wait3A_1020 : memref<1015808xf32, #tpu.memory_space<hbm>>) dst(%dma_wait3A_1012 : memref<128xf32, #tpu.memory_space<vmem>>)
      %dma_wait3A_1021 = arith.constant 0 : i32
      %dma_wait3A_1022 = tpu.memref_slice %arg6[%select_n3A_489, %dma_wait3A_1021] : memref<32x512xf32, #tpu.memory_space<vmem>> -> memref<1x512xf32, #tpu.memory_space<vmem>>
      %dma_wait3A_1023 = tpu.memref_squeeze %dma_wait3A_1022 : memref<1x512xf32, #tpu.memory_space<vmem>> -> memref<512xf32, #tpu.memory_space<vmem>>
      %dma_wait3A_1024 = tpu.memref_slice %dma_wait3A_1023[%mul3A_507] : memref<512xf32, #tpu.memory_space<vmem>> -> memref<128xf32, #tpu.memory_space<vmem>>
      %dma_wait3A_1025 = arith.constant 0 : i32
      %dma_wait3A_1026 = tpu.memref_slice %arg5[%select_n3A_505, %dma_wait3A_1025] : memref<4x128xi32, #tpu.memory_space<vmem>> -> memref<1x128xi32, #tpu.memory_space<vmem>>
      %dma_wait3A_1027 = tpu.memref_squeeze %dma_wait3A_1026 : memref<1x128xi32, #tpu.memory_space<vmem>> -> memref<128xi32, #tpu.memory_space<vmem>>
      %dma_wait3A_1028 = arith.constant 0 : i32
      %dma_wait3A_1029 = tpu.memref_slice %arg3[%select_n3A_489, %dma_wait3A_1028] : memref<32x1015808xf32, #tpu.memory_space<hbm>> -> memref<1x1015808xf32, #tpu.memory_space<hbm>>
      %dma_wait3A_1030 = tpu.memref_squeeze %dma_wait3A_1029 : memref<1x1015808xf32, #tpu.memory_space<hbm>> -> memref<1015808xf32, #tpu.memory_space<hbm>>
      %dma_wait3A_1031 = arith.constant 0 : i32
      %dma_wait3A_1032 = tpu.memref_slice %dma_wait3A_1030[%dma_wait3A_1031] : memref<1015808xf32, #tpu.memory_space<hbm>> -> memref<1015808xf32, #tpu.memory_space<hbm>>
      tpu.wait_indirect_dma semaphore(%arg7 : memref<!tpu.dma_semaphore, #tpu.memory_space<semaphore_mem>>) src(%dma_wait3A_1032 : memref<1015808xf32, #tpu.memory_space<hbm>>) dst(%dma_wait3A_1024 : memref<128xf32, #tpu.memory_space<vmem>>)
      %dma_wait3A_1033 = arith.constant 0 : i32
      %dma_wait3A_1034 = tpu.memref_slice %arg6[%select_n3A_547, %dma_wait3A_1033] : memref<32x512xf32, #tpu.memory_space<vmem>> -> memref<1x512xf32, #tpu.memory_space<vmem>>
      %dma_wait3A_1035 = tpu.memref_squeeze %dma_wait3A_1034 : memref<1x512xf32, #tpu.memory_space<vmem>> -> memref<512xf32, #tpu.memory_space<vmem>>
      %dma_wait3A_1036 = tpu.memref_slice %dma_wait3A_1035[%mul3A_565] : memref<512xf32, #tpu.memory_space<vmem>> -> memref<128xf32, #tpu.memory_space<vmem>>
      %dma_wait3A_1037 = arith.constant 0 : i32
      %dma_wait3A_1038 = tpu.memref_slice %arg5[%select_n3A_563, %dma_wait3A_1037] : memref<4x128xi32, #tpu.memory_space<vmem>> -> memref<1x128xi32, #tpu.memory_space<vmem>>
      %dma_wait3A_1039 = tpu.memref_squeeze %dma_wait3A_1038 : memref<1x128xi32, #tpu.memory_space<vmem>> -> memref<128xi32, #tpu.memory_space<vmem>>
      %dma_wait3A_1040 = arith.constant 0 : i32
      %dma_wait3A_1041 = tpu.memref_slice %arg3[%select_n3A_547, %dma_wait3A_1040] : memref<32x1015808xf32, #tpu.memory_space<hbm>> -> memref<1x1015808xf32, #tpu.memory_space<hbm>>
      %dma_wait3A_1042 = tpu.memref_squeeze %dma_wait3A_1041 : memref<1x1015808xf32, #tpu.memory_space<hbm>> -> memref<1015808xf32, #tpu.memory_space<hbm>>
      %dma_wait3A_1043 = arith.constant 0 : i32
      %dma_wait3A_1044 = tpu.memref_slice %dma_wait3A_1042[%dma_wait3A_1043] : memref<1015808xf32, #tpu.memory_space<hbm>> -> memref<1015808xf32, #tpu.memory_space<hbm>>
      tpu.wait_indirect_dma semaphore(%arg7 : memref<!tpu.dma_semaphore, #tpu.memory_space<semaphore_mem>>) src(%dma_wait3A_1044 : memref<1015808xf32, #tpu.memory_space<hbm>>) dst(%dma_wait3A_1036 : memref<128xf32, #tpu.memory_space<vmem>>)
      %dma_wait3A_1045 = arith.constant 0 : i32
      %dma_wait3A_1046 = tpu.memref_slice %arg6[%select_n3A_605, %dma_wait3A_1045] : memref<32x512xf32, #tpu.memory_space<vmem>> -> memref<1x512xf32, #tpu.memory_space<vmem>>
      %dma_wait3A_1047 = tpu.memref_squeeze %dma_wait3A_1046 : memref<1x512xf32, #tpu.memory_space<vmem>> -> memref<512xf32, #tpu.memory_space<vmem>>
      %dma_wait3A_1048 = tpu.memref_slice %dma_wait3A_1047[%mul3A_623] : memref<512xf32, #tpu.memory_space<vmem>> -> memref<128xf32, #tpu.memory_space<vmem>>
      %dma_wait3A_1049 = arith.constant 0 : i32
      %dma_wait3A_1050 = tpu.memref_slice %arg5[%select_n3A_621, %dma_wait3A_1049] : memref<4x128xi32, #tpu.memory_space<vmem>> -> memref<1x128xi32, #tpu.memory_space<vmem>>
      %dma_wait3A_1051 = tpu.memref_squeeze %dma_wait3A_1050 : memref<1x128xi32, #tpu.memory_space<vmem>> -> memref<128xi32, #tpu.memory_space<vmem>>
      %dma_wait3A_1052 = arith.constant 0 : i32
      %dma_wait3A_1053 = tpu.memref_slice %arg3[%select_n3A_605, %dma_wait3A_1052] : memref<32x1015808xf32, #tpu.memory_space<hbm>> -> memref<1x1015808xf32, #tpu.memory_space<hbm>>
      %dma_wait3A_1054 = tpu.memref_squeeze %dma_wait3A_1053 : memref<1x1015808xf32, #tpu.memory_space<hbm>> -> memref<1015808xf32, #tpu.memory_space<hbm>>
      %dma_wait3A_1055 = arith.constant 0 : i32
      %dma_wait3A_1056 = tpu.memref_slice %dma_wait3A_1054[%dma_wait3A_1055] : memref<1015808xf32, #tpu.memory_space<hbm>> -> memref<1015808xf32, #tpu.memory_space<hbm>>
      tpu.wait_indirect_dma semaphore(%arg7 : memref<!tpu.dma_semaphore, #tpu.memory_space<semaphore_mem>>) src(%dma_wait3A_1056 : memref<1015808xf32, #tpu.memory_space<hbm>>) dst(%dma_wait3A_1048 : memref<128xf32, #tpu.memory_space<vmem>>)
      %dma_wait3A_1057 = arith.constant 0 : i32
      %dma_wait3A_1058 = tpu.memref_slice %arg6[%select_n3A_663, %dma_wait3A_1057] : memref<32x512xf32, #tpu.memory_space<vmem>> -> memref<1x512xf32, #tpu.memory_space<vmem>>
      %dma_wait3A_1059 = tpu.memref_squeeze %dma_wait3A_1058 : memref<1x512xf32, #tpu.memory_space<vmem>> -> memref<512xf32, #tpu.memory_space<vmem>>
      %dma_wait3A_1060 = tpu.memref_slice %dma_wait3A_1059[%mul3A_681] : memref<512xf32, #tpu.memory_space<vmem>> -> memref<128xf32, #tpu.memory_space<vmem>>
      %dma_wait3A_1061 = arith.constant 0 : i32
      %dma_wait3A_1062 = tpu.memref_slice %arg5[%select_n3A_679, %dma_wait3A_1061] : memref<4x128xi32, #tpu.memory_space<vmem>> -> memref<1x128xi32, #tpu.memory_space<vmem>>
      %dma_wait3A_1063 = tpu.memref_squeeze %dma_wait3A_1062 : memref<1x128xi32, #tpu.memory_space<vmem>> -> memref<128xi32, #tpu.memory_space<vmem>>
      %dma_wait3A_1064 = arith.constant 0 : i32
      %dma_wait3A_1065 = tpu.memref_slice %arg3[%select_n3A_663, %dma_wait3A_1064] : memref<32x1015808xf32, #tpu.memory_space<hbm>> -> memref<1x1015808xf32, #tpu.memory_space<hbm>>
      %dma_wait3A_1066 = tpu.memref_squeeze %dma_wait3A_1065 : memref<1x1015808xf32, #tpu.memory_space<hbm>> -> memref<1015808xf32, #tpu.memory_space<hbm>>
      %dma_wait3A_1067 = arith.constant 0 : i32
      %dma_wait3A_1068 = tpu.memref_slice %dma_wait3A_1066[%dma_wait3A_1067] : memref<1015808xf32, #tpu.memory_space<hbm>> -> memref<1015808xf32, #tpu.memory_space<hbm>>
      tpu.wait_indirect_dma semaphore(%arg7 : memref<!tpu.dma_semaphore, #tpu.memory_space<semaphore_mem>>) src(%dma_wait3A_1068 : memref<1015808xf32, #tpu.memory_space<hbm>>) dst(%dma_wait3A_1060 : memref<128xf32, #tpu.memory_space<vmem>>)
      %dma_wait3A_1069 = arith.constant 0 : i32
      %dma_wait3A_1070 = tpu.memref_slice %arg6[%select_n3A_721, %dma_wait3A_1069] : memref<32x512xf32, #tpu.memory_space<vmem>> -> memref<1x512xf32, #tpu.memory_space<vmem>>
      %dma_wait3A_1071 = tpu.memref_squeeze %dma_wait3A_1070 : memref<1x512xf32, #tpu.memory_space<vmem>> -> memref<512xf32, #tpu.memory_space<vmem>>
      %dma_wait3A_1072 = tpu.memref_slice %dma_wait3A_1071[%mul3A_739] : memref<512xf32, #tpu.memory_space<vmem>> -> memref<128xf32, #tpu.memory_space<vmem>>
      %dma_wait3A_1073 = arith.constant 0 : i32
      %dma_wait3A_1074 = tpu.memref_slice %arg5[%select_n3A_737, %dma_wait3A_1073] : memref<4x128xi32, #tpu.memory_space<vmem>> -> memref<1x128xi32, #tpu.memory_space<vmem>>
      %dma_wait3A_1075 = tpu.memref_squeeze %dma_wait3A_1074 : memref<1x128xi32, #tpu.memory_space<vmem>> -> memref<128xi32, #tpu.memory_space<vmem>>
      %dma_wait3A_1076 = arith.constant 0 : i32
      %dma_wait3A_1077 = tpu.memref_slice %arg3[%select_n3A_721, %dma_wait3A_1076] : memref<32x1015808xf32, #tpu.memory_space<hbm>> -> memref<1x1015808xf32, #tpu.memory_space<hbm>>
      %dma_wait3A_1078 = tpu.memref_squeeze %dma_wait3A_1077 : memref<1x1015808xf32, #tpu.memory_space<hbm>> -> memref<1015808xf32, #tpu.memory_space<hbm>>
      %dma_wait3A_1079 = arith.constant 0 : i32
      %dma_wait3A_1080 = tpu.memref_slice %dma_wait3A_1078[%dma_wait3A_1079] : memref<1015808xf32, #tpu.memory_space<hbm>> -> memref<1015808xf32, #tpu.memory_space<hbm>>
      tpu.wait_indirect_dma semaphore(%arg7 : memref<!tpu.dma_semaphore, #tpu.memory_space<semaphore_mem>>) src(%dma_wait3A_1080 : memref<1015808xf32, #tpu.memory_space<hbm>>) dst(%dma_wait3A_1072 : memref<128xf32, #tpu.memory_space<vmem>>)
      %dma_wait3A_1081 = arith.constant 0 : i32
      %dma_wait3A_1082 = tpu.memref_slice %arg6[%select_n3A_779, %dma_wait3A_1081] : memref<32x512xf32, #tpu.memory_space<vmem>> -> memref<1x512xf32, #tpu.memory_space<vmem>>
      %dma_wait3A_1083 = tpu.memref_squeeze %dma_wait3A_1082 : memref<1x512xf32, #tpu.memory_space<vmem>> -> memref<512xf32, #tpu.memory_space<vmem>>
      %dma_wait3A_1084 = tpu.memref_slice %dma_wait3A_1083[%mul3A_797] : memref<512xf32, #tpu.memory_space<vmem>> -> memref<128xf32, #tpu.memory_space<vmem>>
      %dma_wait3A_1085 = arith.constant 0 : i32
      %dma_wait3A_1086 = tpu.memref_slice %arg5[%select_n3A_795, %dma_wait3A_1085] : memref<4x128xi32, #tpu.memory_space<vmem>> -> memref<1x128xi32, #tpu.memory_space<vmem>>
      %dma_wait3A_1087 = tpu.memref_squeeze %dma_wait3A_1086 : memref<1x128xi32, #tpu.memory_space<vmem>> -> memref<128xi32, #tpu.memory_space<vmem>>
      %dma_wait3A_1088 = arith.constant 0 : i32
      %dma_wait3A_1089 = tpu.memref_slice %arg3[%select_n3A_779, %dma_wait3A_1088] : memref<32x1015808xf32, #tpu.memory_space<hbm>> -> memref<1x1015808xf32, #tpu.memory_space<hbm>>
      %dma_wait3A_1090 = tpu.memref_squeeze %dma_wait3A_1089 : memref<1x1015808xf32, #tpu.memory_space<hbm>> -> memref<1015808xf32, #tpu.memory_space<hbm>>
      %dma_wait3A_1091 = arith.constant 0 : i32
      %dma_wait3A_1092 = tpu.memref_slice %dma_wait3A_1090[%dma_wait3A_1091] : memref<1015808xf32, #tpu.memory_space<hbm>> -> memref<1015808xf32, #tpu.memory_space<hbm>>
      tpu.wait_indirect_dma semaphore(%arg7 : memref<!tpu.dma_semaphore, #tpu.memory_space<semaphore_mem>>) src(%dma_wait3A_1092 : memref<1015808xf32, #tpu.memory_space<hbm>>) dst(%dma_wait3A_1084 : memref<128xf32, #tpu.memory_space<vmem>>)
      %dma_wait3A_1093 = arith.constant 0 : i32
      %dma_wait3A_1094 = tpu.memref_slice %arg6[%select_n3A_837, %dma_wait3A_1093] : memref<32x512xf32, #tpu.memory_space<vmem>> -> memref<1x512xf32, #tpu.memory_space<vmem>>
      %dma_wait3A_1095 = tpu.memref_squeeze %dma_wait3A_1094 : memref<1x512xf32, #tpu.memory_space<vmem>> -> memref<512xf32, #tpu.memory_space<vmem>>
      %dma_wait3A_1096 = tpu.memref_slice %dma_wait3A_1095[%mul3A_855] : memref<512xf32, #tpu.memory_space<vmem>> -> memref<128xf32, #tpu.memory_space<vmem>>
      %dma_wait3A_1097 = arith.constant 0 : i32
      %dma_wait3A_1098 = tpu.memref_slice %arg5[%select_n3A_853, %dma_wait3A_1097] : memref<4x128xi32, #tpu.memory_space<vmem>> -> memref<1x128xi32, #tpu.memory_space<vmem>>
      %dma_wait3A_1099 = tpu.memref_squeeze %dma_wait3A_1098 : memref<1x128xi32, #tpu.memory_space<vmem>> -> memref<128xi32, #tpu.memory_space<vmem>>
      %dma_wait3A_1100 = arith.constant 0 : i32
      %dma_wait3A_1101 = tpu.memref_slice %arg3[%select_n3A_837, %dma_wait3A_1100] : memref<32x1015808xf32, #tpu.memory_space<hbm>> -> memref<1x1015808xf32, #tpu.memory_space<hbm>>
      %dma_wait3A_1102 = tpu.memref_squeeze %dma_wait3A_1101 : memref<1x1015808xf32, #tpu.memory_space<hbm>> -> memref<1015808xf32, #tpu.memory_space<hbm>>
      %dma_wait3A_1103 = arith.constant 0 : i32
      %dma_wait3A_1104 = tpu.memref_slice %dma_wait3A_1102[%dma_wait3A_1103] : memref<1015808xf32, #tpu.memory_space<hbm>> -> memref<1015808xf32, #tpu.memory_space<hbm>>
      tpu.wait_indirect_dma semaphore(%arg7 : memref<!tpu.dma_semaphore, #tpu.memory_space<semaphore_mem>>) src(%dma_wait3A_1104 : memref<1015808xf32, #tpu.memory_space<hbm>>) dst(%dma_wait3A_1096 : memref<128xf32, #tpu.memory_space<vmem>>)
      %dma_wait3A_1105 = arith.constant 0 : i32
      %dma_wait3A_1106 = tpu.memref_slice %arg6[%select_n3A_895, %dma_wait3A_1105] : memref<32x512xf32, #tpu.memory_space<vmem>> -> memref<1x512xf32, #tpu.memory_space<vmem>>
      %dma_wait3A_1107 = tpu.memref_squeeze %dma_wait3A_1106 : memref<1x512xf32, #tpu.memory_space<vmem>> -> memref<512xf32, #tpu.memory_space<vmem>>
      %dma_wait3A_1108 = tpu.memref_slice %dma_wait3A_1107[%mul3A_913] : memref<512xf32, #tpu.memory_space<vmem>> -> memref<128xf32, #tpu.memory_space<vmem>>
      %dma_wait3A_1109 = arith.constant 0 : i32
      %dma_wait3A_1110 = tpu.memref_slice %arg5[%select_n3A_911, %dma_wait3A_1109] : memref<4x128xi32, #tpu.memory_space<vmem>> -> memref<1x128xi32, #tpu.memory_space<vmem>>
      %dma_wait3A_1111 = tpu.memref_squeeze %dma_wait3A_1110 : memref<1x128xi32, #tpu.memory_space<vmem>> -> memref<128xi32, #tpu.memory_space<vmem>>
      %dma_wait3A_1112 = arith.constant 0 : i32
      %dma_wait3A_1113 = tpu.memref_slice %arg3[%select_n3A_895, %dma_wait3A_1112] : memref<32x1015808xf32, #tpu.memory_space<hbm>> -> memref<1x1015808xf32, #tpu.memory_space<hbm>>
      %dma_wait3A_1114 = tpu.memref_squeeze %dma_wait3A_1113 : memref<1x1015808xf32, #tpu.memory_space<hbm>> -> memref<1015808xf32, #tpu.memory_space<hbm>>
      %dma_wait3A_1115 = arith.constant 0 : i32
      %dma_wait3A_1116 = tpu.memref_slice %dma_wait3A_1114[%dma_wait3A_1115] : memref<1015808xf32, #tpu.memory_space<hbm>> -> memref<1015808xf32, #tpu.memory_space<hbm>>
      tpu.wait_indirect_dma semaphore(%arg7 : memref<!tpu.dma_semaphore, #tpu.memory_space<semaphore_mem>>) src(%dma_wait3A_1116 : memref<1015808xf32, #tpu.memory_space<hbm>>) dst(%dma_wait3A_1108 : memref<128xf32, #tpu.memory_space<vmem>>)
    }
    %scan3A_7 = arith.constant 8 : i32
    "tpu.region"() ({
      %run_scoped3A = tpu.sem_alloc : memref<!tpu.dma_semaphore, #tpu.memory_space<semaphore_mem>>
      %dma_start3A = arith.constant 0 : i32
      %dma_start3A_8 = tpu.memref_slice %arg4[%dma_start3A, %mul3A_2] : memref<32x16384xf32, #tpu.memory_space<hbm>> -> memref<32x512xf32, #tpu.memory_space<hbm>>
      %dma_start3A_9 = arith.constant 0 : i32
      %dma_start3A_10 = tpu.memref_slice %arg4[%dma_start3A_9, %mul3A_2] : memref<32x16384xf32, #tpu.memory_space<hbm>> -> memref<32x512xf32, #tpu.memory_space<hbm>>
      tpu.enqueue_dma source(%arg6 : memref<32x512xf32, #tpu.memory_space<vmem>>) target(%dma_start3A_10 : memref<32x512xf32, #tpu.memory_space<hbm>>) target_semaphore(%run_scoped3A : memref<!tpu.dma_semaphore, #tpu.memory_space<semaphore_mem>>)
      %dma_wait3A = arith.constant 0 : i32
      %dma_wait3A_11 = tpu.memref_slice %arg4[%dma_wait3A, %mul3A_2] : memref<32x16384xf32, #tpu.memory_space<hbm>> -> memref<32x512xf32, #tpu.memory_space<hbm>>
      %dma_wait3A_12 = arith.constant 0 : i32
      %dma_wait3A_13 = tpu.memref_slice %arg4[%dma_wait3A_12, %mul3A_2] : memref<32x16384xf32, #tpu.memory_space<hbm>> -> memref<32x512xf32, #tpu.memory_space<hbm>>
      tpu.wait_dma2 semaphore(%run_scoped3A : memref<!tpu.dma_semaphore, #tpu.memory_space<semaphore_mem>>) src(%arg6 : memref<32x512xf32, #tpu.memory_space<vmem>>) dst(%dma_wait3A_13 : memref<32x512xf32, #tpu.memory_space<hbm>>)
      tpu.yield
    }) : () -> ()
    return
  }
}

module attributes {stable_mosaic.version = 14 : i64} {
  func.func @_repack_body(%arg0: i32, %arg1: memref<32x16384xf32, #tpu.memory_space<vmem>>, %arg2: memref<32x128x128xf32, #tpu.memory_space<vmem>>) attributes {dimension_semantics = [#tpu.dimension_semantics<arbitrary>], iteration_bounds = array<i64: 62>, scalar_prefetch = 0 : i64, scratch_operands = 0 : i64, tpu.core_type = #tpu.core_type<tc>, window_params = [{transform_indices = @transform_0, window_bounds = array<i64: 32, 16384>}, {transform_indices = @transform_1, window_bounds = array<i64: 32, 128, 128>}]} {
    %get3A = arith.constant 0 : index
    %get3A_0 = arith.constant 0 : index
    %get3A_1 = vector.load %arg1[%get3A, %get3A_0] : memref<32x16384xf32, #tpu.memory_space<vmem>>, vector<32x16384xf32>
    %reshape3A = vector.shape_cast %get3A_1 : vector<32x16384xf32> to vector<32x128x128xf32>
    %swap3A = arith.constant 0 : index
    %swap3A_2 = arith.constant 0 : index
    %swap3A_3 = arith.constant 0 : index
    %swap3A_4 = vector.load %arg2[%swap3A, %swap3A_2, %swap3A_3] : memref<32x128x128xf32, #tpu.memory_space<vmem>>, vector<32x128x128xf32>
    tpu.vector_store %arg2[%swap3A, %swap3A_2, %swap3A_3], %reshape3A {strides = array<i32>} : memref<32x128x128xf32, #tpu.memory_space<vmem>>, vector<32x128x128xf32>,
    return
  }
  func.func @transform_0(%arg0: i32) -> (i32, i32) {
    %c0_i32 = arith.constant 0 : i32
    %c0_i32_0 = arith.constant 0 : i32
    return %c0_i32, %arg0 : i32, i32
  }
  func.func @transform_1(%arg0: i32) -> (i32, i32, i32) {
    %c0_i32 = arith.constant 0 : i32
    %c0_i32_0 = arith.constant 0 : i32
    %c0_i32_1 = arith.constant 0 : i32
    return %c0_i32, %arg0, %c0_i32_0 : i32, i32, i32
  }
}

module attributes {stable_mosaic.version = 14 : i64} {
  func.func @_mlp_body(%arg0: i32, %arg1: memref<32x2048xf32, #tpu.memory_space<vmem>>, %arg2: memref<32x2048xf32, #tpu.memory_space<vmem>>, %arg3: memref<64x32xf32, #tpu.memory_space<vmem>>, %arg4: memref<64x32xf32, #tpu.memory_space<vmem>>, %arg5: memref<64x1xf32, #tpu.memory_space<vmem>>, %arg6: memref<32x64xf32, #tpu.memory_space<vmem>>, %arg7: memref<32x1xf32, #tpu.memory_space<vmem>>, %arg8: memref<16x32xf32, #tpu.memory_space<vmem>>, %arg9: memref<16x1xf32, #tpu.memory_space<vmem>>, %arg10: memref<1x16xf32, #tpu.memory_space<vmem>>, %arg11: memref<1x1xf32, #tpu.memory_space<vmem>>, %arg12: memref<1x2048xf32, #tpu.memory_space<vmem>>) attributes {dimension_semantics = [#tpu.dimension_semantics<arbitrary>], iteration_bounds = array<i64: 8>, scalar_prefetch = 0 : i64, scratch_operands = 0 : i64, tpu.core_type = #tpu.core_type<tc>, window_params = [{transform_indices = @transform_0, window_bounds = array<i64: 32, 2048>}, {transform_indices = @transform_1, window_bounds = array<i64: 32, 2048>}, {pipeline_mode = #tpu.pipeline_mode<synchronous>, transform_indices = @transform_2, window_bounds = array<i64: 64, 32>}, {pipeline_mode = #tpu.pipeline_mode<synchronous>, transform_indices = @transform_3, window_bounds = array<i64: 64, 32>}, {pipeline_mode = #tpu.pipeline_mode<synchronous>, transform_indices = @transform_4, window_bounds = array<i64: 64, 1>}, {pipeline_mode = #tpu.pipeline_mode<synchronous>, transform_indices = @transform_5, window_bounds = array<i64: 32, 64>}, {pipeline_mode = #tpu.pipeline_mode<synchronous>, transform_indices = @transform_6, window_bounds = array<i64: 32, 1>}, {pipeline_mode = #tpu.pipeline_mode<synchronous>, transform_indices = @transform_7, window_bounds = array<i64: 16, 32>}, {pipeline_mode = #tpu.pipeline_mode<synchronous>, transform_indices = @transform_8, window_bounds = array<i64: 16, 1>}, {pipeline_mode = #tpu.pipeline_mode<synchronous>, transform_indices = @transform_9, window_bounds = array<i64: 1, 16>}, {pipeline_mode = #tpu.pipeline_mode<synchronous>, transform_indices = @transform_10, window_bounds = array<i64: 1, 1>}, {transform_indices = @transform_11, window_bounds = array<i64: 1, 2048>}]} {
    %get3A = arith.constant 0 : index
    %get3A_0 = arith.constant 0 : index
    %get3A_1 = vector.load %arg3[%get3A, %get3A_0] : memref<64x32xf32, #tpu.memory_space<vmem>>, vector<64x32xf32>
    %get3A_2 = arith.constant 0 : index
    %get3A_3 = arith.constant 0 : index
    %get3A_4 = vector.load %arg1[%get3A_2, %get3A_3] : memref<32x2048xf32, #tpu.memory_space<vmem>>, vector<32x2048xf32>
    %dot_general3A = arith.constant dense<0.000000e+00> : vector<64x2048xf32>
    %dot_general3A_5 = tpu.matmul %get3A_1, %get3A_4, %dot_general3A {dimension_numbers = #tpu.dot_dimension_numbers<[1], [0], [0], [1], [0, 0, 1, 1], [], []>, transpose_lhs_hint = false} : vector<64x32xf32>, vector<32x2048xf32>, vector<64x2048xf32> -> vector<64x2048xf32>
    %get3A_6 = arith.constant 0 : index
    %get3A_7 = arith.constant 0 : index
    %get3A_8 = vector.load %arg4[%get3A_6, %get3A_7] : memref<64x32xf32, #tpu.memory_space<vmem>>, vector<64x32xf32>
    %get3A_9 = arith.constant 0 : index
    %get3A_10 = arith.constant 0 : index
    %get3A_11 = vector.load %arg2[%get3A_9, %get3A_10] : memref<32x2048xf32, #tpu.memory_space<vmem>>, vector<32x2048xf32>
    %dot_general3A_12 = arith.constant dense<0.000000e+00> : vector<64x2048xf32>
    %dot_general3A_13 = tpu.matmul %get3A_8, %get3A_11, %dot_general3A_12 {dimension_numbers = #tpu.dot_dimension_numbers<[1], [0], [0], [1], [0, 0, 1, 1], [], []>, transpose_lhs_hint = false} : vector<64x32xf32>, vector<32x2048xf32>, vector<64x2048xf32> -> vector<64x2048xf32>
    %add3A = arith.addf %dot_general3A_5, %dot_general3A_13 : vector<64x2048xf32>
    %get3A_14 = arith.constant 0 : index
    %get3A_15 = arith.constant 0 : index
    %get3A_16 = vector.load %arg5[%get3A_14, %get3A_15] : memref<64x1xf32, #tpu.memory_space<vmem>>, vector<64x1xf32>
    %add3A_17 = vector.broadcast %get3A_16 : vector<64x1xf32> to vector<64x2048xf32>
    %add3A_18 = arith.addf %add3A, %add3A_17 : vector<64x2048xf32>
    %max3A = arith.constant 0.000000e+00 : f32
    %max3A_19 = vector.broadcast %max3A : f32 to vector<64x2048xf32>
    %max3A_20 = arith.maximumf %add3A_18, %max3A_19 : vector<64x2048xf32>
    %get3A_21 = arith.constant 0 : index
    %get3A_22 = arith.constant 0 : index
    %get3A_23 = vector.load %arg6[%get3A_21, %get3A_22] : memref<32x64xf32, #tpu.memory_space<vmem>>, vector<32x64xf32>
    %dot_general3A_24 = arith.constant dense<0.000000e+00> : vector<32x2048xf32>
    %dot_general3A_25 = tpu.matmul %get3A_23, %max3A_20, %dot_general3A_24 {dimension_numbers = #tpu.dot_dimension_numbers<[1], [0], [0], [1], [0, 0, 1, 1], [], []>, transpose_lhs_hint = false} : vector<32x64xf32>, vector<64x2048xf32>, vector<32x2048xf32> -> vector<32x2048xf32>
    %get3A_26 = arith.constant 0 : index
    %get3A_27 = arith.constant 0 : index
    %get3A_28 = vector.load %arg7[%get3A_26, %get3A_27] : memref<32x1xf32, #tpu.memory_space<vmem>>, vector<32x1xf32>
    %add3A_29 = vector.broadcast %get3A_28 : vector<32x1xf32> to vector<32x2048xf32>
    %add3A_30 = arith.addf %dot_general3A_25, %add3A_29 : vector<32x2048xf32>
    %max3A_31 = arith.constant 0.000000e+00 : f32
    %max3A_32 = vector.broadcast %max3A_31 : f32 to vector<32x2048xf32>
    %max3A_33 = arith.maximumf %add3A_30, %max3A_32 : vector<32x2048xf32>
    %get3A_34 = arith.constant 0 : index
    %get3A_35 = arith.constant 0 : index
    %get3A_36 = vector.load %arg8[%get3A_34, %get3A_35] : memref<16x32xf32, #tpu.memory_space<vmem>>, vector<16x32xf32>
    %dot_general3A_37 = arith.constant dense<0.000000e+00> : vector<16x2048xf32>
    %dot_general3A_38 = tpu.matmul %get3A_36, %max3A_33, %dot_general3A_37 {dimension_numbers = #tpu.dot_dimension_numbers<[1], [0], [0], [1], [0, 0, 1, 1], [], []>, transpose_lhs_hint = false} : vector<16x32xf32>, vector<32x2048xf32>, vector<16x2048xf32> -> vector<16x2048xf32>
    %get3A_39 = arith.constant 0 : index
    %get3A_40 = arith.constant 0 : index
    %get3A_41 = vector.load %arg9[%get3A_39, %get3A_40] : memref<16x1xf32, #tpu.memory_space<vmem>>, vector<16x1xf32>
    %add3A_42 = vector.broadcast %get3A_41 : vector<16x1xf32> to vector<16x2048xf32>
    %add3A_43 = arith.addf %dot_general3A_38, %add3A_42 : vector<16x2048xf32>
    %max3A_44 = arith.constant 0.000000e+00 : f32
    %max3A_45 = vector.broadcast %max3A_44 : f32 to vector<16x2048xf32>
    %max3A_46 = arith.maximumf %add3A_43, %max3A_45 : vector<16x2048xf32>
    %get3A_47 = arith.constant 0 : index
    %get3A_48 = arith.constant 0 : index
    %get3A_49 = vector.load %arg10[%get3A_47, %get3A_48] : memref<1x16xf32, #tpu.memory_space<vmem>>, vector<1x16xf32>
    %dot_general3A_50 = arith.constant dense<0.000000e+00> : vector<1x2048xf32>
    %dot_general3A_51 = tpu.matmul %get3A_49, %max3A_46, %dot_general3A_50 {dimension_numbers = #tpu.dot_dimension_numbers<[1], [0], [0], [1], [0, 0, 1, 1], [], []>, transpose_lhs_hint = false} : vector<1x16xf32>, vector<16x2048xf32>, vector<1x2048xf32> -> vector<1x2048xf32>
    %get3A_52 = arith.constant 0 : index
    %get3A_53 = arith.constant 0 : index
    %get3A_54 = vector.load %arg11[%get3A_52, %get3A_53] : memref<1x1xf32, #tpu.memory_space<vmem>>, vector<1x1xf32>
    %add3A_55 = vector.broadcast %get3A_54 : vector<1x1xf32> to vector<1x2048xf32>
    %add3A_56 = arith.addf %dot_general3A_51, %add3A_55 : vector<1x2048xf32>
    %swap3A = arith.constant 0 : index
    %swap3A_57 = arith.constant 0 : index
    %swap3A_58 = vector.load %arg12[%swap3A, %swap3A_57] : memref<1x2048xf32, #tpu.memory_space<vmem>>, vector<1x2048xf32>
    tpu.vector_store %arg12[%swap3A, %swap3A_57], %add3A_56 {strides = array<i32>} : memref<1x2048xf32, #tpu.memory_space<vmem>>, vector<1x2048xf32>,
    return
  }
  func.func @transform_0(%arg0: i32) -> (i32, i32) {
    %c0_i32 = arith.constant 0 : i32
    %c0_i32_0 = arith.constant 0 : i32
    return %c0_i32, %arg0 : i32, i32
  }
  func.func @transform_1(%arg0: i32) -> (i32, i32) {
    %c0_i32 = arith.constant 0 : i32
    %c0_i32_0 = arith.constant 0 : i32
    return %c0_i32, %arg0 : i32, i32
  }
  func.func @transform_2(%arg0: i32) -> (i32, i32) {
    %c0_i32 = arith.constant 0 : i32
    %c0_i32_0 = arith.constant 0 : i32
    %c0_i32_1 = arith.constant 0 : i32
    return %c0_i32, %c0_i32_0 : i32, i32
  }
  func.func @transform_3(%arg0: i32) -> (i32, i32) {
    %c0_i32 = arith.constant 0 : i32
    %c0_i32_0 = arith.constant 0 : i32
    %c0_i32_1 = arith.constant 0 : i32
    return %c0_i32, %c0_i32_0 : i32, i32
  }
  func.func @transform_4(%arg0: i32) -> (i32, i32) {
    %c0_i32 = arith.constant 0 : i32
    %c0_i32_0 = arith.constant 0 : i32
    %c0_i32_1 = arith.constant 0 : i32
    return %c0_i32, %c0_i32_0 : i32, i32
  }
  func.func @transform_5(%arg0: i32) -> (i32, i32) {
    %c0_i32 = arith.constant 0 : i32
    %c0_i32_0 = arith.constant 0 : i32
    %c0_i32_1 = arith.constant 0 : i32
    return %c0_i32, %c0_i32_0 : i32, i32
  }
  func.func @transform_6(%arg0: i32) -> (i32, i32) {
    %c0_i32 = arith.constant 0 : i32
    %c0_i32_0 = arith.constant 0 : i32
    %c0_i32_1 = arith.constant 0 : i32
    return %c0_i32, %c0_i32_0 : i32, i32
  }
  func.func @transform_7(%arg0: i32) -> (i32, i32) {
    %c0_i32 = arith.constant 0 : i32
    %c0_i32_0 = arith.constant 0 : i32
    %c0_i32_1 = arith.constant 0 : i32
    return %c0_i32, %c0_i32_0 : i32, i32
  }
  func.func @transform_8(%arg0: i32) -> (i32, i32) {
    %c0_i32 = arith.constant 0 : i32
    %c0_i32_0 = arith.constant 0 : i32
    %c0_i32_1 = arith.constant 0 : i32
    return %c0_i32, %c0_i32_0 : i32, i32
  }
  func.func @transform_9(%arg0: i32) -> (i32, i32) {
    %c0_i32 = arith.constant 0 : i32
    %c0_i32_0 = arith.constant 0 : i32
    %c0_i32_1 = arith.constant 0 : i32
    return %c0_i32, %c0_i32_0 : i32, i32
  }
  func.func @transform_10(%arg0: i32) -> (i32, i32) {
    %c0_i32 = arith.constant 0 : i32
    %c0_i32_0 = arith.constant 0 : i32
    %c0_i32_1 = arith.constant 0 : i32
    return %c0_i32, %c0_i32_0 : i32, i32
  }
  func.func @transform_11(%arg0: i32) -> (i32, i32) {
    %c0_i32 = arith.constant 0 : i32
    %c0_i32_0 = arith.constant 0 : i32
    return %c0_i32, %arg0 : i32, i32
  }
}

</mosaic_0001>

<sc_bundles>
// kernel: kernel.10.cloned.1.call-start
scs
__scs_entry_jumppad:
0x0: {  	(pc) =	sbr.rel $0x88, $3  }
0x1: {  	(tag) =	ssettag $0x0;
	lr =	simm.s32 $0x1  }
0x2: {  	[smem:$0x3F95] =	sst lr;
	_ =	strace $0xD0000000  }
0x3: {  	_ = 	snop  }
0x4: {  	_ = 	snop  }
0x5: {  	_ = 	snop  }
0x6: {  	_ = 	snop  }
0x7: {  	_ = 	snop  }
__scs_overlays_trampoline_lowered:
0x8: {  	[smem:$0x3FA4] =	sst s0  }
0x9: {  	[smem:$0x3FA5] =	sst s1  }
0xa: {  	[smem:$0x3FA6] =	sst s2  }
0xb: {  	[smem:$0x3FA7] =	sst s3  }
0xc: {  	[smem:$0x3FA8] =	sst s4  }
0xd: {  	[smem:$0x3FA9] =	sst s5  }
0xe: {  	[smem:$0x3FAA] =	sst s6  }
0xf: {  	[smem:$0x3FAB] =	sst s7  }
0x10: {  	[smem:$0x3FAC] =	sst s8  }
0x11: {  	[smem:$0x3FAD] =	sst s9;
	s0 =	simm.s32 @!p0 $0x0  }
0x12: {  	s1 =	sld [smem:$0x3F93];
	s0 =	simm.s32 @p0 $0x1  }
0x13: {  	[smem:$0x3FAE] =	sst s0;
	s0 =	simm.s32 @!p1 $0x0  }
0x14: {  	s2 =	sld [smem:$0x3F92];
	s0 =	simm.s32 @p1 $0x1  }
0x15: {  	[smem:$0x3FAF] =	sst s0;
	s0 =	simm.s32 @!p2 $0x0  }
0x16: {  	s3 =	sld [smem:$0x3FDB];
	s0 =	simm.s32 @p2 $0x1  }
0x17: {  	s4 =	simm.s32 $0x1BF5;
	[smem:$0x3FB1] =	sst s0  }
0x18: {  	s0 =	sld [smem:$0x3F94];
	_ =	swait.ge [sflag:s4], $0x0  }
0x19: {  	s7 =	sld [smem:$0x3F95]  }
0x1a: {  	s8 =	sadd.s32 $0xFFFFE003, lr  }
0x1b: {  	s9 =	sadd.s32 $0xFFFFFEF7, lr;
	s5 =	simm.s32 $0xFFFFFFFF;
	p2 =	slt.u32 s8, $0xFFFFF086  }
0x1c: {  	p1 =	slt.u32 s9, $0xF7A;
	s5 =	simm.s32 @!p2 $0x0  }
0x1d: {  	s5 =	simm.s32 @p1 $0x1;
	p0 =	seq.s32 s7, s2  }
0x1e: {  	s7 =	smul.u32 @!p0 $0xF7A, s2;
	p2 =	seq.s32 @!p0 s5, $0x0  }
0x1f: {  	s9 =	smul.u32 $0xF7A, s1;
	s8 =	simm.s32 @!p0 $0x1BF5;
	p2 =	por !p2, p0  }
0x20: {  	[sflag:s8] =	ssyncset.s32 @!p0 $0xFFFFF086;
	s6 =	sadd.s32 @!p0 s3, s7;
	s7 =	simm.s32 @!p0 $0x108  }
0x21: {  	s3 =	sadd.s32 s3, s9;
	s6 =	sadd.s32 @!p0 $0x88, s6;
	s7 =	simm.s32 @p2 $0x1082  }
0x22: {  	[simem:s7], [sflag:s8] =	dma.local @!p0 [hbm:s6], $0xF7A  }
0x23: {  	s9 =	sor.u32 $0xD0000000, s2;
	s6 =	simm.s32 $0x108;
	_ =	swait.ge @!p0 [sflag:s8], $0x0  }
0x24: {  	s3 =	sadd.s32 $0x88, s3;
	s6 =	simm.s32 @!p1 $0x1082;
	[sflag:s4] =	ssyncset.s32 $0xFFFFF086  }
0x25: {  	[simem:s6], [sflag:s4] =	dma.local [hbm:s3], $0xF7A  }
0x26: {  	[smem:$0x3F95] =	sst s1;
	(tag) =	ssettag s2;
	_ =	strace s9  }
0x27: {  	s1 =	sld [smem:$0x3FA5]  }
0x28: {  	s2 =	sld [smem:$0x3FA6]  }
0x29: {  	s4 =	sld [smem:$0x3FA8]  }
0x2a: {  	p0 =	seq.s32 s5, $0x0;
	s5 =	sld [smem:$0x3FA9]  }
0x2b: {  	s6 =	sld [smem:$0x3FAA]  }
0x2c: {  	s7 =	sld [smem:$0x3FAB]  }
0x2d: {  	s3 =	simm.s32 $0x108;
	s8 =	sld [smem:$0x3FAC]  }
0x2e: {  	s3 =	simm.s32 @!p0 $0x1082;
	s9 =	sld [smem:$0x3FAD]  }
0x2f: {  	lr =	sadd.s32 s0, s3;
	s0 =	sld [smem:$0x3FA4]  }
0x30: {  	s3 =	sld [smem:$0x3FA7]  }
0x31: {  	[smem:$0x3FB0] =	sst s10  }
0x32: {  	s10 =	sld [smem:$0x3FAE];
	_ =	sdelay $0x3  }
0x33: {  	p0 =	seq.s32 s10, $0x1;
	s10 =	sld [smem:$0x3FB0];
	_ =	sdelay $0x3  }
0x34: {  	[smem:$0x3FB0] =	sst s10  }
0x35: {  	s10 =	sld [smem:$0x3FAF];
	_ =	sdelay $0x3  }
0x36: {  	p1 =	seq.s32 s10, $0x1;
	s10 =	sld [smem:$0x3FB0];
	_ =	sdelay $0x3  }
0x37: {  	[smem:$0x3FB0] =	sst s10  }
0x38: {  	s10 =	sld [smem:$0x3FB1]  }
0x39: {  	_ = 	snop;
	(pc) =	sbr.ind lr, $3  }
0x3a: {  	_ = 	snop  }
0x3b: {  	_ = 	snop  }
0x3c: {  	p2 =	seq.s32 s10, $0x1;
	s10 =	sld [smem:$0x3FB0]  }
0x3d: {  	_ =	shalt  }
0x3e: {  	_ =	shalt  }
0x3f: {  	_ =	shalt  }
0x40: {  	_ =	shalt  }
0x41: {  	_ =	shalt  }
0x42: {  	_ =	shalt  }
0x43: {  	_ =	shalt  }
0x44: {  	_ =	shalt  }
0x45: {  	_ =	shalt  }
0x46: {  	_ =	shalt  }
0x47: {  	_ =	shalt  }
0x48: {  	_ =	shalt  }
0x49: {  	_ =	shalt  }
0x4a: {  	_ =	shalt  }
0x4b: {  	_ =	shalt  }
0x4c: {  	_ =	shalt  }
0x4d: {  	_ =	shalt  }
0x4e: {  	_ =	shalt  }
0x4f: {  	_ =	shalt  }
0x50: {  	_ =	shalt  }
0x51: {  	_ =	shalt  }
0x52: {  	_ =	shalt  }
0x53: {  	_ =	shalt  }
0x54: {  	_ =	shalt  }
0x55: {  	_ =	shalt  }
0x56: {  	_ =	shalt  }
0x57: {  	_ =	shalt  }
0x58: {  	_ =	shalt  }
0x59: {  	_ =	shalt  }
0x5a: {  	_ =	shalt  }
0x5b: {  	_ =	shalt  }
0x5c: {  	_ =	shalt  }
0x5d: {  	_ =	shalt  }
0x5e: {  	_ =	shalt  }
0x5f: {  	_ =	shalt  }
0x60: {  	_ =	shalt  }
0x61: {  	_ =	shalt  }
0x62: {  	_ =	shalt  }
0x63: {  	_ =	shalt  }
0x64: {  	_ =	shalt  }
0x65: {  	_ =	shalt  }
0x66: {  	_ =	shalt  }
0x67: {  	_ =	shalt  }
0x68: {  	_ =	shalt  }
0x69: {  	_ =	shalt  }
0x6a: {  	_ =	shalt  }
0x6b: {  	_ =	shalt  }
0x6c: {  	_ =	shalt  }
0x6d: {  	_ =	shalt  }
0x6e: {  	_ =	shalt  }
0x6f: {  	_ =	shalt  }
0x70: {  	_ =	shalt  }
0x71: {  	_ =	shalt  }
0x72: {  	_ =	shalt  }
0x73: {  	_ =	shalt  }
0x74: {  	_ =	shalt  }
0x75: {  	_ =	shalt  }
0x76: {  	_ =	shalt  }
0x77: {  	_ =	shalt  }
0x78: {  	_ =	shalt  }
0x79: {  	_ =	shalt  }
0x7a: {  	_ =	shalt  }
0x7b: {  	_ =	shalt  }
0x7c: {  	_ =	shalt  }
0x7d: {  	_ =	shalt  }
0x7e: {  	_ =	shalt  }
0x7f: {  	_ =	shalt  }
0x80: {  	_ =	shalt  }
0x81: {  	_ =	shalt  }
0x82: {  	_ =	shalt  }
0x83: {  	_ =	shalt  }
0x84: {  	_ =	shalt  }
0x85: {  	_ =	shalt  }
0x86: {  	_ =	shalt  }
0x87: {  	_ =	shalt  }
.Lfunc_end0:
.L_simem_size_0:
called_computation.1_lowered:
.L_overlay_start_0:
0x88: {  	s2 =	sld [smem:$0x3FD9]  }
0x89: {  	s3 =	sld [smem:$0x3FFE];
	_ =	sdelay $0x1  }
0x8a: {  	s1 =	srdreg.scid  }
0x8b: {  	s0 =	sand.u32 $0x1, s1  }
0x8c: {  	s17 =	sshll.u32 s0, $0xA;
	s2 =	sadd.s32 s3, s2  }
0x8d: {  	s2 =	sadd.s32 s2, s17  }
0x8e: {  	[smem:$0x3FBC] =	sst s2  }
0x8f: {  	_ = 	snop  }
0x90: {  	s18 =	sld [smem:$0x3FC8];
	(tm) =	ssettm $0x1  }
0x91: {  	s19 =	sld [smem:$0x3FFB];
	_ =	sdelay $0x3  }
0x92: {  	_ =	strace s19  }
0x93: {  	s2 =	sld [smem:$0x3FFC];
	_ =	sdelay $0x3  }
0x94: {  	_ =	strace s2  }
0x95: {  	s2 =	sld [smem:$0x3FFD];
	_ =	sdelay $0x3  }
0x96: {  	_ =	strace s2  }
0x97: {  	_ =	strace $0x8FFFFFFF  }
0x98: {  	s20 =	sld [smem:$0x3FDB];
	_ =	sdelay $0x1  }
0x99: {  	s4 =	simm.s32 $_scs_section_size  }
0x9a: {  	s5 =	simm.s32 $_size__tile_overlayer_lowered;
	s6 =	simm.s32 $_tile_overlayer_lowered  }
0x9b: {  	s7 =	simm.s32 $0x1BFF;
	s21 =	sshll.u32 s6, $0x1;
	s4 =	sadd.s32 s4, s20  }
0x9c: {  	s22 =	simm.s32 $0x0;
	s5 =	sshll.u32 s5, $0x1;
	s6 =	sadd.s32 s21, s4  }
0x9d: {  	[timem:s22], [sflag:s7] =	dma.local [hbm:s6], s5  }
0x9e: {  	_ =	swait.ge [sflag:s7], s5  }
0x9f: {  	s5 =	ssub.s32 $0x0, s5;
	[sflag:s7] =	ssyncset.done $0x0  }
0xa0: {  	[sflag:s7] =	ssyncadd.s32 s5;
	_ =	sdelay $0x1  }
0xa1: {  	s23 =	simm.s32 $0x1B8B  }
0xa2: {  	_ =	swait.ge [sflag:s23], $0x1  }
0xa3: {  	[sflag:s23] =	ssyncset.done $0x0  }
0xa4: {  	[sflag:s23] =	ssyncadd.s32 $0xFFFFFFFF  }
0xa5: {  	s5 =	sld [smem:$0x0]  }
0xa6: {  	s6 =	sand.u32 $0xFFFFFFFE, s1  }
0xa7: {  	p0 =	sne.s32 s1, s6  }
0xa8: {  	s6 =	sshll.u32 @p0 s6, $0xE  }
0xa9: {  	s6 =	sadd.s32 @p0 $0x11B8D, s6;
	s7 =	sshll.u32 @p0 s5, $0x11  }
0xaa: {  	s6 =	sor.u32 @p0 s7, s6  }
0xab: {  	[sflag:s6] =	ssyncadd.remote.s32 @p0 $0x1;
	_ =	sdelay $0x1  }
0xac: {  	s6 =	simm.s32 @p0 $0x1B8D  }
0xad: {  	_ =	swait.eq @p0 [sflag:s6], $0x1  }
0xae: {  	[sflag:s6] =	ssyncadd.s32 @p0 $0xFFFFFFFF  }
0xaf: {  	s7 =	sshll.u32 @!p0 s1, $0xE  }
0xb0: {  	s7 =	sor.u32 @!p0 $0x4000, s7;
	s6 =	simm.s32 @!p0 $0x1B8D  }
0xb1: {  	s5 =	sshll.u32 @!p0 s5, $0x11;
	s7 =	sadd.s32 @!p0 $0x11B8D, s7;
	_ =	swait.eq @!p0 [sflag:s6], $0x1  }
0xb2: {  	s5 =	sor.u32 @!p0 s5, s7;
	[sflag:s6] =	ssyncadd.s32 @!p0 $0xFFFFFFFF  }
0xb3: {  	s25 =	simm.s32 $0x1B8E;
	s24 =	sld [smem:$0x3FFE];
	[sflag:s5] =	ssyncadd.remote.s32 @!p0 $0x1  }
0xb4: {  	s26 =	simm.s32 $execute0_lowered;
	[smem:$0x3FD2] =	sst s25  }
0xb5: {  	s6 =	sshll.u32 s26, $0x1;
	_ =	strace $0x80000049;
	[dreg:$0x1] =	wrdreg $0xFFFFFFFF  }
0xb6: {  	s28 =	simm.s32 $_size_execute0_lowered;
	s4 =	sadd.s32 s4, s6;
	[dreg:$0x0] =	wrdreg $0x0  }
0xb7: {  	s6 =	sshll.u32 s28, $0x1;
	[dreg:$0x2] =	wrdreg s4  }
0xb8: {  	[dreg:$0x3] =	wrdreg s6  }
0xb9: {  	[dreg:$0x4] =	wrdreg $0xC0  }
0xba: {  	_ =	task [dreg:s22], $0x5FFFF  }
0xbb: {  	[dreg:$0x1] =	wrdreg $0xFFFFFFFF  }
0xbc: {  	[dreg:$0x0] =	wrdreg $0x60  }
0xbd: {  	[dreg:$0x2] =	wrdreg s18  }
0xbe: {  	[dreg:$0x3] =	wrdreg s24  }
0xbf: {  	[dreg:$0x4] =	wrdreg $0xA  }
0xc0: {  	_ =	task.clear_ibuf [dreg:s22], $0x5FFFF;
	_ =	strace $0x90000049  }
0xc1: {  	s29 =	simm.s32 $0xA;
	_ =	strace $0x8000004B  }
0xc2: {  	_ =	swait.ge [sflag:s29], $0x1  }
0xc3: {  	[sflag:s29] =	ssyncadd.s32 $0xFFFFFFFF  }
0xc4: {  	_ =	strace $0x9000004B  }
0xc5: {  	_ =	sfence  }
0xc6: {  	s30 =	sld [smem:$0x0];
	_ =	sdelay $0x2  }
0xc7: {  	s31 =	sshll.u32 s1, $0xD;
	s1 =	sshrl.u32 s1, $0x2  }
0xc8: {  	s4 =	sand.u32 $0x4000, s31;
	s1 =	sadd.s32 s1, s30  }
0xc9: {  	s0 =	sor.u32 s4, s0;
	s1 =	sshll.u32 s1, $0x11  }
0xca: {  	s0 =	sor.u32 s1, s0  }
0xcb: {  	s0 =	sadd.s32 $0x8F2B, s0  }
0xcc: {  	[sflag:s0] =	ssyncadd.remote.s32 $0x1  }
0xcd: {  	_ =	sfence.sel $0xFFFF  }
0xce: {  	[dreg:$0x0] =	wrdreg $0xFFFFFFFF;
	(pc) =	sbr.abs _section_cstart, $3  }
0xcf: {  	[dreg:$0x1] =	wrdreg $0xFFFFFFFF  }
0xd0: {  	_ =	task.clear_ibuf [dreg:s22], $0x2FFFF;
	_ =	strace $0x9FFFFFFF  }
0xd1: {  	(tm) =	ssettm $0x7FFFFFFF  }
tec
execute0_lowered:
.L_overlay_start_1:
0x0: {  	(tag) =	ssettag $0x1  }
0x1: {  	s4 =	rddreg [dreg:$0x0]  }
0x2: {  	s5 =	rddreg [dreg:$0x1]  }
0x3: {  	s0 =	rddreg [dreg:$0x2];
	s3 =	srdreg.scid  }
0x4: {  	s2 =	simm.s32 $0x0;
	s1 =	stileid.u32;
	s9 =	simm.s32 $0x100  }
0x5: {  	s10 =	simm.s32 $0x180;
	s11 =	simm.s32 $0x1;
	s12 =	simm.s32 $0x4000  }
0x6: {  	s13 =	simm.s32 $0x200;
	s14 =	simm.s32 $0x0;
	s3 =	sand.u32 $0x1, s3  }
0x7: {  	[smem:$0x7FF] =	sst s2;
	s6 =	sshll.u32 s1, $0x7;
	s7 =	sshll.u32 s3, $0x6  }
0x8: {  	_ =	strace $0x8000004A;
	s31 =	ssub.s32 $0x2, s3;
	s6 =	sor.u32 s7, s6  }
0x9: {  	s3 =	sadd.s32 $0x3F1800, s5;
	s8 =	sshrl.u32 s31, $0x1;
	s5 =	sadd.s32 s6, s5  }
0xa: {  	s7 =	ssub.s32 s31, s8;
	s4 =	sadd.s32 s4, s6;
	s8 =	simm.s32 $0x80  }
0xb: {  	s5 =	sadd.s32 $0x7D1800, s5;
	s6 =	smax.u32 s7, $0x1;
	s7 =	simm.s32 $0x2  }
.LBB2_1:
0xc: {  	[tilespmem:s2], [sflag:$0x2] =	stream.linear.gather [hbm4b:s4+s2], $0x200, $0x38;
	[tilespmem:$0x4200] =	vst v63  }
0xd: {  	_ =	swait.ge [sflag:s7], $0x200  }
0xe: {  	[sflag:s7] =	ssyncset.done $0x0  }
0xf: {  	s15 =	simm.s32 $0x200;
	[sflag:s7] =	ssyncadd.s32 $0xFFFFFE00  }
0x10: {  	[tilespmem:s15], [sflag:$0x1] =	stream.indirect.gather [hbm4b:s3+s8], $0x1, s2, s8, $0xb8;
	[tilespmem:$0x4200] =	vst v63  }
0x11: {  	s30 =	simm.s32 $0x280  }
0x12: {  	[tilespmem:s30], [sflag:$0x1] =	stream.indirect.gather [hbm4b:s3+s8], $0x1, s8, s8, $0xb8;
	[tilespmem:$0x4200] =	vst v63  }
0x13: {  	s31 =	simm.s32 $0x300  }
0x14: {  	[tilespmem:s31], [sflag:$0x1] =	stream.indirect.gather [hbm4b:s3+s8], $0x1, s9, s8, $0xb8;
	[tilespmem:$0x4200] =	vst v63  }
0x15: {  	s16 =	simm.s32 $0x380  }
0x16: {  	[tilespmem:s16], [sflag:$0x1] =	stream.indirect.gather [hbm4b:s3+s8], $0x1, s10, s8, $0xb8;
	[tilespmem:$0x4200] =	vst v63  }
0x17: {  	s17 =	simm.s32 $0x400;
	s16 =	sadd.s32 $0x1F000, s3  }
0x18: {  	[tilespmem:s17], [sflag:$0x1] =	stream.indirect.gather [hbm4b:s16+s8], $0x1, s2, s8, $0xb8;
	[tilespmem:$0x4200] =	vst v63  }
0x19: {  	s18 =	simm.s32 $0x480  }
0x1a: {  	[tilespmem:s18], [sflag:$0x1] =	stream.indirect.gather [hbm4b:s16+s8], $0x1, s8, s8, $0xb8;
	[tilespmem:$0x4200] =	vst v63  }
0x1b: {  	s19 =	simm.s32 $0x500  }
0x1c: {  	[tilespmem:s19], [sflag:$0x1] =	stream.indirect.gather [hbm4b:s16+s8], $0x1, s9, s8, $0xb8;
	[tilespmem:$0x4200] =	vst v63  }
0x1d: {  	s20 =	simm.s32 $0x580  }
0x1e: {  	[tilespmem:s20], [sflag:$0x1] =	stream.indirect.gather [hbm4b:s16+s8], $0x1, s10, s8, $0xb8;
	[tilespmem:$0x4200] =	vst v63  }
0x1f: {  	s21 =	simm.s32 $0x600;
	s22 =	sadd.s32 $0x3E000, s3  }
0x20: {  	[tilespmem:s21], [sflag:$0x1] =	stream.indirect.gather [hbm4b:s22+s8], $0x1, s2, s8, $0xb8;
	[tilespmem:$0x4200] =	vst v63  }
0x21: {  	s23 =	simm.s32 $0x680  }
0x22: {  	[tilespmem:s23], [sflag:$0x1] =	stream.indirect.gather [hbm4b:s22+s8], $0x1, s8, s8, $0xb8;
	[tilespmem:$0x4200] =	vst v63  }
0x23: {  	s24 =	simm.s32 $0x700  }
0x24: {  	[tilespmem:s24], [sflag:$0x1] =	stream.indirect.gather [hbm4b:s22+s8], $0x1, s9, s8, $0xb8;
	[tilespmem:$0x4200] =	vst v63  }
0x25: {  	s25 =	simm.s32 $0x780  }
0x26: {  	[tilespmem:s25], [sflag:$0x1] =	stream.indirect.gather [hbm4b:s22+s8], $0x1, s10, s8, $0xb8;
	[tilespmem:$0x4200] =	vst v63  }
0x27: {  	s26 =	simm.s32 $0x800;
	s28 =	sadd.s32 $0x5D000, s3  }
0x28: {  	[tilespmem:s26], [sflag:$0x1] =	stream.indirect.gather [hbm4b:s28+s8], $0x1, s2, s8, $0xb8;
	[tilespmem:$0x4200] =	vst v63  }
0x29: {  	s29 =	simm.s32 $0x880  }
0x2a: {  	[tilespmem:s29], [sflag:$0x1] =	stream.indirect.gather [hbm4b:s28+s8], $0x1, s8, s8, $0xb8;
	[tilespmem:$0x4200] =	vst v63  }
0x2b: {  	s30 =	simm.s32 $0x900  }
0x2c: {  	[tilespmem:s30], [sflag:$0x1] =	stream.indirect.gather [hbm4b:s28+s8], $0x1, s9, s8, $0xb8;
	[tilespmem:$0x4200] =	vst v63  }
0x2d: {  	s31 =	simm.s32 $0x980  }
0x2e: {  	[tilespmem:s31], [sflag:$0x1] =	stream.indirect.gather [hbm4b:s28+s8], $0x1, s10, s8, $0xb8;
	[tilespmem:$0x4200] =	vst v63  }
0x2f: {  	_ =	swait.ge [sflag:s11], $0x80  }
0x30: {  	[sflag:s11] =	ssyncset.done $0x0  }
0x31: {  	[sflag:s11] =	ssyncadd.s32 $0xFFFFFF80  }
0x32: {  	_ =	swait.ge [sflag:s11], $0x80  }
0x33: {  	[sflag:s11] =	ssyncset.done $0x0  }
0x34: {  	[sflag:s11] =	ssyncadd.s32 $0xFFFFFF80  }
0x35: {  	_ =	swait.ge [sflag:s11], $0x80  }
0x36: {  	[sflag:s11] =	ssyncset.done $0x0  }
0x37: {  	[sflag:s11] =	ssyncadd.s32 $0xFFFFFF80  }
0x38: {  	_ =	swait.ge [sflag:s11], $0x80  }
0x39: {  	[sflag:s11] =	ssyncset.done $0x0  }
0x3a: {  	[sflag:s11] =	ssyncadd.s32 $0xFFFFFF80  }
0x3b: {  	_ =	swait.ge [sflag:s11], $0x80  }
0x3c: {  	[sflag:s11] =	ssyncset.done $0x0  }
0x3d: {  	[sflag:s11] =	ssyncadd.s32 $0xFFFFFF80  }
0x3e: {  	_ =	swait.ge [sflag:s11], $0x80  }
0x3f: {  	[sflag:s11] =	ssyncset.done $0x0  }
0x40: {  	[sflag:s11] =	ssyncadd.s32 $0xFFFFFF80  }
0x41: {  	_ =	swait.ge [sflag:s11], $0x80  }
0x42: {  	[sflag:s11] =	ssyncset.done $0x0  }
0x43: {  	[sflag:s11] =	ssyncadd.s32 $0xFFFFFF80  }
0x44: {  	_ =	swait.ge [sflag:s11], $0x80  }
0x45: {  	[sflag:s11] =	ssyncset.done $0x0  }
0x46: {  	[sflag:s11] =	ssyncadd.s32 $0xFFFFFF80  }
0x47: {  	_ =	swait.ge [sflag:s11], $0x80  }
0x48: {  	[sflag:s11] =	ssyncset.done $0x0  }
0x49: {  	[sflag:s11] =	ssyncadd.s32 $0xFFFFFF80  }
0x4a: {  	_ =	swait.ge [sflag:s11], $0x80  }
0x4b: {  	[sflag:s11] =	ssyncset.done $0x0  }
0x4c: {  	[sflag:s11] =	ssyncadd.s32 $0xFFFFFF80  }
0x4d: {  	_ =	swait.ge [sflag:s11], $0x80  }
0x4e: {  	[sflag:s11] =	ssyncset.done $0x0  }
0x4f: {  	[sflag:s11] =	ssyncadd.s32 $0xFFFFFF80  }
0x50: {  	_ =	swait.ge [sflag:s11], $0x80  }
0x51: {  	[sflag:s11] =	ssyncset.done $0x0  }
0x52: {  	[sflag:s11] =	ssyncadd.s32 $0xFFFFFF80  }
0x53: {  	_ =	swait.ge [sflag:s11], $0x80  }
0x54: {  	[sflag:s11] =	ssyncset.done $0x0  }
0x55: {  	[sflag:s11] =	ssyncadd.s32 $0xFFFFFF80  }
0x56: {  	_ =	swait.ge [sflag:s11], $0x80  }
0x57: {  	[sflag:s11] =	ssyncset.done $0x0  }
0x58: {  	[sflag:s11] =	ssyncadd.s32 $0xFFFFFF80  }
0x59: {  	_ =	swait.ge [sflag:s11], $0x80  }
0x5a: {  	[sflag:s11] =	ssyncset.done $0x0  }
0x5b: {  	[sflag:s11] =	ssyncadd.s32 $0xFFFFFF80  }
0x5c: {  	s15 =	sadd.s32 $0x7C000, s3;
	_ =	swait.ge [sflag:s11], $0x80  }
0x5d: {  	s18 =	simm.s32 $0x800;
	s19 =	simm.s32 $0x4000;
	[sflag:s11] =	ssyncset.done $0x0  }
.LBB2_2:
0x5e: {  	s20 =	sadd.s32 $0x200, s18  }
0x5f: {  	[sflag:s11] =	ssyncadd.s32 $0xFFFFFF80;
	s17 =	smov.u32 s19;
	s16 =	sadd.s32 $0x2000, s19  }
0x60: {  	[tilespmem:s20], [sflag:$0x1] =	stream.indirect.gather [hbm4b:s15+s8], $0x1, s2, s8, $0xb8;
	[tilespmem:$0x4200] =	vst v63  }
0x61: {  	p0 =	sne.s32 s19, $0xE000;
	s19 =	sadd.s32 $0x280, s18  }
0x62: {  	[tilespmem:s19], [sflag:$0x1] =	stream.indirect.gather [hbm4b:s15+s8], $0x1, s8, s8, $0xb8;
	[tilespmem:$0x4200] =	vst v63  }
0x63: {  	s19 =	sadd.s32 $0x300, s18  }
0x64: {  	[tilespmem:s19], [sflag:$0x1] =	stream.indirect.gather [hbm4b:s15+s8], $0x1, s9, s8, $0xb8;
	[tilespmem:$0x4200] =	vst v63  }
0x65: {  	s19 =	sadd.s32 $0x380, s18  }
0x66: {  	[tilespmem:s19], [sflag:$0x1] =	stream.indirect.gather [hbm4b:s15+s8], $0x1, s10, s8, $0xb8;
	[tilespmem:$0x4200] =	vst v63  }
0x67: {  	s20 =	sadd.s32 $0x1F000, s15;
	s19 =	sadd.s32 $0x400, s18  }
0x68: {  	[tilespmem:s19], [sflag:$0x1] =	stream.indirect.gather [hbm4b:s20+s8], $0x1, s2, s8, $0xb8;
	[tilespmem:$0x4200] =	vst v63  }
0x69: {  	s19 =	sadd.s32 $0x480, s18  }
0x6a: {  	[tilespmem:s19], [sflag:$0x1] =	stream.indirect.gather [hbm4b:s20+s8], $0x1, s8, s8, $0xb8;
	[tilespmem:$0x4200] =	vst v63  }
0x6b: {  	s19 =	sadd.s32 $0x500, s18  }
0x6c: {  	[tilespmem:s19], [sflag:$0x1] =	stream.indirect.gather [hbm4b:s20+s8], $0x1, s9, s8, $0xb8;
	[tilespmem:$0x4200] =	vst v63  }
0x6d: {  	s19 =	sadd.s32 $0x580, s18  }
0x6e: {  	[tilespmem:s19], [sflag:$0x1] =	stream.indirect.gather [hbm4b:s20+s8], $0x1, s10, s8, $0xb8;
	[tilespmem:$0x4200] =	vst v63  }
0x6f: {  	s19 =	sadd.s32 $0x600, s18;
	s20 =	sadd.s32 $0x3E000, s15  }
0x70: {  	[tilespmem:s19], [sflag:$0x1] =	stream.indirect.gather [hbm4b:s20+s8], $0x1, s2, s8, $0xb8;
	[tilespmem:$0x4200] =	vst v63  }
0x71: {  	s19 =	sadd.s32 $0x680, s18  }
0x72: {  	[tilespmem:s19], [sflag:$0x1] =	stream.indirect.gather [hbm4b:s20+s8], $0x1, s8, s8, $0xb8;
	[tilespmem:$0x4200] =	vst v63  }
0x73: {  	s19 =	sadd.s32 $0x700, s18  }
0x74: {  	[tilespmem:s19], [sflag:$0x1] =	stream.indirect.gather [hbm4b:s20+s8], $0x1, s9, s8, $0xb8;
	[tilespmem:$0x4200] =	vst v63  }
0x75: {  	s19 =	sadd.s32 $0x780, s18  }
0x76: {  	[tilespmem:s19], [sflag:$0x1] =	stream.indirect.gather [hbm4b:s20+s8], $0x1, s10, s8, $0xb8;
	[tilespmem:$0x4200] =	vst v63  }
0x77: {  	s19 =	sadd.s32 $0x800, s18;
	s20 =	sadd.s32 $0x5D000, s15  }
0x78: {  	[tilespmem:s19], [sflag:$0x1] =	stream.indirect.gather [hbm4b:s20+s8], $0x1, s2, s8, $0xb8;
	[tilespmem:$0x4200] =	vst v63  }
0x79: {  	s19 =	sadd.s32 $0x880, s18  }
0x7a: {  	[tilespmem:s19], [sflag:$0x1] =	stream.indirect.gather [hbm4b:s20+s8], $0x1, s8, s8, $0xb8;
	[tilespmem:$0x4200] =	vst v63  }
0x7b: {  	s19 =	sadd.s32 $0x900, s18  }
0x7c: {  	[tilespmem:s19], [sflag:$0x1] =	stream.indirect.gather [hbm4b:s20+s8], $0x1, s9, s8, $0xb8;
	[tilespmem:$0x4200] =	vst v63  }
0x7d: {  	s18 =	sadd.s32 $0x980, s18  }
0x7e: {  	[tilespmem:s18], [sflag:$0x1] =	stream.indirect.gather [hbm4b:s20+s8], $0x1, s10, s8, $0xb8;
	[tilespmem:$0x4200] =	vst v63  }
0x7f: {  	_ =	swait.ge [sflag:s11], $0x80  }
0x80: {  	[sflag:s11] =	ssyncset.done $0x0  }
0x81: {  	[sflag:s11] =	ssyncadd.s32 $0xFFFFFF80  }
0x82: {  	_ =	swait.ge [sflag:s11], $0x80  }
0x83: {  	[sflag:s11] =	ssyncset.done $0x0  }
0x84: {  	[sflag:s11] =	ssyncadd.s32 $0xFFFFFF80  }
0x85: {  	_ =	swait.ge [sflag:s11], $0x80  }
0x86: {  	[sflag:s11] =	ssyncset.done $0x0  }
0x87: {  	[sflag:s11] =	ssyncadd.s32 $0xFFFFFF80  }
0x88: {  	_ =	swait.ge [sflag:s11], $0x80  }
0x89: {  	[sflag:s11] =	ssyncset.done $0x0  }
0x8a: {  	[sflag:s11] =	ssyncadd.s32 $0xFFFFFF80  }
0x8b: {  	_ =	swait.ge [sflag:s11], $0x80  }
0x8c: {  	[sflag:s11] =	ssyncset.done $0x0  }
0x8d: {  	[sflag:s11] =	ssyncadd.s32 $0xFFFFFF80  }
0x8e: {  	_ =	swait.ge [sflag:s11], $0x80  }
0x8f: {  	[sflag:s11] =	ssyncset.done $0x0  }
0x90: {  	[sflag:s11] =	ssyncadd.s32 $0xFFFFFF80  }
0x91: {  	_ =	swait.ge [sflag:s11], $0x80  }
0x92: {  	[sflag:s11] =	ssyncset.done $0x0  }
0x93: {  	[sflag:s11] =	ssyncadd.s32 $0xFFFFFF80  }
0x94: {  	_ =	swait.ge [sflag:s11], $0x80  }
0x95: {  	[sflag:s11] =	ssyncset.done $0x0  }
0x96: {  	[sflag:s11] =	ssyncadd.s32 $0xFFFFFF80  }
0x97: {  	_ =	swait.ge [sflag:s11], $0x80  }
0x98: {  	[sflag:s11] =	ssyncset.done $0x0  }
0x99: {  	[sflag:s11] =	ssyncadd.s32 $0xFFFFFF80  }
0x9a: {  	_ =	swait.ge [sflag:s11], $0x80  }
0x9b: {  	[sflag:s11] =	ssyncset.done $0x0  }
0x9c: {  	[sflag:s11] =	ssyncadd.s32 $0xFFFFFF80  }
0x9d: {  	_ =	swait.ge [sflag:s11], $0x80  }
0x9e: {  	[sflag:s11] =	ssyncset.done $0x0  }
0x9f: {  	[sflag:s11] =	ssyncadd.s32 $0xFFFFFF80  }
0xa0: {  	_ =	swait.ge [sflag:s11], $0x80  }
0xa1: {  	[sflag:s11] =	ssyncset.done $0x0  }
0xa2: {  	[sflag:s11] =	ssyncadd.s32 $0xFFFFFF80  }
0xa3: {  	_ =	swait.ge [sflag:s11], $0x80  }
0xa4: {  	[sflag:s11] =	ssyncset.done $0x0  }
0xa5: {  	[sflag:s11] =	ssyncadd.s32 $0xFFFFFF80  }
0xa6: {  	_ =	swait.ge [sflag:s11], $0x80  }
0xa7: {  	[sflag:s11] =	ssyncset.done $0x0  }
0xa8: {  	[sflag:s11] =	ssyncadd.s32 $0xFFFFFF80  }
.Ltmp0:
0xa9: {  	_ =	swait.ge [sflag:s11], $0x80;
	(pc) =	sbr.rel @p0 .LBB2_2-.Ltmp0, $4  }
0xaa: {  	[sflag:s11] =	ssyncset.done $0x0  }
0xab: {  	[sflag:s11] =	ssyncadd.s32 $0xFFFFFF80  }
0xac: {  	s15 =	sadd.s32 $0x7C000, s15;
	_ =	swait.ge [sflag:s11], $0x80  }
0xad: {  	s19 =	smov.u32 s16;
	s18 =	sshra.s32 s17, $0x2;
	[sflag:s11] =	ssyncset.done $0x0  }
0xae: {  	s16 =	sadd.s32 $0x200, s18;
	[sflag:s11] =	ssyncadd.s32 $0xFFFFFF80  }
0xaf: {  	[tilespmem:s16], [sflag:$0x1] =	stream.indirect.gather [hbm4b:s15+s8], $0x1, s2, s8, $0xb8;
	[tilespmem:$0x4200] =	vst v63  }
0xb0: {  	s26 =	sadd.s32 $0x280, s18  }
0xb1: {  	[tilespmem:s26], [sflag:$0x1] =	stream.indirect.gather [hbm4b:s15+s8], $0x1, s8, s8, $0xb8;
	[tilespmem:$0x4200] =	vst v63  }
0xb2: {  	s28 =	sadd.s32 $0x300, s18  }
0xb3: {  	[tilespmem:s28], [sflag:$0x1] =	stream.indirect.gather [hbm4b:s15+s8], $0x1, s9, s8, $0xb8;
	[tilespmem:$0x4200] =	vst v63  }
0xb4: {  	s29 =	sadd.s32 $0x380, s18  }
0xb5: {  	[tilespmem:s29], [sflag:$0x1] =	stream.indirect.gather [hbm4b:s15+s8], $0x1, s10, s8, $0xb8;
	[tilespmem:$0x4200] =	vst v63  }
0xb6: {  	s30 =	sadd.s32 $0x400, s18;
	s17 =	sadd.s32 $0x1F000, s15  }
0xb7: {  	[tilespmem:s30], [sflag:$0x1] =	stream.indirect.gather [hbm4b:s17+s8], $0x1, s2, s8, $0xb8;
	[tilespmem:$0x4200] =	vst v63  }
0xb8: {  	s31 =	sadd.s32 $0x480, s18  }
0xb9: {  	[tilespmem:s31], [sflag:$0x1] =	stream.indirect.gather [hbm4b:s17+s8], $0x1, s8, s8, $0xb8;
	[tilespmem:$0x4200] =	vst v63  }
0xba: {  	s19 =	sadd.s32 $0x500, s18  }
0xbb: {  	[tilespmem:s19], [sflag:$0x1] =	stream.indirect.gather [hbm4b:s17+s8], $0x1, s9, s8, $0xb8;
	[tilespmem:$0x4200] =	vst v63  }
0xbc: {  	s20 =	sadd.s32 $0x580, s18  }
0xbd: {  	[tilespmem:s20], [sflag:$0x1] =	stream.indirect.gather [hbm4b:s17+s8], $0x1, s10, s8, $0xb8;
	[tilespmem:$0x4200] =	vst v63  }
0xbe: {  	s21 =	sadd.s32 $0x600, s18;
	s22 =	sadd.s32 $0x3E000, s15  }
0xbf: {  	[tilespmem:s21], [sflag:$0x1] =	stream.indirect.gather [hbm4b:s22+s8], $0x1, s2, s8, $0xb8;
	[tilespmem:$0x4200] =	vst v63  }
0xc0: {  	s23 =	sadd.s32 $0x680, s18  }
0xc1: {  	[tilespmem:s23], [sflag:$0x1] =	stream.indirect.gather [hbm4b:s22+s8], $0x1, s8, s8, $0xb8;
	[tilespmem:$0x4200] =	vst v63  }
0xc2: {  	s24 =	sadd.s32 $0x700, s18  }
0xc3: {  	[tilespmem:s24], [sflag:$0x1] =	stream.indirect.gather [hbm4b:s22+s8], $0x1, s9, s8, $0xb8;
	[tilespmem:$0x4200] =	vst v63  }
0xc4: {  	s25 =	sadd.s32 $0x780, s18  }
0xc5: {  	[tilespmem:s25], [sflag:$0x1] =	stream.indirect.gather [hbm4b:s22+s8], $0x1, s10, s8, $0xb8;
	[tilespmem:$0x4200] =	vst v63  }
0xc6: {  	s26 =	sadd.s32 $0x800, s18;
	s28 =	sadd.s32 $0x5D000, s15  }
0xc7: {  	[tilespmem:s26], [sflag:$0x1] =	stream.indirect.gather [hbm4b:s28+s8], $0x1, s2, s8, $0xb8;
	[tilespmem:$0x4200] =	vst v63  }
0xc8: {  	s29 =	sadd.s32 $0x880, s18  }
0xc9: {  	[tilespmem:s29], [sflag:$0x1] =	stream.indirect.gather [hbm4b:s28+s8], $0x1, s8, s8, $0xb8;
	[tilespmem:$0x4200] =	vst v63  }
0xca: {  	s30 =	sadd.s32 $0x900, s18  }
0xcb: {  	[tilespmem:s30], [sflag:$0x1] =	stream.indirect.gather [hbm4b:s28+s8], $0x1, s9, s8, $0xb8;
	[tilespmem:$0x4200] =	vst v63  }
0xcc: {  	s31 =	sadd.s32 $0x980, s18  }
0xcd: {  	[tilespmem:s31], [sflag:$0x1] =	stream.indirect.gather [hbm4b:s28+s8], $0x1, s10, s8, $0xb8;
	[tilespmem:$0x4200] =	vst v63  }
0xce: {  	_ =	swait.ge [sflag:s11], $0x80  }
0xcf: {  	[sflag:s11] =	ssyncset.done $0x0  }
0xd0: {  	[sflag:s11] =	ssyncadd.s32 $0xFFFFFF80  }
0xd1: {  	_ =	swait.ge [sflag:s11], $0x80  }
0xd2: {  	[sflag:s11] =	ssyncset.done $0x0  }
0xd3: {  	[sflag:s11] =	ssyncadd.s32 $0xFFFFFF80  }
0xd4: {  	_ =	swait.ge [sflag:s11], $0x80  }
0xd5: {  	[sflag:s11] =	ssyncset.done $0x0  }
0xd6: {  	[sflag:s11] =	ssyncadd.s32 $0xFFFFFF80  }
0xd7: {  	_ =	swait.ge [sflag:s11], $0x80  }
0xd8: {  	[sflag:s11] =	ssyncset.done $0x0  }
0xd9: {  	[sflag:s11] =	ssyncadd.s32 $0xFFFFFF80  }
0xda: {  	_ =	swait.ge [sflag:s11], $0x80  }
0xdb: {  	[sflag:s11] =	ssyncset.done $0x0  }
0xdc: {  	[sflag:s11] =	ssyncadd.s32 $0xFFFFFF80  }
0xdd: {  	_ =	swait.ge [sflag:s11], $0x80  }
0xde: {  	[sflag:s11] =	ssyncset.done $0x0  }
0xdf: {  	[sflag:s11] =	ssyncadd.s32 $0xFFFFFF80  }
0xe0: {  	_ =	swait.ge [sflag:s11], $0x80  }
0xe1: {  	[sflag:s11] =	ssyncset.done $0x0  }
0xe2: {  	[sflag:s11] =	ssyncadd.s32 $0xFFFFFF80  }
0xe3: {  	_ =	swait.ge [sflag:s11], $0x80  }
0xe4: {  	[sflag:s11] =	ssyncset.done $0x0  }
0xe5: {  	[sflag:s11] =	ssyncadd.s32 $0xFFFFFF80  }
0xe6: {  	_ =	swait.ge [sflag:s11], $0x80  }
0xe7: {  	[sflag:s11] =	ssyncset.done $0x0  }
0xe8: {  	[sflag:s11] =	ssyncadd.s32 $0xFFFFFF80  }
0xe9: {  	_ =	swait.ge [sflag:s11], $0x80  }
0xea: {  	[sflag:s11] =	ssyncset.done $0x0  }
0xeb: {  	[sflag:s11] =	ssyncadd.s32 $0xFFFFFF80  }
0xec: {  	_ =	swait.ge [sflag:s11], $0x80  }
0xed: {  	[sflag:s11] =	ssyncset.done $0x0  }
0xee: {  	[sflag:s11] =	ssyncadd.s32 $0xFFFFFF80  }
0xef: {  	_ =	swait.ge [sflag:s11], $0x80  }
0xf0: {  	[sflag:s11] =	ssyncset.done $0x0  }
0xf1: {  	[sflag:s11] =	ssyncadd.s32 $0xFFFFFF80  }
0xf2: {  	_ =	swait.ge [sflag:s11], $0x80  }
0xf3: {  	[sflag:s11] =	ssyncset.done $0x0  }
0xf4: {  	[sflag:s11] =	ssyncadd.s32 $0xFFFFFF80  }
0xf5: {  	_ =	swait.ge [sflag:s11], $0x80  }
0xf6: {  	[sflag:s11] =	ssyncset.done $0x0  }
0xf7: {  	[sflag:s11] =	ssyncadd.s32 $0xFFFFFF80  }
0xf8: {  	_ =	swait.ge [sflag:s11], $0x80  }
0xf9: {  	[sflag:s11] =	ssyncset.done $0x0  }
0xfa: {  	[sflag:s11] =	ssyncadd.s32 $0xFFFFFF80  }
0xfb: {  	s14 =	sadd.s32 $0x1, s14;
	_ =	swait.ge [sflag:s11], $0x80  }
0xfc: {  	p0 =	sne.s32 s14, s6;
	[sflag:s11] =	ssyncset.done $0x0  }
.Ltmp1:
0xfd: {  	[sflag:s11] =	ssyncadd.s32 $0xFFFFFF80;
	(pc) =	sbr.rel @p0 .LBB2_1-.Ltmp1, $4  }
0xfe: {  	[hbm4b:s5+s13] =	stream.strided.scatter [tilespmem:s13], [sflag:$0x2], $0x4000, s12, s13, $0x38;
	[tilespmem:$0x4200] =	vst v63  }
0xff: {  	_ =	swait.ge [sflag:s7], $0x4000  }
0x100: {  	[sflag:s7] =	ssyncset.done $0x0  }
0x101: {  	[sflag:s7] =	ssyncadd.s32 $0xFFFFC000  }
0x102: {  	_ =	sfence.sel $0x180000  }
0x103: {  	[bflag:$0x0] =	sbarrier.arrive $0xFFFF  }
0x104: {  	p0 =	sne.s32 s1, $0x0;
	_ =	strace $0x9000004A  }
0x105: {  	s0 =	sadd.s32 @!p0 $0x100000, s0;
	[bflag:$0x2] =	sbarrier.arrive $0xFFFF  }
0x106: {  	[sflag:s0] =	ssyncadd.tile.s32 @!p0 $0x1;
	_ =	shalt  }
.Lfunc_end2:
_tile_overlayer_lowered:
.L_overlay_start_2:
0x107: {  	(tag) =	ssettag $0x2  }
0x108: {  	s0 =	rddreg [dreg:$0x0];
	s2 =	stileid.u32  }
0x109: {  	s1 =	rddreg [dreg:$0x1];
	p0 =	sne.s32 s2, $0x0  }
0x10a: {  	s3 =	rddreg [dreg:$0x2];
	[bflag:$0x3] =	sbarrier.arrive $0xFFFF;
	s2 =	simm.s32 @!p0 $0x1C02  }
0x10b: {  	[timem:s3], [sflag:s2] =	dma.local @!p0 [hbm:s0], s1  }
0x10c: {  	s0 =	simm.s32 @!p0 $0x2  }
0x10d: {  	_ =	swait.ge @!p0 [sflag:s0], s1  }
0x10e: {  	s1 =	ssub.s32 @!p0 $0x0, s1;
	[sflag:s0] =	ssyncset.done @!p0 $0x0  }
0x10f: {  	[sflag:s0] =	ssyncadd.s32 @!p0 s1  }
0x110: {  	[bflag:$0x3] =	sbarrier.arrive $0xFFFF  }
0x111: {  	_ =	shalt  }

// kernel: kernel.7.cloned.1.call-start
scs
__scs_entry_jumppad:
0x0: {  	(pc) =	sbr.rel $0x88, $3  }
0x1: {  	(tag) =	ssettag $0x0;
	lr =	simm.s32 $0x1  }
0x2: {  	[smem:$0x3F95] =	sst lr;
	_ =	strace $0xD0000000  }
0x3: {  	_ = 	snop  }
0x4: {  	_ = 	snop  }
0x5: {  	_ = 	snop  }
0x6: {  	_ = 	snop  }
0x7: {  	_ = 	snop  }
__scs_overlays_trampoline_lowered:
0x8: {  	[smem:$0x3FA4] =	sst s0  }
0x9: {  	[smem:$0x3FA5] =	sst s1  }
0xa: {  	[smem:$0x3FA6] =	sst s2  }
0xb: {  	[smem:$0x3FA7] =	sst s3  }
0xc: {  	[smem:$0x3FA8] =	sst s4  }
0xd: {  	[smem:$0x3FA9] =	sst s5  }
0xe: {  	[smem:$0x3FAA] =	sst s6  }
0xf: {  	[smem:$0x3FAB] =	sst s7  }
0x10: {  	[smem:$0x3FAC] =	sst s8  }
0x11: {  	[smem:$0x3FAD] =	sst s9;
	s0 =	simm.s32 @!p0 $0x0  }
0x12: {  	s1 =	sld [smem:$0x3F93];
	s0 =	simm.s32 @p0 $0x1  }
0x13: {  	[smem:$0x3FAE] =	sst s0;
	s0 =	simm.s32 @!p1 $0x0  }
0x14: {  	s2 =	sld [smem:$0x3F92];
	s0 =	simm.s32 @p1 $0x1  }
0x15: {  	[smem:$0x3FAF] =	sst s0;
	s0 =	simm.s32 @!p2 $0x0  }
0x16: {  	s3 =	sld [smem:$0x3FDB];
	s0 =	simm.s32 @p2 $0x1  }
0x17: {  	s4 =	simm.s32 $0x1BF5;
	[smem:$0x3FB1] =	sst s0  }
0x18: {  	s0 =	sld [smem:$0x3F94];
	_ =	swait.ge [sflag:s4], $0x0  }
0x19: {  	s7 =	sld [smem:$0x3F95]  }
0x1a: {  	s8 =	sadd.s32 $0xFFFFE003, lr  }
0x1b: {  	s9 =	sadd.s32 $0xFFFFFEF7, lr;
	s5 =	simm.s32 $0xFFFFFFFF;
	p2 =	slt.u32 s8, $0xFFFFF086  }
0x1c: {  	p1 =	slt.u32 s9, $0xF7A;
	s5 =	simm.s32 @!p2 $0x0  }
0x1d: {  	s5 =	simm.s32 @p1 $0x1;
	p0 =	seq.s32 s7, s2  }
0x1e: {  	s7 =	smul.u32 @!p0 $0xF7A, s2;
	p2 =	seq.s32 @!p0 s5, $0x0  }
0x1f: {  	s9 =	smul.u32 $0xF7A, s1;
	s8 =	simm.s32 @!p0 $0x1BF5;
	p2 =	por !p2, p0  }
0x20: {  	[sflag:s8] =	ssyncset.s32 @!p0 $0xFFFFF086;
	s6 =	sadd.s32 @!p0 s3, s7;
	s7 =	simm.s32 @!p0 $0x108  }
0x21: {  	s3 =	sadd.s32 s3, s9;
	s6 =	sadd.s32 @!p0 $0x88, s6;
	s7 =	simm.s32 @p2 $0x1082  }
0x22: {  	[simem:s7], [sflag:s8] =	dma.local @!p0 [hbm:s6], $0xF7A  }
0x23: {  	s9 =	sor.u32 $0xD0000000, s2;
	s6 =	simm.s32 $0x108;
	_ =	swait.ge @!p0 [sflag:s8], $0x0  }
0x24: {  	s3 =	sadd.s32 $0x88, s3;
	s6 =	simm.s32 @!p1 $0x1082;
	[sflag:s4] =	ssyncset.s32 $0xFFFFF086  }
0x25: {  	[simem:s6], [sflag:s4] =	dma.local [hbm:s3], $0xF7A  }
0x26: {  	[smem:$0x3F95] =	sst s1;
	(tag) =	ssettag s2;
	_ =	strace s9  }
0x27: {  	s1 =	sld [smem:$0x3FA5]  }
0x28: {  	s2 =	sld [smem:$0x3FA6]  }
0x29: {  	s4 =	sld [smem:$0x3FA8]  }
0x2a: {  	p0 =	seq.s32 s5, $0x0;
	s5 =	sld [smem:$0x3FA9]  }
0x2b: {  	s6 =	sld [smem:$0x3FAA]  }
0x2c: {  	s7 =	sld [smem:$0x3FAB]  }
0x2d: {  	s3 =	simm.s32 $0x108;
	s8 =	sld [smem:$0x3FAC]  }
0x2e: {  	s3 =	simm.s32 @!p0 $0x1082;
	s9 =	sld [smem:$0x3FAD]  }
0x2f: {  	lr =	sadd.s32 s0, s3;
	s0 =	sld [smem:$0x3FA4]  }
0x30: {  	s3 =	sld [smem:$0x3FA7]  }
0x31: {  	[smem:$0x3FB0] =	sst s10  }
0x32: {  	s10 =	sld [smem:$0x3FAE];
	_ =	sdelay $0x3  }
0x33: {  	p0 =	seq.s32 s10, $0x1;
	s10 =	sld [smem:$0x3FB0];
	_ =	sdelay $0x3  }
0x34: {  	[smem:$0x3FB0] =	sst s10  }
0x35: {  	s10 =	sld [smem:$0x3FAF];
	_ =	sdelay $0x3  }
0x36: {  	p1 =	seq.s32 s10, $0x1;
	s10 =	sld [smem:$0x3FB0];
	_ =	sdelay $0x3  }
0x37: {  	[smem:$0x3FB0] =	sst s10  }
0x38: {  	s10 =	sld [smem:$0x3FB1]  }
0x39: {  	_ = 	snop;
	(pc) =	sbr.ind lr, $3  }
0x3a: {  	_ = 	snop  }
0x3b: {  	_ = 	snop  }
0x3c: {  	p2 =	seq.s32 s10, $0x1;
	s10 =	sld [smem:$0x3FB0]  }
0x3d: {  	_ =	shalt  }
0x3e: {  	_ =	shalt  }
0x3f: {  	_ =	shalt  }
0x40: {  	_ =	shalt  }
0x41: {  	_ =	shalt  }
0x42: {  	_ =	shalt  }
0x43: {  	_ =	shalt  }
0x44: {  	_ =	shalt  }
0x45: {  	_ =	shalt  }
0x46: {  	_ =	shalt  }
0x47: {  	_ =	shalt  }
0x48: {  	_ =	shalt  }
0x49: {  	_ =	shalt  }
0x4a: {  	_ =	shalt  }
0x4b: {  	_ =	shalt  }
0x4c: {  	_ =	shalt  }
0x4d: {  	_ =	shalt  }
0x4e: {  	_ =	shalt  }
0x4f: {  	_ =	shalt  }
0x50: {  	_ =	shalt  }
0x51: {  	_ =	shalt  }
0x52: {  	_ =	shalt  }
0x53: {  	_ =	shalt  }
0x54: {  	_ =	shalt  }
0x55: {  	_ =	shalt  }
0x56: {  	_ =	shalt  }
0x57: {  	_ =	shalt  }
0x58: {  	_ =	shalt  }
0x59: {  	_ =	shalt  }
0x5a: {  	_ =	shalt  }
0x5b: {  	_ =	shalt  }
0x5c: {  	_ =	shalt  }
0x5d: {  	_ =	shalt  }
0x5e: {  	_ =	shalt  }
0x5f: {  	_ =	shalt  }
0x60: {  	_ =	shalt  }
0x61: {  	_ =	shalt  }
0x62: {  	_ =	shalt  }
0x63: {  	_ =	shalt  }
0x64: {  	_ =	shalt  }
0x65: {  	_ =	shalt  }
0x66: {  	_ =	shalt  }
0x67: {  	_ =	shalt  }
0x68: {  	_ =	shalt  }
0x69: {  	_ =	shalt  }
0x6a: {  	_ =	shalt  }
0x6b: {  	_ =	shalt  }
0x6c: {  	_ =	shalt  }
0x6d: {  	_ =	shalt  }
0x6e: {  	_ =	shalt  }
0x6f: {  	_ =	shalt  }
0x70: {  	_ =	shalt  }
0x71: {  	_ =	shalt  }
0x72: {  	_ =	shalt  }
0x73: {  	_ =	shalt  }
0x74: {  	_ =	shalt  }
0x75: {  	_ =	shalt  }
0x76: {  	_ =	shalt  }
0x77: {  	_ =	shalt  }
0x78: {  	_ =	shalt  }
0x79: {  	_ =	shalt  }
0x7a: {  	_ =	shalt  }
0x7b: {  	_ =	shalt  }
0x7c: {  	_ =	shalt  }
0x7d: {  	_ =	shalt  }
0x7e: {  	_ =	shalt  }
0x7f: {  	_ =	shalt  }
0x80: {  	_ =	shalt  }
0x81: {  	_ =	shalt  }
0x82: {  	_ =	shalt  }
0x83: {  	_ =	shalt  }
0x84: {  	_ =	shalt  }
0x85: {  	_ =	shalt  }
0x86: {  	_ =	shalt  }
0x87: {  	_ =	shalt  }
.Lfunc_end0:
.L_simem_size_0:
called_computation_lowered:
.L_overlay_start_0:
0x88: {  	s2 =	sld [smem:$0x3FD9]  }
0x89: {  	s3 =	sld [smem:$0x3FFE];
	_ =	sdelay $0x1  }
0x8a: {  	s1 =	srdreg.scid  }
0x8b: {  	s0 =	sand.u32 $0x1, s1  }
0x8c: {  	s17 =	sshll.u32 s0, $0xA;
	s2 =	sadd.s32 s3, s2  }
0x8d: {  	s2 =	sadd.s32 s2, s17  }
0x8e: {  	[smem:$0x3FBC] =	sst s2  }
0x8f: {  	_ = 	snop  }
0x90: {  	s2 =	sld [smem:$0x3FC9];
	(tm) =	ssettm $0x1  }
0x91: {  	s18 =	sld [smem:$0x3FFB];
	_ =	sdelay $0x3  }
0x92: {  	_ =	strace s18  }
0x93: {  	s3 =	sld [smem:$0x3FFC];
	_ =	sdelay $0x3  }
0x94: {  	_ =	strace s3  }
0x95: {  	s3 =	sld [smem:$0x3FFD];
	_ =	sdelay $0x3  }
0x96: {  	_ =	strace s3  }
0x97: {  	_ =	strace $0x8FFFFFFF  }
0x98: {  	s19 =	sld [smem:$0x3FDB];
	_ =	sdelay $0x1  }
0x99: {  	s4 =	simm.s32 $_scs_section_size  }
0x9a: {  	s5 =	simm.s32 $_size__tile_overlayer_lowered;
	s6 =	simm.s32 $_tile_overlayer_lowered  }
0x9b: {  	s22 =	simm.s32 $0x1BFF;
	s21 =	sshll.u32 s6, $0x1;
	s3 =	sadd.s32 s4, s19  }
0x9c: {  	s7 =	simm.s32 $0x0;
	s20 =	sshll.u32 s5, $0x1;
	s5 =	sadd.s32 s21, s3  }
0x9d: {  	[timem:s7], [sflag:s22] =	dma.local [hbm:s5], s20  }
0x9e: {  	_ =	swait.ge [sflag:s22], s20  }
0x9f: {  	s4 =	ssub.s32 $0x0, s20;
	[sflag:s22] =	ssyncset.done $0x0  }
0xa0: {  	[sflag:s22] =	ssyncadd.s32 s4;
	_ =	sdelay $0x1  }
0xa1: {  	s23 =	simm.s32 $0x1B8B  }
0xa2: {  	_ =	swait.ge [sflag:s23], $0x1  }
0xa3: {  	[sflag:s23] =	ssyncset.done $0x0  }
0xa4: {  	s25 =	simm.s32 $0x1B8E;
	s24 =	sld [smem:$0x3FFE];
	[sflag:s23] =	ssyncadd.s32 $0xFFFFFFFF  }
0xa5: {  	s26 =	simm.s32 $execute0_lowered;
	[smem:$0x3FD2] =	sst s25  }
0xa6: {  	s5 =	sshll.u32 s26, $0x1;
	_ =	strace $0x80000046;
	[dreg:$0x1] =	wrdreg $0xFFFFFFFF  }
0xa7: {  	s28 =	simm.s32 $_size_execute0_lowered;
	s3 =	sadd.s32 s3, s5;
	[dreg:$0x0] =	wrdreg $0x0  }
0xa8: {  	s5 =	sshll.u32 s28, $0x1;
	[dreg:$0x2] =	wrdreg s3  }
0xa9: {  	[dreg:$0x3] =	wrdreg s5  }
0xaa: {  	[dreg:$0x4] =	wrdreg $0xC0  }
0xab: {  	_ =	task [dreg:s7], $0x5FFFF  }
0xac: {  	[dreg:$0x1] =	wrdreg $0xFFFFFFFF  }
0xad: {  	[dreg:$0x0] =	wrdreg $0x60  }
0xae: {  	[dreg:$0x2] =	wrdreg s2  }
0xaf: {  	[dreg:$0x3] =	wrdreg s24  }
0xb0: {  	[dreg:$0x4] =	wrdreg $0x9  }
0xb1: {  	_ =	task.clear_ibuf [dreg:s7], $0x5FFFF;
	_ =	strace $0x90000046  }
0xb2: {  	s29 =	simm.s32 $0x9;
	_ =	strace $0x80000048  }
0xb3: {  	_ =	swait.ge [sflag:s29], $0x1  }
0xb4: {  	[sflag:s29] =	ssyncadd.s32 $0xFFFFFFFF  }
0xb5: {  	_ =	strace $0x90000048  }
0xb6: {  	_ =	sfence  }
0xb7: {  	s30 =	sld [smem:$0x0];
	_ =	sdelay $0x2  }
0xb8: {  	s31 =	sshll.u32 s1, $0xD;
	s1 =	sshrl.u32 s1, $0x2  }
0xb9: {  	s3 =	sand.u32 $0x4000, s31;
	s1 =	sadd.s32 s1, s30  }
0xba: {  	s0 =	sor.u32 s3, s0;
	s1 =	sshll.u32 s1, $0x11  }
0xbb: {  	s0 =	sor.u32 s1, s0  }
0xbc: {  	s0 =	sadd.s32 $0x8F2B, s0  }
0xbd: {  	[sflag:s0] =	ssyncadd.remote.s32 $0x1  }
0xbe: {  	_ =	sfence.sel $0xFFFF  }
0xbf: {  	[dreg:$0x0] =	wrdreg $0xFFFFFFFF;
	(pc) =	sbr.abs _section_cstart, $3  }
0xc0: {  	[dreg:$0x1] =	wrdreg $0xFFFFFFFF  }
0xc1: {  	_ =	task.clear_ibuf [dreg:s7], $0x2FFFF;
	_ =	strace $0x9FFFFFFF  }
0xc2: {  	(tm) =	ssettm $0x7FFFFFFF  }
0xc3: {  	_ =	shalt  }
tec
execute0_lowered:
.L_overlay_start_1:
0x0: {  	(tag) =	ssettag $0x1  }
0x1: {  	s4 =	rddreg [dreg:$0x0]  }
0x2: {  	s5 =	rddreg [dreg:$0x1]  }
0x3: {  	s0 =	rddreg [dreg:$0x2];
	s3 =	srdreg.scid  }
0x4: {  	s2 =	simm.s32 $0x0;
	s1 =	stileid.u32;
	s9 =	simm.s32 $0x100  }
0x5: {  	s10 =	simm.s32 $0x180;
	s11 =	simm.s32 $0x1;
	s12 =	simm.s32 $0x4000  }
0x6: {  	s13 =	simm.s32 $0x200;
	s14 =	simm.s32 $0x0;
	s3 =	sand.u32 $0x1, s3  }
0x7: {  	[smem:$0x7FF] =	sst s2;
	s6 =	sshll.u32 s1, $0x7;
	s7 =	sshll.u32 s3, $0x6  }
0x8: {  	_ =	strace $0x80000047;
	s31 =	ssub.s32 $0x2, s3;
	s6 =	sor.u32 s7, s6  }
0x9: {  	s3 =	sadd.s32 $0x1800, s5;
	s8 =	sshrl.u32 s31, $0x1;
	s5 =	sadd.s32 s6, s5  }
0xa: {  	s7 =	ssub.s32 s31, s8;
	s4 =	sadd.s32 s4, s6;
	s8 =	simm.s32 $0x80  }
0xb: {  	s5 =	sadd.s32 $0x3E1800, s5;
	s6 =	smax.u32 s7, $0x1;
	s7 =	simm.s32 $0x2  }
.LBB2_1:
0xc: {  	[tilespmem:s2], [sflag:$0x2] =	stream.linear.gather [hbm4b:s4+s2], $0x200, $0x38;
	[tilespmem:$0x4200] =	vst v63  }
0xd: {  	_ =	swait.ge [sflag:s7], $0x200  }
0xe: {  	[sflag:s7] =	ssyncset.done $0x0  }
0xf: {  	s15 =	simm.s32 $0x200;
	[sflag:s7] =	ssyncadd.s32 $0xFFFFFE00  }
0x10: {  	[tilespmem:s15], [sflag:$0x1] =	stream.indirect.gather [hbm4b:s3+s8], $0x1, s2, s8, $0xb8;
	[tilespmem:$0x4200] =	vst v63  }
0x11: {  	s30 =	simm.s32 $0x280  }
0x12: {  	[tilespmem:s30], [sflag:$0x1] =	stream.indirect.gather [hbm4b:s3+s8], $0x1, s8, s8, $0xb8;
	[tilespmem:$0x4200] =	vst v63  }
0x13: {  	s31 =	simm.s32 $0x300  }
0x14: {  	[tilespmem:s31], [sflag:$0x1] =	stream.indirect.gather [hbm4b:s3+s8], $0x1, s9, s8, $0xb8;
	[tilespmem:$0x4200] =	vst v63  }
0x15: {  	s16 =	simm.s32 $0x380  }
0x16: {  	[tilespmem:s16], [sflag:$0x1] =	stream.indirect.gather [hbm4b:s3+s8], $0x1, s10, s8, $0xb8;
	[tilespmem:$0x4200] =	vst v63  }
0x17: {  	s17 =	simm.s32 $0x400;
	s16 =	sadd.s32 $0x1F000, s3  }
0x18: {  	[tilespmem:s17], [sflag:$0x1] =	stream.indirect.gather [hbm4b:s16+s8], $0x1, s2, s8, $0xb8;
	[tilespmem:$0x4200] =	vst v63  }
0x19: {  	s18 =	simm.s32 $0x480  }
0x1a: {  	[tilespmem:s18], [sflag:$0x1] =	stream.indirect.gather [hbm4b:s16+s8], $0x1, s8, s8, $0xb8;
	[tilespmem:$0x4200] =	vst v63  }
0x1b: {  	s19 =	simm.s32 $0x500  }
0x1c: {  	[tilespmem:s19], [sflag:$0x1] =	stream.indirect.gather [hbm4b:s16+s8], $0x1, s9, s8, $0xb8;
	[tilespmem:$0x4200] =	vst v63  }
0x1d: {  	s20 =	simm.s32 $0x580  }
0x1e: {  	[tilespmem:s20], [sflag:$0x1] =	stream.indirect.gather [hbm4b:s16+s8], $0x1, s10, s8, $0xb8;
	[tilespmem:$0x4200] =	vst v63  }
0x1f: {  	s21 =	simm.s32 $0x600;
	s22 =	sadd.s32 $0x3E000, s3  }
0x20: {  	[tilespmem:s21], [sflag:$0x1] =	stream.indirect.gather [hbm4b:s22+s8], $0x1, s2, s8, $0xb8;
	[tilespmem:$0x4200] =	vst v63  }
0x21: {  	s23 =	simm.s32 $0x680  }
0x22: {  	[tilespmem:s23], [sflag:$0x1] =	stream.indirect.gather [hbm4b:s22+s8], $0x1, s8, s8, $0xb8;
	[tilespmem:$0x4200] =	vst v63  }
0x23: {  	s24 =	simm.s32 $0x700  }
0x24: {  	[tilespmem:s24], [sflag:$0x1] =	stream.indirect.gather [hbm4b:s22+s8], $0x1, s9, s8, $0xb8;
	[tilespmem:$0x4200] =	vst v63  }
0x25: {  	s25 =	simm.s32 $0x780  }
0x26: {  	[tilespmem:s25], [sflag:$0x1] =	stream.indirect.gather [hbm4b:s22+s8], $0x1, s10, s8, $0xb8;
	[tilespmem:$0x4200] =	vst v63  }
0x27: {  	s26 =	simm.s32 $0x800;
	s28 =	sadd.s32 $0x5D000, s3  }
0x28: {  	[tilespmem:s26], [sflag:$0x1] =	stream.indirect.gather [hbm4b:s28+s8], $0x1, s2, s8, $0xb8;
	[tilespmem:$0x4200] =	vst v63  }
0x29: {  	s29 =	simm.s32 $0x880  }
0x2a: {  	[tilespmem:s29], [sflag:$0x1] =	stream.indirect.gather [hbm4b:s28+s8], $0x1, s8, s8, $0xb8;
	[tilespmem:$0x4200] =	vst v63  }
0x2b: {  	s30 =	simm.s32 $0x900  }
0x2c: {  	[tilespmem:s30], [sflag:$0x1] =	stream.indirect.gather [hbm4b:s28+s8], $0x1, s9, s8, $0xb8;
	[tilespmem:$0x4200] =	vst v63  }
0x2d: {  	s31 =	simm.s32 $0x980  }
0x2e: {  	[tilespmem:s31], [sflag:$0x1] =	stream.indirect.gather [hbm4b:s28+s8], $0x1, s10, s8, $0xb8;
	[tilespmem:$0x4200] =	vst v63  }
0x2f: {  	_ =	swait.ge [sflag:s11], $0x80  }
0x30: {  	[sflag:s11] =	ssyncset.done $0x0  }
0x31: {  	[sflag:s11] =	ssyncadd.s32 $0xFFFFFF80  }
0x32: {  	_ =	swait.ge [sflag:s11], $0x80  }
0x33: {  	[sflag:s11] =	ssyncset.done $0x0  }
0x34: {  	[sflag:s11] =	ssyncadd.s32 $0xFFFFFF80  }
0x35: {  	_ =	swait.ge [sflag:s11], $0x80  }
0x36: {  	[sflag:s11] =	ssyncset.done $0x0  }
0x37: {  	[sflag:s11] =	ssyncadd.s32 $0xFFFFFF80  }
0x38: {  	_ =	swait.ge [sflag:s11], $0x80  }
0x39: {  	[sflag:s11] =	ssyncset.done $0x0  }
0x3a: {  	[sflag:s11] =	ssyncadd.s32 $0xFFFFFF80  }
0x3b: {  	_ =	swait.ge [sflag:s11], $0x80  }
0x3c: {  	[sflag:s11] =	ssyncset.done $0x0  }
0x3d: {  	[sflag:s11] =	ssyncadd.s32 $0xFFFFFF80  }
0x3e: {  	_ =	swait.ge [sflag:s11], $0x80  }
0x3f: {  	[sflag:s11] =	ssyncset.done $0x0  }
0x40: {  	[sflag:s11] =	ssyncadd.s32 $0xFFFFFF80  }
0x41: {  	_ =	swait.ge [sflag:s11], $0x80  }
0x42: {  	[sflag:s11] =	ssyncset.done $0x0  }
0x43: {  	[sflag:s11] =	ssyncadd.s32 $0xFFFFFF80  }
0x44: {  	_ =	swait.ge [sflag:s11], $0x80  }
0x45: {  	[sflag:s11] =	ssyncset.done $0x0  }
0x46: {  	[sflag:s11] =	ssyncadd.s32 $0xFFFFFF80  }
0x47: {  	_ =	swait.ge [sflag:s11], $0x80  }
0x48: {  	[sflag:s11] =	ssyncset.done $0x0  }
0x49: {  	[sflag:s11] =	ssyncadd.s32 $0xFFFFFF80  }
0x4a: {  	_ =	swait.ge [sflag:s11], $0x80  }
0x4b: {  	[sflag:s11] =	ssyncset.done $0x0  }
0x4c: {  	[sflag:s11] =	ssyncadd.s32 $0xFFFFFF80  }
0x4d: {  	_ =	swait.ge [sflag:s11], $0x80  }
0x4e: {  	[sflag:s11] =	ssyncset.done $0x0  }
0x4f: {  	[sflag:s11] =	ssyncadd.s32 $0xFFFFFF80  }
0x50: {  	_ =	swait.ge [sflag:s11], $0x80  }
0x51: {  	[sflag:s11] =	ssyncset.done $0x0  }
0x52: {  	[sflag:s11] =	ssyncadd.s32 $0xFFFFFF80  }
0x53: {  	_ =	swait.ge [sflag:s11], $0x80  }
0x54: {  	[sflag:s11] =	ssyncset.done $0x0  }
0x55: {  	[sflag:s11] =	ssyncadd.s32 $0xFFFFFF80  }
0x56: {  	_ =	swait.ge [sflag:s11], $0x80  }
0x57: {  	[sflag:s11] =	ssyncset.done $0x0  }
0x58: {  	[sflag:s11] =	ssyncadd.s32 $0xFFFFFF80  }
0x59: {  	_ =	swait.ge [sflag:s11], $0x80  }
0x5a: {  	[sflag:s11] =	ssyncset.done $0x0  }
0x5b: {  	[sflag:s11] =	ssyncadd.s32 $0xFFFFFF80  }
0x5c: {  	s15 =	sadd.s32 $0x7C000, s3;
	_ =	swait.ge [sflag:s11], $0x80  }
0x5d: {  	s18 =	simm.s32 $0x800;
	s19 =	simm.s32 $0x4000;
	[sflag:s11] =	ssyncset.done $0x0  }
.LBB2_2:
0x5e: {  	s20 =	sadd.s32 $0x200, s18  }
0x5f: {  	[sflag:s11] =	ssyncadd.s32 $0xFFFFFF80;
	s17 =	smov.u32 s19;
	s16 =	sadd.s32 $0x2000, s19  }
0x60: {  	[tilespmem:s20], [sflag:$0x1] =	stream.indirect.gather [hbm4b:s15+s8], $0x1, s2, s8, $0xb8;
	[tilespmem:$0x4200] =	vst v63  }
0x61: {  	p0 =	sne.s32 s19, $0xE000;
	s19 =	sadd.s32 $0x280, s18  }
0x62: {  	[tilespmem:s19], [sflag:$0x1] =	stream.indirect.gather [hbm4b:s15+s8], $0x1, s8, s8, $0xb8;
	[tilespmem:$0x4200] =	vst v63  }
0x63: {  	s19 =	sadd.s32 $0x300, s18  }
0x64: {  	[tilespmem:s19], [sflag:$0x1] =	stream.indirect.gather [hbm4b:s15+s8], $0x1, s9, s8, $0xb8;
	[tilespmem:$0x4200] =	vst v63  }
0x65: {  	s19 =	sadd.s32 $0x380, s18  }
0x66: {  	[tilespmem:s19], [sflag:$0x1] =	stream.indirect.gather [hbm4b:s15+s8], $0x1, s10, s8, $0xb8;
	[tilespmem:$0x4200] =	vst v63  }
0x67: {  	s20 =	sadd.s32 $0x1F000, s15;
	s19 =	sadd.s32 $0x400, s18  }
0x68: {  	[tilespmem:s19], [sflag:$0x1] =	stream.indirect.gather [hbm4b:s20+s8], $0x1, s2, s8, $0xb8;
	[tilespmem:$0x4200] =	vst v63  }
0x69: {  	s19 =	sadd.s32 $0x480, s18  }
0x6a: {  	[tilespmem:s19], [sflag:$0x1] =	stream.indirect.gather [hbm4b:s20+s8], $0x1, s8, s8, $0xb8;
	[tilespmem:$0x4200] =	vst v63  }
0x6b: {  	s19 =	sadd.s32 $0x500, s18  }
0x6c: {  	[tilespmem:s19], [sflag:$0x1] =	stream.indirect.gather [hbm4b:s20+s8], $0x1, s9, s8, $0xb8;
	[tilespmem:$0x4200] =	vst v63  }
0x6d: {  	s19 =	sadd.s32 $0x580, s18  }
0x6e: {  	[tilespmem:s19], [sflag:$0x1] =	stream.indirect.gather [hbm4b:s20+s8], $0x1, s10, s8, $0xb8;
	[tilespmem:$0x4200] =	vst v63  }
0x6f: {  	s19 =	sadd.s32 $0x600, s18;
	s20 =	sadd.s32 $0x3E000, s15  }
0x70: {  	[tilespmem:s19], [sflag:$0x1] =	stream.indirect.gather [hbm4b:s20+s8], $0x1, s2, s8, $0xb8;
	[tilespmem:$0x4200] =	vst v63  }
0x71: {  	s19 =	sadd.s32 $0x680, s18  }
0x72: {  	[tilespmem:s19], [sflag:$0x1] =	stream.indirect.gather [hbm4b:s20+s8], $0x1, s8, s8, $0xb8;
	[tilespmem:$0x4200] =	vst v63  }
0x73: {  	s19 =	sadd.s32 $0x700, s18  }
0x74: {  	[tilespmem:s19], [sflag:$0x1] =	stream.indirect.gather [hbm4b:s20+s8], $0x1, s9, s8, $0xb8;
	[tilespmem:$0x4200] =	vst v63  }
0x75: {  	s19 =	sadd.s32 $0x780, s18  }
0x76: {  	[tilespmem:s19], [sflag:$0x1] =	stream.indirect.gather [hbm4b:s20+s8], $0x1, s10, s8, $0xb8;
	[tilespmem:$0x4200] =	vst v63  }
0x77: {  	s19 =	sadd.s32 $0x800, s18;
	s20 =	sadd.s32 $0x5D000, s15  }
0x78: {  	[tilespmem:s19], [sflag:$0x1] =	stream.indirect.gather [hbm4b:s20+s8], $0x1, s2, s8, $0xb8;
	[tilespmem:$0x4200] =	vst v63  }
0x79: {  	s19 =	sadd.s32 $0x880, s18  }
0x7a: {  	[tilespmem:s19], [sflag:$0x1] =	stream.indirect.gather [hbm4b:s20+s8], $0x1, s8, s8, $0xb8;
	[tilespmem:$0x4200] =	vst v63  }
0x7b: {  	s19 =	sadd.s32 $0x900, s18  }
0x7c: {  	[tilespmem:s19], [sflag:$0x1] =	stream.indirect.gather [hbm4b:s20+s8], $0x1, s9, s8, $0xb8;
	[tilespmem:$0x4200] =	vst v63  }
0x7d: {  	s18 =	sadd.s32 $0x980, s18  }
0x7e: {  	[tilespmem:s18], [sflag:$0x1] =	stream.indirect.gather [hbm4b:s20+s8], $0x1, s10, s8, $0xb8;
	[tilespmem:$0x4200] =	vst v63  }
0x7f: {  	_ =	swait.ge [sflag:s11], $0x80  }
0x80: {  	[sflag:s11] =	ssyncset.done $0x0  }
0x81: {  	[sflag:s11] =	ssyncadd.s32 $0xFFFFFF80  }
0x82: {  	_ =	swait.ge [sflag:s11], $0x80  }
0x83: {  	[sflag:s11] =	ssyncset.done $0x0  }
0x84: {  	[sflag:s11] =	ssyncadd.s32 $0xFFFFFF80  }
0x85: {  	_ =	swait.ge [sflag:s11], $0x80  }
0x86: {  	[sflag:s11] =	ssyncset.done $0x0  }
0x87: {  	[sflag:s11] =	ssyncadd.s32 $0xFFFFFF80  }
0x88: {  	_ =	swait.ge [sflag:s11], $0x80  }
0x89: {  	[sflag:s11] =	ssyncset.done $0x0  }
0x8a: {  	[sflag:s11] =	ssyncadd.s32 $0xFFFFFF80  }
0x8b: {  	_ =	swait.ge [sflag:s11], $0x80  }
0x8c: {  	[sflag:s11] =	ssyncset.done $0x0  }
0x8d: {  	[sflag:s11] =	ssyncadd.s32 $0xFFFFFF80  }
0x8e: {  	_ =	swait.ge [sflag:s11], $0x80  }
0x8f: {  	[sflag:s11] =	ssyncset.done $0x0  }
0x90: {  	[sflag:s11] =	ssyncadd.s32 $0xFFFFFF80  }
0x91: {  	_ =	swait.ge [sflag:s11], $0x80  }
0x92: {  	[sflag:s11] =	ssyncset.done $0x0  }
0x93: {  	[sflag:s11] =	ssyncadd.s32 $0xFFFFFF80  }
0x94: {  	_ =	swait.ge [sflag:s11], $0x80  }
0x95: {  	[sflag:s11] =	ssyncset.done $0x0  }
0x96: {  	[sflag:s11] =	ssyncadd.s32 $0xFFFFFF80  }
0x97: {  	_ =	swait.ge [sflag:s11], $0x80  }
0x98: {  	[sflag:s11] =	ssyncset.done $0x0  }
0x99: {  	[sflag:s11] =	ssyncadd.s32 $0xFFFFFF80  }
0x9a: {  	_ =	swait.ge [sflag:s11], $0x80  }
0x9b: {  	[sflag:s11] =	ssyncset.done $0x0  }
0x9c: {  	[sflag:s11] =	ssyncadd.s32 $0xFFFFFF80  }
0x9d: {  	_ =	swait.ge [sflag:s11], $0x80  }
0x9e: {  	[sflag:s11] =	ssyncset.done $0x0  }
0x9f: {  	[sflag:s11] =	ssyncadd.s32 $0xFFFFFF80  }
0xa0: {  	_ =	swait.ge [sflag:s11], $0x80  }
0xa1: {  	[sflag:s11] =	ssyncset.done $0x0  }
0xa2: {  	[sflag:s11] =	ssyncadd.s32 $0xFFFFFF80  }
0xa3: {  	_ =	swait.ge [sflag:s11], $0x80  }
0xa4: {  	[sflag:s11] =	ssyncset.done $0x0  }
0xa5: {  	[sflag:s11] =	ssyncadd.s32 $0xFFFFFF80  }
0xa6: {  	_ =	swait.ge [sflag:s11], $0x80  }
0xa7: {  	[sflag:s11] =	ssyncset.done $0x0  }
0xa8: {  	[sflag:s11] =	ssyncadd.s32 $0xFFFFFF80  }
.Ltmp0:
0xa9: {  	_ =	swait.ge [sflag:s11], $0x80;
	(pc) =	sbr.rel @p0 .LBB2_2-.Ltmp0, $4  }
0xaa: {  	[sflag:s11] =	ssyncset.done $0x0  }
0xab: {  	[sflag:s11] =	ssyncadd.s32 $0xFFFFFF80  }
0xac: {  	s15 =	sadd.s32 $0x7C000, s15;
	_ =	swait.ge [sflag:s11], $0x80  }
0xad: {  	s19 =	smov.u32 s16;
	s18 =	sshra.s32 s17, $0x2;
	[sflag:s11] =	ssyncset.done $0x0  }
0xae: {  	s16 =	sadd.s32 $0x200, s18;
	[sflag:s11] =	ssyncadd.s32 $0xFFFFFF80  }
0xaf: {  	[tilespmem:s16], [sflag:$0x1] =	stream.indirect.gather [hbm4b:s15+s8], $0x1, s2, s8, $0xb8;
	[tilespmem:$0x4200] =	vst v63  }
0xb0: {  	s26 =	sadd.s32 $0x280, s18  }
0xb1: {  	[tilespmem:s26], [sflag:$0x1] =	stream.indirect.gather [hbm4b:s15+s8], $0x1, s8, s8, $0xb8;
	[tilespmem:$0x4200] =	vst v63  }
0xb2: {  	s28 =	sadd.s32 $0x300, s18  }
0xb3: {  	[tilespmem:s28], [sflag:$0x1] =	stream.indirect.gather [hbm4b:s15+s8], $0x1, s9, s8, $0xb8;
	[tilespmem:$0x4200] =	vst v63  }
0xb4: {  	s29 =	sadd.s32 $0x380, s18  }
0xb5: {  	[tilespmem:s29], [sflag:$0x1] =	stream.indirect.gather [hbm4b:s15+s8], $0x1, s10, s8, $0xb8;
	[tilespmem:$0x4200] =	vst v63  }
0xb6: {  	s30 =	sadd.s32 $0x400, s18;
	s17 =	sadd.s32 $0x1F000, s15  }
0xb7: {  	[tilespmem:s30], [sflag:$0x1] =	stream.indirect.gather [hbm4b:s17+s8], $0x1, s2, s8, $0xb8;
	[tilespmem:$0x4200] =	vst v63  }
0xb8: {  	s31 =	sadd.s32 $0x480, s18  }
0xb9: {  	[tilespmem:s31], [sflag:$0x1] =	stream.indirect.gather [hbm4b:s17+s8], $0x1, s8, s8, $0xb8;
	[tilespmem:$0x4200] =	vst v63  }
0xba: {  	s19 =	sadd.s32 $0x500, s18  }
0xbb: {  	[tilespmem:s19], [sflag:$0x1] =	stream.indirect.gather [hbm4b:s17+s8], $0x1, s9, s8, $0xb8;
	[tilespmem:$0x4200] =	vst v63  }
0xbc: {  	s20 =	sadd.s32 $0x580, s18  }
0xbd: {  	[tilespmem:s20], [sflag:$0x1] =	stream.indirect.gather [hbm4b:s17+s8], $0x1, s10, s8, $0xb8;
	[tilespmem:$0x4200] =	vst v63  }
0xbe: {  	s21 =	sadd.s32 $0x600, s18;
	s22 =	sadd.s32 $0x3E000, s15  }
0xbf: {  	[tilespmem:s21], [sflag:$0x1] =	stream.indirect.gather [hbm4b:s22+s8], $0x1, s2, s8, $0xb8;
	[tilespmem:$0x4200] =	vst v63  }
0xc0: {  	s23 =	sadd.s32 $0x680, s18  }
0xc1: {  	[tilespmem:s23], [sflag:$0x1] =	stream.indirect.gather [hbm4b:s22+s8], $0x1, s8, s8, $0xb8;
	[tilespmem:$0x4200] =	vst v63  }
0xc2: {  	s24 =	sadd.s32 $0x700, s18  }
0xc3: {  	[tilespmem:s24], [sflag:$0x1] =	stream.indirect.gather [hbm4b:s22+s8], $0x1, s9, s8, $0xb8;
	[tilespmem:$0x4200] =	vst v63  }
0xc4: {  	s25 =	sadd.s32 $0x780, s18  }
0xc5: {  	[tilespmem:s25], [sflag:$0x1] =	stream.indirect.gather [hbm4b:s22+s8], $0x1, s10, s8, $0xb8;
	[tilespmem:$0x4200] =	vst v63  }
0xc6: {  	s26 =	sadd.s32 $0x800, s18;
	s28 =	sadd.s32 $0x5D000, s15  }
0xc7: {  	[tilespmem:s26], [sflag:$0x1] =	stream.indirect.gather [hbm4b:s28+s8], $0x1, s2, s8, $0xb8;
	[tilespmem:$0x4200] =	vst v63  }
0xc8: {  	s29 =	sadd.s32 $0x880, s18  }
0xc9: {  	[tilespmem:s29], [sflag:$0x1] =	stream.indirect.gather [hbm4b:s28+s8], $0x1, s8, s8, $0xb8;
	[tilespmem:$0x4200] =	vst v63  }
0xca: {  	s30 =	sadd.s32 $0x900, s18  }
0xcb: {  	[tilespmem:s30], [sflag:$0x1] =	stream.indirect.gather [hbm4b:s28+s8], $0x1, s9, s8, $0xb8;
	[tilespmem:$0x4200] =	vst v63  }
0xcc: {  	s31 =	sadd.s32 $0x980, s18  }
0xcd: {  	[tilespmem:s31], [sflag:$0x1] =	stream.indirect.gather [hbm4b:s28+s8], $0x1, s10, s8, $0xb8;
	[tilespmem:$0x4200] =	vst v63  }
0xce: {  	_ =	swait.ge [sflag:s11], $0x80  }
0xcf: {  	[sflag:s11] =	ssyncset.done $0x0  }
0xd0: {  	[sflag:s11] =	ssyncadd.s32 $0xFFFFFF80  }
0xd1: {  	_ =	swait.ge [sflag:s11], $0x80  }
0xd2: {  	[sflag:s11] =	ssyncset.done $0x0  }
0xd3: {  	[sflag:s11] =	ssyncadd.s32 $0xFFFFFF80  }
0xd4: {  	_ =	swait.ge [sflag:s11], $0x80  }
0xd5: {  	[sflag:s11] =	ssyncset.done $0x0  }
0xd6: {  	[sflag:s11] =	ssyncadd.s32 $0xFFFFFF80  }
0xd7: {  	_ =	swait.ge [sflag:s11], $0x80  }
0xd8: {  	[sflag:s11] =	ssyncset.done $0x0  }
0xd9: {  	[sflag:s11] =	ssyncadd.s32 $0xFFFFFF80  }
0xda: {  	_ =	swait.ge [sflag:s11], $0x80  }
0xdb: {  	[sflag:s11] =	ssyncset.done $0x0  }
0xdc: {  	[sflag:s11] =	ssyncadd.s32 $0xFFFFFF80  }
0xdd: {  	_ =	swait.ge [sflag:s11], $0x80  }
0xde: {  	[sflag:s11] =	ssyncset.done $0x0  }
0xdf: {  	[sflag:s11] =	ssyncadd.s32 $0xFFFFFF80  }
0xe0: {  	_ =	swait.ge [sflag:s11], $0x80  }
0xe1: {  	[sflag:s11] =	ssyncset.done $0x0  }
0xe2: {  	[sflag:s11] =	ssyncadd.s32 $0xFFFFFF80  }
0xe3: {  	_ =	swait.ge [sflag:s11], $0x80  }
0xe4: {  	[sflag:s11] =	ssyncset.done $0x0  }
0xe5: {  	[sflag:s11] =	ssyncadd.s32 $0xFFFFFF80  }
0xe6: {  	_ =	swait.ge [sflag:s11], $0x80  }
0xe7: {  	[sflag:s11] =	ssyncset.done $0x0  }
0xe8: {  	[sflag:s11] =	ssyncadd.s32 $0xFFFFFF80  }
0xe9: {  	_ =	swait.ge [sflag:s11], $0x80  }
0xea: {  	[sflag:s11] =	ssyncset.done $0x0  }
0xeb: {  	[sflag:s11] =	ssyncadd.s32 $0xFFFFFF80  }
0xec: {  	_ =	swait.ge [sflag:s11], $0x80  }
0xed: {  	[sflag:s11] =	ssyncset.done $0x0  }
0xee: {  	[sflag:s11] =	ssyncadd.s32 $0xFFFFFF80  }
0xef: {  	_ =	swait.ge [sflag:s11], $0x80  }
0xf0: {  	[sflag:s11] =	ssyncset.done $0x0  }
0xf1: {  	[sflag:s11] =	ssyncadd.s32 $0xFFFFFF80  }
0xf2: {  	_ =	swait.ge [sflag:s11], $0x80  }
0xf3: {  	[sflag:s11] =	ssyncset.done $0x0  }
0xf4: {  	[sflag:s11] =	ssyncadd.s32 $0xFFFFFF80  }
0xf5: {  	_ =	swait.ge [sflag:s11], $0x80  }
0xf6: {  	[sflag:s11] =	ssyncset.done $0x0  }
0xf7: {  	[sflag:s11] =	ssyncadd.s32 $0xFFFFFF80  }
0xf8: {  	_ =	swait.ge [sflag:s11], $0x80  }
0xf9: {  	[sflag:s11] =	ssyncset.done $0x0  }
0xfa: {  	[sflag:s11] =	ssyncadd.s32 $0xFFFFFF80  }
0xfb: {  	s14 =	sadd.s32 $0x1, s14;
	_ =	swait.ge [sflag:s11], $0x80  }
0xfc: {  	p0 =	sne.s32 s14, s6;
	[sflag:s11] =	ssyncset.done $0x0  }
.Ltmp1:
0xfd: {  	[sflag:s11] =	ssyncadd.s32 $0xFFFFFF80;
	(pc) =	sbr.rel @p0 .LBB2_1-.Ltmp1, $4  }
0xfe: {  	[hbm4b:s5+s13] =	stream.strided.scatter [tilespmem:s13], [sflag:$0x2], $0x4000, s12, s13, $0x38;
	[tilespmem:$0x4200] =	vst v63  }
0xff: {  	_ =	swait.ge [sflag:s7], $0x4000  }
0x100: {  	[sflag:s7] =	ssyncset.done $0x0  }
0x101: {  	[sflag:s7] =	ssyncadd.s32 $0xFFFFC000  }
0x102: {  	_ =	sfence.sel $0x180000  }
0x103: {  	[bflag:$0x0] =	sbarrier.arrive $0xFFFF  }
0x104: {  	p0 =	sne.s32 s1, $0x0;
	_ =	strace $0x90000047  }
0x105: {  	s0 =	sadd.s32 @!p0 $0x100000, s0;
	[bflag:$0x2] =	sbarrier.arrive $0xFFFF  }
0x106: {  	[sflag:s0] =	ssyncadd.tile.s32 @!p0 $0x1;
	_ =	shalt  }
.Lfunc_end2:
_tile_overlayer_lowered:
.L_overlay_start_2:
0x107: {  	(tag) =	ssettag $0x2  }
0x108: {  	s0 =	rddreg [dreg:$0x0];
	s2 =	stileid.u32  }
0x109: {  	s1 =	rddreg [dreg:$0x1];
	p0 =	sne.s32 s2, $0x0  }
0x10a: {  	s3 =	rddreg [dreg:$0x2];
	[bflag:$0x3] =	sbarrier.arrive $0xFFFF;
	s2 =	simm.s32 @!p0 $0x1C02  }
0x10b: {  	[timem:s3], [sflag:s2] =	dma.local @!p0 [hbm:s0], s1  }
0x10c: {  	s0 =	simm.s32 @!p0 $0x2  }
0x10d: {  	_ =	swait.ge @!p0 [sflag:s0], s1  }
0x10e: {  	s1 =	ssub.s32 @!p0 $0x0, s1;
	[sflag:s0] =	ssyncset.done @!p0 $0x0  }
0x10f: {  	[sflag:s0] =	ssyncadd.s32 @!p0 s1  }
0x110: {  	[bflag:$0x3] =	sbarrier.arrive $0xFFFF  }
0x111: {  	_ =	shalt  }

</sc_bundles>
